<compile_context>
chip_gen: v7x
topology: tpu7x:2x2x1
jax: 0.10.2.dev20260603
libtpu: 0.0.44.dev20260713+nightly
codegen_flags: <defaults>
</compile_context>

<pallas_src>
import functools

import jax
import jax.numpy as jnp
from jax import lax
from jax.experimental import pallas as pl
from jax.experimental.pallas import tpu as pltpu
from jax.experimental.pallas import tpu_sc as plsc

_B, _N, _K, _L, _H, _W = 4, 32, 17, 4, 256, 256
_HW = _H * _W
_I = _B * _N
_G = _I // 16
_GPB = _N // 16
_EPG = _K * _L * 16
_NCH = 9
_LOSS_WEIGHT = 1.0
_PUSH_FACTOR = 0.5
_EPS = 1e-6


def _sc_body(tags_hbm, kpi_hbm, out_hbm,
             kpi_loc, idx_loc, kt_loc, m_loc, stats_loc, other_loc,
             pacc_buf, all_loc, out_v, shared_all, sem):
    g = lax.axis_index("s")
    zf = jnp.zeros((16,), jnp.float32)
    zi = jnp.zeros((16,), jnp.int32)
    lane = lax.iota(jnp.int32, 16)

    @pl.when(g < _G)
    def _():
        pltpu.sync_copy(kpi_hbm.at[pl.ds(g * (_K * 2 * 16), _K * 2 * 16)],
                        kpi_loc)
        b = g // _GPB

        for c in range(4):
            idx_loc[_NCH - 1, pl.ds(64 + 16 * c, 16)] = zi

        for k in [_K - 1] + list(range(_K - 1)):
            base = lane * (_K * 2) + 2 * k
            idxv = plsc.load_gather(kpi_loc, [base])
            mv = plsc.load_gather(kpi_loc, [base + 1])
            m_loc[k, :] = jnp.where(mv != 0, jnp.float32(1.0),
                                    jnp.float32(0.0))
            pv = (((idxv >> 11) << 11)
                  + (((idxv >> 7) & 1) << 10)
                  + (((idxv >> 8) & 7) << 7)
                  + (idxv & 127))
            coff = (b * _L) * _K * _HW + k * _HW
            for l in range(_L):
                e = 4 * k + l
                idx_loc[e >> 3, pl.ds((e & 7) * 16, 16)] = \
                    pv + (coff + l * _K * _HW)
            if k == _K - 1:
                c = _NCH - 1
                pltpu.make_async_copy(
                    tags_hbm.at[idx_loc.at[c]], kt_loc.at[c], sem).start()
            elif k % 2 == 1:
                c = (4 * k + 3) // 8
                pltpu.make_async_copy(
                    tags_hbm.at[idx_loc.at[c]], kt_loc.at[c], sem).start()
        for c in range(_NCH):
            pltpu.make_async_copy(
                tags_hbm.at[idx_loc.at[c]], kt_loc.at[c], sem).wait()

        def _kt(k, l):
            e = 4 * k + l
            return kt_loc[e >> 3, pl.ds((e & 7) * 16, 16)]

        def _sums(k, carry):
            cnt, t0, t1, t2, t3 = carry
            mv = m_loc[k, :]
            return (cnt + mv,
                    t0 + mv * _kt(k, 0), t1 + mv * _kt(k, 1),
                    t2 + mv * _kt(k, 2), t3 + mv * _kt(k, 3))

        cnt, t0, t1, t2, t3 = lax.fori_loop(
            0, _K, _sums, (zf, zf, zf, zf, zf))
        safe = jnp.maximum(cnt, 1.0)
        tg = [t0 / safe, t1 / safe, t2 / safe, t3 / safe]
        valid = jnp.where(cnt > 0.0, jnp.float32(1.0), jnp.float32(0.0))

        def _pull(k, acc):
            mv = m_loc[k, :]
            s = zf
            for l in range(_L):
                d = _kt(k, l) - tg[l]
                s = s + d * d
            return acc + mv * s

        for l in range(_L):
            stats_loc[pl.ds(16 * l, 16)] = tg[l]
        stats_loc[pl.ds(16 * _L, 16)] = valid
        stage = pltpu.make_async_copy(stats_loc, shared_all.at[g], sem)
        stage.start()
        psum = lax.fori_loop(0, _K, _pull, zf)
        pacc_buf[pl.ds(16, 16)] = valid * psum / (safe * jnp.float32(_L))
        stage.wait()

    plsc.subcore_barrier()

    @pl.when(g < _G)
    def _():
        pltpu.sync_copy(shared_all.at[g ^ 1], other_loc)
        v_own = stats_loc[pl.ds(16 * _L, 16)]
        v_oth = other_loc[pl.ds(16 * _L, 16)]
        t_own = [stats_loc[pl.ds(16 * l, 16)] for l in range(_L)]
        t_oth = [other_loc[pl.ds(16 * l, 16)] for l in range(_L)]

        def _push(i, acc):
            iv = zi + i
            vi = plsc.load_gather(stats_loc, [iv + 16 * _L])
            e_own = zf
            e_oth = zf
            for l in range(_L):
                ti = plsc.load_gather(stats_loc, [iv + 16 * l])
                d0 = t_own[l] - ti
                d1 = t_oth[l] - ti
                e_own = e_own + jnp.exp(-(d0 * d0))
                e_oth = e_oth + jnp.exp(-(d1 * d1))
            return acc + vi * (v_own * e_own + v_oth * e_oth)

        pacc_buf[pl.ds(0, 16)] = lax.fori_loop(0, 16, _push, zf)
        pltpu.sync_copy(pacc_buf, shared_all.at[g + _G])

    plsc.subcore_barrier()

    @pl.when(g == 0)
    def _():
        pltpu.sync_copy(shared_all, all_loc)
        total_pull = zf
        total_push = zf
        for b in range(_B):
            g0, g1 = _GPB * b, _GPB * b + 1
            va = all_loc[g0, pl.ds(16 * _L, 16)]
            vb = all_loc[g1, pl.ds(16 * _L, 16)]
            nn = zf + (jnp.sum(va) + jnp.sum(vb))
            pull_img = (zf + (jnp.sum(all_loc[_G + g0, pl.ds(16, 16)])
                              + jnp.sum(all_loc[_G + g1, pl.ds(16, 16)]))) \
                / (nn + jnp.float32(_EPS))
            push_sum = zf + (jnp.sum(all_loc[_G + g0, pl.ds(0, 16)])
                             + jnp.sum(all_loc[_G + g1, pl.ds(0, 16)]))
            push_img = jnp.where(
                nn > 1.0,
                push_sum / ((nn - 1.0) * nn + jnp.float32(_EPS)),
                zf)
            total_pull = total_pull + pull_img
            total_push = total_push + push_img
        out_v[...] = (jnp.where(lane == 0, total_pull, zf)
                      + jnp.where(lane == 1, total_push, zf))
        pltpu.sync_copy(out_v, out_hbm)


@functools.partial(
    pl.kernel,
    out_type=jax.ShapeDtypeStruct((16,), jnp.float32),
    mesh=plsc.VectorSubcoreMesh(core_axis_name="c", subcore_axis_name="s",
                                num_cores=1),
    compiler_params=pltpu.CompilerParams(needs_layout_passes=False),
    scratch_types=[
        pltpu.VMEM((_K * 2 * 16,), jnp.int32),
        pltpu.VMEM((_NCH, 128), jnp.int32),
        pltpu.VMEM((_NCH, 128), jnp.float32),
        pltpu.VMEM((_K, 16), jnp.float32),
        pltpu.VMEM((128,), jnp.float32),
        pltpu.VMEM((128,), jnp.float32),
        pltpu.VMEM((128,), jnp.float32),
        pltpu.VMEM((2 * _G, 128), jnp.float32),
        pltpu.VMEM((16,), jnp.float32),
        pltpu.VMEM_SHARED((2 * _G, 128), jnp.float32),
        pltpu.SemaphoreType.DMA,
    ],
)
def _ae_loss_sc(tags_hbm, kpi_hbm, out_hbm, *scratch):
    _sc_body(tags_hbm, kpi_hbm, out_hbm, *scratch)


@jax.jit
def kernel(tags, keypoint_indices):
    tags_flat = (tags
                 .reshape(_B, _L * _K, _H // 8, 8, _W // 128, 128)
                 .transpose(0, 1, 2, 4, 3, 5)
                 .reshape(-1))
    kpi_flat = keypoint_indices.astype(jnp.int32).reshape(-1)
    out = _ae_loss_sc(tags_flat, kpi_flat)
    pull_loss = out[0] * jnp.float32(_LOSS_WEIGHT)
    push_loss = out[1] * jnp.float32(_LOSS_WEIGHT * _PUSH_FACTOR)
    return (pull_loss, push_loss)

# --- scband reference (transcript-rebuilt; emitter-appended) ---
"""Pipeline reference for scband-associative-embedding-loss-78812649882012 (READ-ONLY COPY).

The authoritative reference and input builder live on the scoring server;
editing this copy changes nothing except your own understanding.
"""

import jax, jax.numpy as jnp
import numpy as np

B, N, K, L, H, W = 4, 32, 17, 4, 256, 256
LOSS_WEIGHT = 1.0
PUSH_FACTOR = 0.5


def setup_inputs(seed: int = 0) -> dict:
    key = jax.random.key(seed)
    k1, k2 = jax.random.split(key)
    tags = jax.random.normal(k1, (B, L * K, H, W), dtype=jnp.float32)
    keypoint_indices = jax.random.randint(k2, (B, N, K, 2), 0, H * W)
    return {"tags": tags, "keypoint_indices": keypoint_indices}


def _ae_loss_per_image(tags_i, kpt_idx):
    # tags_i: (K*L, H, W); kpt_idx: traced (N, K, 2)
    Kk = kpt_idx.shape[1]
    C, Hh, Ww = tags_i.shape
    Ll = C // Kk
    t = tags_i.reshape(Ll, Kk, Hh * Ww)
    tt = jnp.transpose(t, (1, 2, 0))  # (K, H*W, L)
    idx = kpt_idx[:, :, 0]  # (N, K)
    kpt_tags = tt[jnp.arange(Kk)[None, :], idx, :]  # (N, K, L)
    m = (kpt_idx[:, :, 1] != 0).astype(tags_i.dtype)  # (N, K)
    cnt = m.sum(axis=1)  # (N,)
    inst_valid = (cnt > 0).astype(tags_i.dtype)  # (N,)
    safe_cnt = jnp.maximum(cnt, 1.0)
    tag = (m[:, :, None] * kpt_tags).sum(axis=1) / safe_cnt[:, None]  # (N, L)
    sq = (kpt_tags - tag[:, None, :]) ** 2  # (N, K, L)
    pull_n = (m[:, :, None] * sq).sum(axis=(1, 2)) / (safe_cnt * Ll)
    pull_loss = jnp.sum(inst_valid * pull_n)
    Nn = inst_valid.sum()
    diff = tag[None, :, :] - tag[:, None, :]
    pair_m = inst_valid[None, :] * inst_valid[:, None]
    push_sum = jnp.sum(pair_m[:, :, None] * jnp.exp(-(diff ** 2)))
    eps = 1e-06
    pull_loss = pull_loss / (Nn + eps)
    push_loss = jnp.where(Nn > 1, push_sum / ((Nn - 1) * Nn + eps), jnp.zeros(()))
    return pull_loss, push_loss


def reference(tags, keypoint_indices):
    pull_loss = 0.0
    push_loss = 0.0
    for i in range(tags.shape[0]):
        _pull, _push = _ae_loss_per_image(tags[i], keypoint_indices[i])
        pull_loss = pull_loss + _pull * LOSS_WEIGHT
        push_loss = push_loss + _push * LOSS_WEIGHT * PUSH_FACTOR
    return (pull_loss, push_loss)

if __name__ == "__main__":
    import jax
    _d = setup_inputs()
    print(jax.jit(kernel)(*tuple(_d.values())))

</pallas_src>

<mosaic_0001>
#map = affine_map<(d0, d1) -> (0)>
module attributes {stable_mosaic.version = 14 : i64} {
  func.func @_ae_loss_sc(%arg0: i32, %arg1: i32, %arg2: memref<17825792xf32, #tpu.memory_space<hbm>>, %arg3: memref<4352xi32, #tpu.memory_space<hbm>>, %arg4: memref<16xf32, #tpu.memory_space<hbm>>, %arg5: memref<544xi32, #tpu.memory_space<vmem>>, %arg6: memref<9x128xi32, #tpu.memory_space<vmem>>, %arg7: memref<9x128xf32, #tpu.memory_space<vmem>>, %arg8: memref<17x16xf32, #tpu.memory_space<vmem>>, %arg9: memref<128xf32, #tpu.memory_space<vmem>>, %arg10: memref<128xf32, #tpu.memory_space<vmem>>, %arg11: memref<128xf32, #tpu.memory_space<vmem>>, %arg12: memref<16x128xf32, #tpu.memory_space<vmem>>, %arg13: memref<16xf32, #tpu.memory_space<vmem>>, %arg14: memref<16x128xf32, #tpu.memory_space<vmem_shared>>, %arg15: memref<!tpu.dma_semaphore, #tpu.memory_space<semaphore_mem>>) attributes {dimension_semantics = [#tpu.dimension_semantics<core_parallel>, #tpu.dimension_semantics<subcore_parallel>], iteration_bounds = array<i64: 1, 16>, scalar_prefetch = 0 : i64, scratch_operands = 11 : i64, tpu.core_type = #tpu.core_type<sc_vector_subcore>, window_params = [{transform_indices = #map}, {transform_indices = #map}, {transform_indices = #map}]} {
    %broadcast_in_dim3A = arith.constant 0.000000e+00 : f32
    %broadcast_in_dim3A_0 = vector.broadcast %broadcast_in_dim3A : f32 to vector<16xf32>
    %broadcast_in_dim3A_1 = arith.constant 0 : i32
    %broadcast_in_dim3A_2 = vector.broadcast %broadcast_in_dim3A_1 : i32 to vector<16xi32>
    %iota3A = tpu.iota {dimensions = array<i32: 0>} : vector<16xi32>
    %lt3A = arith.constant 8 : i32
    %lt3A_3 = arith.cmpi slt, %arg1, %lt3A : i32
    %convert_element_type3A = arith.extui %lt3A_3 : i1 to i32
    %cond3A = arith.constant 0 : i32
    %cond3A_4 = arith.cmpi ne, %convert_element_type3A, %cond3A : i32
    scf.if %cond3A_4 {
      %mul3A = arith.constant 544 : i32
      %mul3A_15 = arith.muli %arg1, %mul3A : i32
      "tpu.region"() ({
        %run_scoped3A = tpu.sem_alloc : memref<!tpu.dma_semaphore, #tpu.memory_space<semaphore_mem>>
        %dma_start3A_1855 = tpu.memref_slice %arg3[%mul3A_15] : memref<4352xi32, #tpu.memory_space<hbm>> -> memref<544xi32, #tpu.memory_space<hbm>>
        %dma_start3A_1856 = tpu.memref_slice %arg3[%mul3A_15] : memref<4352xi32, #tpu.memory_space<hbm>> -> memref<544xi32, #tpu.memory_space<hbm>>
        tpu.enqueue_dma source(%dma_start3A_1856 : memref<544xi32, #tpu.memory_space<hbm>>) target(%arg5 : memref<544xi32, #tpu.memory_space<vmem>>) target_semaphore(%run_scoped3A : memref<!tpu.dma_semaphore, #tpu.memory_space<semaphore_mem>>)
        %dma_wait3A_1857 = tpu.memref_slice %arg3[%mul3A_15] : memref<4352xi32, #tpu.memory_space<hbm>> -> memref<544xi32, #tpu.memory_space<hbm>>
        %dma_wait3A_1858 = tpu.memref_slice %arg3[%mul3A_15] : memref<4352xi32, #tpu.memory_space<hbm>> -> memref<544xi32, #tpu.memory_space<hbm>>
        tpu.wait_dma2 semaphore(%run_scoped3A : memref<!tpu.dma_semaphore, #tpu.memory_space<semaphore_mem>>) src(%dma_wait3A_1858 : memref<544xi32, #tpu.memory_space<hbm>>) dst(%arg5 : memref<544xi32, #tpu.memory_space<vmem>>)
        tpu.yield
      }) : () -> ()
      %jit3A = arith.constant 2 : i32
      %div3A = arith.divsi %arg1, %jit3A : i32
      %sign3A = arith.constant 0 : i32
      %sign3A_16 = arith.cmpi sgt, %arg1, %sign3A : i32
      %sign3A_17 = arith.extui %sign3A_16 : i1 to i32
      %sign3A_18 = arith.constant 0 : i32
      %sign3A_19 = arith.cmpi slt, %arg1, %sign3A_18 : i32
      %sign3A_20 = arith.extui %sign3A_19 : i1 to i32
      %sign3A_21 = arith.subi %sign3A_17, %sign3A_20 : i32
      %sign3A_22 = arith.constant 0 : i32
      %sign3A_23 = arith.cmpi sgt, %jit3A, %sign3A_22 : i32
      %sign3A_24 = arith.extui %sign3A_23 : i1 to i32
      %sign3A_25 = arith.constant 0 : i32
      %sign3A_26 = arith.cmpi slt, %jit3A, %sign3A_25 : i32
      %sign3A_27 = arith.extui %sign3A_26 : i1 to i32
      %sign3A_28 = arith.subi %sign3A_24, %sign3A_27 : i32
      %ne3A = arith.cmpi ne, %sign3A_21, %sign3A_28 : i32
      %rem3A = arith.remsi %arg1, %jit3A : i32
      %ne3A_29 = arith.constant 0 : i32
      %ne3A_30 = arith.cmpi ne, %rem3A, %ne3A_29 : i32
      %and3A = arith.andi %ne3A, %ne3A_30 : i1
      %sub3A = arith.constant 1 : i32
      %sub3A_31 = arith.subi %div3A, %sub3A : i32
      %select_n3A = arith.select %and3A, %sub3A_31, %div3A : i32
      %swap3A = arith.constant 8 : i32
      %swap3A_32 = arith.index_cast %swap3A : i32 to index
      %swap3A_33 = arith.constant 64 : index
      %swap3A_34 = tpu.vector_load %arg6[%swap3A_32, %swap3A_33] {strides = array<i32>} : memref<9x128xi32, #tpu.memory_space<vmem>>, vector<16xi32>,
      tpu.vector_store %arg6[%swap3A_32, %swap3A_33], %broadcast_in_dim3A_2 {strides = array<i32>} : memref<9x128xi32, #tpu.memory_space<vmem>>, vector<16xi32>,
      %swap3A_35 = arith.constant 8 : i32
      %swap3A_36 = arith.index_cast %swap3A_35 : i32 to index
      %swap3A_37 = arith.constant 80 : index
      %swap3A_38 = tpu.vector_load %arg6[%swap3A_36, %swap3A_37] {strides = array<i32>} : memref<9x128xi32, #tpu.memory_space<vmem>>, vector<16xi32>,
      tpu.vector_store %arg6[%swap3A_36, %swap3A_37], %broadcast_in_dim3A_2 {strides = array<i32>} : memref<9x128xi32, #tpu.memory_space<vmem>>, vector<16xi32>,
      %swap3A_39 = arith.constant 8 : i32
      %swap3A_40 = arith.index_cast %swap3A_39 : i32 to index
      %swap3A_41 = arith.constant 96 : index
      %swap3A_42 = tpu.vector_load %arg6[%swap3A_40, %swap3A_41] {strides = array<i32>} : memref<9x128xi32, #tpu.memory_space<vmem>>, vector<16xi32>,
      tpu.vector_store %arg6[%swap3A_40, %swap3A_41], %broadcast_in_dim3A_2 {strides = array<i32>} : memref<9x128xi32, #tpu.memory_space<vmem>>, vector<16xi32>,
      %swap3A_43 = arith.constant 8 : i32
      %swap3A_44 = arith.index_cast %swap3A_43 : i32 to index
      %swap3A_45 = arith.constant 112 : index
      %swap3A_46 = tpu.vector_load %arg6[%swap3A_44, %swap3A_45] {strides = array<i32>} : memref<9x128xi32, #tpu.memory_space<vmem>>, vector<16xi32>,
      tpu.vector_store %arg6[%swap3A_44, %swap3A_45], %broadcast_in_dim3A_2 {strides = array<i32>} : memref<9x128xi32, #tpu.memory_space<vmem>>, vector<16xi32>,
      %mul3A_47 = arith.constant 34 : i32
      %mul3A_48 = vector.broadcast %mul3A_47 : i32 to vector<16xi32>
      %mul3A_49 = arith.muli %iota3A, %mul3A_48 : vector<16xi32>
      %add3A = arith.constant 32 : i32
      %add3A_50 = vector.broadcast %add3A : i32 to vector<16xi32>
      %add3A_51 = arith.addi %mul3A_49, %add3A_50 : vector<16xi32>
      %gather3A = tpu.vector_load_idx %arg5[%add3A_51] : memref<544xi32, #tpu.memory_space<vmem>>[vector<16xi32>], vector<16xi32>,
      %add3A_52 = arith.constant 1 : i32
      %add3A_53 = vector.broadcast %add3A_52 : i32 to vector<16xi32>
      %add3A_54 = arith.addi %add3A_51, %add3A_53 : vector<16xi32>
      %gather3A_55 = tpu.vector_load_idx %arg5[%add3A_54] : memref<544xi32, #tpu.memory_space<vmem>>[vector<16xi32>], vector<16xi32>,
      %ne3A_56 = arith.constant 0 : i32
      %ne3A_57 = vector.broadcast %ne3A_56 : i32 to vector<16xi32>
      %ne3A_58 = arith.cmpi ne, %gather3A_55, %ne3A_57 : vector<16xi32>
      %jit3A_59 = arith.constant 1.000000e+00 : f32
      %jit3A_60 = arith.constant 0.000000e+00 : f32
      %broadcast_in_dim3A_61 = vector.broadcast %jit3A_59 : f32 to vector<16xf32>
      %broadcast_in_dim3A_62 = vector.broadcast %jit3A_60 : f32 to vector<16xf32>
      %select_n3A_63 = arith.select %ne3A_58, %broadcast_in_dim3A_61, %broadcast_in_dim3A_62 : vector<16xi1>, vector<16xf32>
      %swap3A_64 = arith.constant 16 : i32
      %swap3A_65 = arith.index_cast %swap3A_64 : i32 to index
      %swap3A_66 = arith.constant 0 : index
      %swap3A_67 = tpu.vector_load %arg8[%swap3A_65, %swap3A_66] {strides = array<i32>} : memref<17x16xf32, #tpu.memory_space<vmem>>, vector<16xf32>,
      tpu.vector_store %arg8[%swap3A_65, %swap3A_66], %select_n3A_63 {strides = array<i32>} : memref<17x16xf32, #tpu.memory_space<vmem>>, vector<16xf32>,
      %shift_right_arithmetic3A = arith.constant 11 : i32
      %shift_right_arithmetic3A_68 = vector.broadcast %shift_right_arithmetic3A : i32 to vector<16xi32>
      %shift_right_arithmetic3A_69 = arith.shrsi %gather3A, %shift_right_arithmetic3A_68 : vector<16xi32>
      %shift_left3A = arith.constant 11 : i32
      %shift_left3A_70 = vector.broadcast %shift_left3A : i32 to vector<16xi32>
      %shift_left3A_71 = arith.shli %shift_right_arithmetic3A_69, %shift_left3A_70 : vector<16xi32>
      %shift_right_arithmetic3A_72 = arith.constant 7 : i32
      %shift_right_arithmetic3A_73 = vector.broadcast %shift_right_arithmetic3A_72 : i32 to vector<16xi32>
      %shift_right_arithmetic3A_74 = arith.shrsi %gather3A, %shift_right_arithmetic3A_73 : vector<16xi32>
      %and3A_75 = arith.constant 1 : i32
      %and3A_76 = vector.broadcast %and3A_75 : i32 to vector<16xi32>
      %and3A_77 = arith.andi %shift_right_arithmetic3A_74, %and3A_76 : vector<16xi32>
      %shift_left3A_78 = arith.constant 10 : i32
      %shift_left3A_79 = vector.broadcast %shift_left3A_78 : i32 to vector<16xi32>
      %shift_left3A_80 = arith.shli %and3A_77, %shift_left3A_79 : vector<16xi32>
      %add3A_81 = arith.addi %shift_left3A_71, %shift_left3A_80 : vector<16xi32>
      %shift_right_arithmetic3A_82 = arith.constant 8 : i32
      %shift_right_arithmetic3A_83 = vector.broadcast %shift_right_arithmetic3A_82 : i32 to vector<16xi32>
      %shift_right_arithmetic3A_84 = arith.shrsi %gather3A, %shift_right_arithmetic3A_83 : vector<16xi32>
      %and3A_85 = arith.constant 7 : i32
      %and3A_86 = vector.broadcast %and3A_85 : i32 to vector<16xi32>
      %and3A_87 = arith.andi %shift_right_arithmetic3A_84, %and3A_86 : vector<16xi32>
      %shift_left3A_88 = arith.constant 7 : i32
      %shift_left3A_89 = vector.broadcast %shift_left3A_88 : i32 to vector<16xi32>
      %shift_left3A_90 = arith.shli %and3A_87, %shift_left3A_89 : vector<16xi32>
      %add3A_91 = arith.addi %add3A_81, %shift_left3A_90 : vector<16xi32>
      %and3A_92 = arith.constant 127 : i32
      %and3A_93 = vector.broadcast %and3A_92 : i32 to vector<16xi32>
      %and3A_94 = arith.andi %gather3A, %and3A_93 : vector<16xi32>
      %add3A_95 = arith.addi %add3A_91, %and3A_94 : vector<16xi32>
      %mul3A_96 = arith.constant 4 : i32
      %mul3A_97 = arith.muli %select_n3A, %mul3A_96 : i32
      %mul3A_98 = arith.constant 17 : i32
      %mul3A_99 = arith.muli %mul3A_97, %mul3A_98 : i32
      %mul3A_100 = arith.constant 65536 : i32
      %mul3A_101 = arith.muli %mul3A_99, %mul3A_100 : i32
      %add3A_102 = arith.constant 1048576 : i32
      %add3A_103 = arith.addi %mul3A_101, %add3A_102 : i32
      %add3A_104 = arith.constant 0 : i32
      %add3A_105 = arith.addi %add3A_103, %add3A_104 : i32
      %add3A_106 = vector.broadcast %add3A_105 : i32 to vector<16xi32>
      %add3A_107 = arith.addi %add3A_95, %add3A_106 : vector<16xi32>
      %swap3A_108 = arith.constant 8 : i32
      %swap3A_109 = arith.index_cast %swap3A_108 : i32 to index
      %swap3A_110 = arith.constant 0 : index
      %swap3A_111 = tpu.vector_load %arg6[%swap3A_109, %swap3A_110] {strides = array<i32>} : memref<9x128xi32, #tpu.memory_space<vmem>>, vector<16xi32>,
      tpu.vector_store %arg6[%swap3A_109, %swap3A_110], %add3A_107 {strides = array<i32>} : memref<9x128xi32, #tpu.memory_space<vmem>>, vector<16xi32>,
      %add3A_112 = arith.constant 1114112 : i32
      %add3A_113 = arith.addi %add3A_103, %add3A_112 : i32
      %add3A_114 = vector.broadcast %add3A_113 : i32 to vector<16xi32>
      %add3A_115 = arith.addi %add3A_95, %add3A_114 : vector<16xi32>
      %swap3A_116 = arith.constant 8 : i32
      %swap3A_117 = arith.index_cast %swap3A_116 : i32 to index
      %swap3A_118 = arith.constant 16 : index
      %swap3A_119 = tpu.vector_load %arg6[%swap3A_117, %swap3A_118] {strides = array<i32>} : memref<9x128xi32, #tpu.memory_space<vmem>>, vector<16xi32>,
      tpu.vector_store %arg6[%swap3A_117, %swap3A_118], %add3A_115 {strides = array<i32>} : memref<9x128xi32, #tpu.memory_space<vmem>>, vector<16xi32>,
      %add3A_120 = arith.constant 2228224 : i32
      %add3A_121 = arith.addi %add3A_103, %add3A_120 : i32
      %add3A_122 = vector.broadcast %add3A_121 : i32 to vector<16xi32>
      %add3A_123 = arith.addi %add3A_95, %add3A_122 : vector<16xi32>
      %swap3A_124 = arith.constant 8 : i32
      %swap3A_125 = arith.index_cast %swap3A_124 : i32 to index
      %swap3A_126 = arith.constant 32 : index
      %swap3A_127 = tpu.vector_load %arg6[%swap3A_125, %swap3A_126] {strides = array<i32>} : memref<9x128xi32, #tpu.memory_space<vmem>>, vector<16xi32>,
      tpu.vector_store %arg6[%swap3A_125, %swap3A_126], %add3A_123 {strides = array<i32>} : memref<9x128xi32, #tpu.memory_space<vmem>>, vector<16xi32>,
      %add3A_128 = arith.constant 3342336 : i32
      %add3A_129 = arith.addi %add3A_103, %add3A_128 : i32
      %add3A_130 = vector.broadcast %add3A_129 : i32 to vector<16xi32>
      %add3A_131 = arith.addi %add3A_95, %add3A_130 : vector<16xi32>
      %swap3A_132 = arith.constant 8 : i32
      %swap3A_133 = arith.index_cast %swap3A_132 : i32 to index
      %swap3A_134 = arith.constant 48 : index
      %swap3A_135 = tpu.vector_load %arg6[%swap3A_133, %swap3A_134] {strides = array<i32>} : memref<9x128xi32, #tpu.memory_space<vmem>>, vector<16xi32>,
      tpu.vector_store %arg6[%swap3A_133, %swap3A_134], %add3A_131 {strides = array<i32>} : memref<9x128xi32, #tpu.memory_space<vmem>>, vector<16xi32>,
      %dma_start3A = arith.constant 8 : i32
      %dma_start3A_136 = arith.constant 8 : i32
      %dma_start3A_137 = arith.constant 0 : i32
      %dma_start3A_138 = tpu.memref_slice %arg7[%dma_start3A_136, %dma_start3A_137] : memref<9x128xf32, #tpu.memory_space<vmem>> -> memref<1x128xf32, #tpu.memory_space<vmem>>
      %dma_start3A_139 = tpu.memref_squeeze %dma_start3A_138 : memref<1x128xf32, #tpu.memory_space<vmem>> -> memref<128xf32, #tpu.memory_space<vmem>>
      %dma_start3A_140 = arith.constant 0 : i32
      %dma_start3A_141 = tpu.memref_slice %arg6[%dma_start3A, %dma_start3A_140] : memref<9x128xi32, #tpu.memory_space<vmem>> -> memref<1x128xi32, #tpu.memory_space<vmem>>
      %dma_start3A_142 = tpu.memref_squeeze %dma_start3A_141 : memref<1x128xi32, #tpu.memory_space<vmem>> -> memref<128xi32, #tpu.memory_space<vmem>>
      %dma_start3A_143 = arith.constant 0 : i32
      %dma_start3A_144 = tpu.memref_slice %arg2[%dma_start3A_143] : memref<17825792xf32, #tpu.memory_space<hbm>> -> memref<17825792xf32, #tpu.memory_space<hbm>>
      tpu.enqueue_indirect_dma source(%dma_start3A_144 : memref<17825792xf32, #tpu.memory_space<hbm>>) target(%dma_start3A_139 : memref<128xf32, #tpu.memory_space<vmem>>) offsets(%dma_start3A_142 : memref<128xi32, #tpu.memory_space<vmem>>) semaphore(%arg15 : memref<!tpu.dma_semaphore, #tpu.memory_space<semaphore_mem>>)
      %mul3A_145 = arith.constant 34 : i32
      %mul3A_146 = vector.broadcast %mul3A_145 : i32 to vector<16xi32>
      %mul3A_147 = arith.muli %iota3A, %mul3A_146 : vector<16xi32>
      %add3A_148 = arith.constant 0 : i32
      %add3A_149 = vector.broadcast %add3A_148 : i32 to vector<16xi32>
      %add3A_150 = arith.addi %mul3A_147, %add3A_149 : vector<16xi32>
      %gather3A_151 = tpu.vector_load_idx %arg5[%add3A_150] : memref<544xi32, #tpu.memory_space<vmem>>[vector<16xi32>], vector<16xi32>,
      %add3A_152 = arith.constant 1 : i32
      %add3A_153 = vector.broadcast %add3A_152 : i32 to vector<16xi32>
      %add3A_154 = arith.addi %add3A_150, %add3A_153 : vector<16xi32>
      %gather3A_155 = tpu.vector_load_idx %arg5[%add3A_154] : memref<544xi32, #tpu.memory_space<vmem>>[vector<16xi32>], vector<16xi32>,
      %ne3A_156 = arith.constant 0 : i32
      %ne3A_157 = vector.broadcast %ne3A_156 : i32 to vector<16xi32>
      %ne3A_158 = arith.cmpi ne, %gather3A_155, %ne3A_157 : vector<16xi32>
      %jit3A_159 = arith.constant 1.000000e+00 : f32
      %jit3A_160 = arith.constant 0.000000e+00 : f32
      %broadcast_in_dim3A_161 = vector.broadcast %jit3A_159 : f32 to vector<16xf32>
      %broadcast_in_dim3A_162 = vector.broadcast %jit3A_160 : f32 to vector<16xf32>
      %select_n3A_163 = arith.select %ne3A_158, %broadcast_in_dim3A_161, %broadcast_in_dim3A_162 : vector<16xi1>, vector<16xf32>
      %swap3A_164 = arith.constant 0 : i32
      %swap3A_165 = arith.index_cast %swap3A_164 : i32 to index
      %swap3A_166 = arith.constant 0 : index
      %swap3A_167 = tpu.vector_load %arg8[%swap3A_165, %swap3A_166] {strides = array<i32>} : memref<17x16xf32, #tpu.memory_space<vmem>>, vector<16xf32>,
      tpu.vector_store %arg8[%swap3A_165, %swap3A_166], %select_n3A_163 {strides = array<i32>} : memref<17x16xf32, #tpu.memory_space<vmem>>, vector<16xf32>,
      %shift_right_arithmetic3A_168 = arith.constant 11 : i32
      %shift_right_arithmetic3A_169 = vector.broadcast %shift_right_arithmetic3A_168 : i32 to vector<16xi32>
      %shift_right_arithmetic3A_170 = arith.shrsi %gather3A_151, %shift_right_arithmetic3A_169 : vector<16xi32>
      %shift_left3A_171 = arith.constant 11 : i32
      %shift_left3A_172 = vector.broadcast %shift_left3A_171 : i32 to vector<16xi32>
      %shift_left3A_173 = arith.shli %shift_right_arithmetic3A_170, %shift_left3A_172 : vector<16xi32>
      %shift_right_arithmetic3A_174 = arith.constant 7 : i32
      %shift_right_arithmetic3A_175 = vector.broadcast %shift_right_arithmetic3A_174 : i32 to vector<16xi32>
      %shift_right_arithmetic3A_176 = arith.shrsi %gather3A_151, %shift_right_arithmetic3A_175 : vector<16xi32>
      %and3A_177 = arith.constant 1 : i32
      %and3A_178 = vector.broadcast %and3A_177 : i32 to vector<16xi32>
      %and3A_179 = arith.andi %shift_right_arithmetic3A_176, %and3A_178 : vector<16xi32>
      %shift_left3A_180 = arith.constant 10 : i32
      %shift_left3A_181 = vector.broadcast %shift_left3A_180 : i32 to vector<16xi32>
      %shift_left3A_182 = arith.shli %and3A_179, %shift_left3A_181 : vector<16xi32>
      %add3A_183 = arith.addi %shift_left3A_173, %shift_left3A_182 : vector<16xi32>
      %shift_right_arithmetic3A_184 = arith.constant 8 : i32
      %shift_right_arithmetic3A_185 = vector.broadcast %shift_right_arithmetic3A_184 : i32 to vector<16xi32>
      %shift_right_arithmetic3A_186 = arith.shrsi %gather3A_151, %shift_right_arithmetic3A_185 : vector<16xi32>
      %and3A_187 = arith.constant 7 : i32
      %and3A_188 = vector.broadcast %and3A_187 : i32 to vector<16xi32>
      %and3A_189 = arith.andi %shift_right_arithmetic3A_186, %and3A_188 : vector<16xi32>
      %shift_left3A_190 = arith.constant 7 : i32
      %shift_left3A_191 = vector.broadcast %shift_left3A_190 : i32 to vector<16xi32>
      %shift_left3A_192 = arith.shli %and3A_189, %shift_left3A_191 : vector<16xi32>
      %add3A_193 = arith.addi %add3A_183, %shift_left3A_192 : vector<16xi32>
      %and3A_194 = arith.constant 127 : i32
      %and3A_195 = vector.broadcast %and3A_194 : i32 to vector<16xi32>
      %and3A_196 = arith.andi %gather3A_151, %and3A_195 : vector<16xi32>
      %add3A_197 = arith.addi %add3A_193, %and3A_196 : vector<16xi32>
      %mul3A_198 = arith.constant 4 : i32
      %mul3A_199 = arith.muli %select_n3A, %mul3A_198 : i32
      %mul3A_200 = arith.constant 17 : i32
      %mul3A_201 = arith.muli %mul3A_199, %mul3A_200 : i32
      %mul3A_202 = arith.constant 65536 : i32
      %mul3A_203 = arith.muli %mul3A_201, %mul3A_202 : i32
      %add3A_204 = arith.constant 0 : i32
      %add3A_205 = arith.addi %mul3A_203, %add3A_204 : i32
      %add3A_206 = arith.constant 0 : i32
      %add3A_207 = arith.addi %add3A_205, %add3A_206 : i32
      %add3A_208 = vector.broadcast %add3A_207 : i32 to vector<16xi32>
      %add3A_209 = arith.addi %add3A_197, %add3A_208 : vector<16xi32>
      %swap3A_210 = arith.constant 0 : i32
      %swap3A_211 = arith.index_cast %swap3A_210 : i32 to index
      %swap3A_212 = arith.constant 0 : index
      %swap3A_213 = tpu.vector_load %arg6[%swap3A_211, %swap3A_212] {strides = array<i32>} : memref<9x128xi32, #tpu.memory_space<vmem>>, vector<16xi32>,
      tpu.vector_store %arg6[%swap3A_211, %swap3A_212], %add3A_209 {strides = array<i32>} : memref<9x128xi32, #tpu.memory_space<vmem>>, vector<16xi32>,
      %add3A_214 = arith.constant 1114112 : i32
      %add3A_215 = arith.addi %add3A_205, %add3A_214 : i32
      %add3A_216 = vector.broadcast %add3A_215 : i32 to vector<16xi32>
      %add3A_217 = arith.addi %add3A_197, %add3A_216 : vector<16xi32>
      %swap3A_218 = arith.constant 0 : i32
      %swap3A_219 = arith.index_cast %swap3A_218 : i32 to index
      %swap3A_220 = arith.constant 16 : index
      %swap3A_221 = tpu.vector_load %arg6[%swap3A_219, %swap3A_220] {strides = array<i32>} : memref<9x128xi32, #tpu.memory_space<vmem>>, vector<16xi32>,
      tpu.vector_store %arg6[%swap3A_219, %swap3A_220], %add3A_217 {strides = array<i32>} : memref<9x128xi32, #tpu.memory_space<vmem>>, vector<16xi32>,
      %add3A_222 = arith.constant 2228224 : i32
      %add3A_223 = arith.addi %add3A_205, %add3A_222 : i32
      %add3A_224 = vector.broadcast %add3A_223 : i32 to vector<16xi32>
      %add3A_225 = arith.addi %add3A_197, %add3A_224 : vector<16xi32>
      %swap3A_226 = arith.constant 0 : i32
      %swap3A_227 = arith.index_cast %swap3A_226 : i32 to index
      %swap3A_228 = arith.constant 32 : index
      %swap3A_229 = tpu.vector_load %arg6[%swap3A_227, %swap3A_228] {strides = array<i32>} : memref<9x128xi32, #tpu.memory_space<vmem>>, vector<16xi32>,
      tpu.vector_store %arg6[%swap3A_227, %swap3A_228], %add3A_225 {strides = array<i32>} : memref<9x128xi32, #tpu.memory_space<vmem>>, vector<16xi32>,
      %add3A_230 = arith.constant 3342336 : i32
      %add3A_231 = arith.addi %add3A_205, %add3A_230 : i32
      %add3A_232 = vector.broadcast %add3A_231 : i32 to vector<16xi32>
      %add3A_233 = arith.addi %add3A_197, %add3A_232 : vector<16xi32>
      %swap3A_234 = arith.constant 0 : i32
      %swap3A_235 = arith.index_cast %swap3A_234 : i32 to index
      %swap3A_236 = arith.constant 48 : index
      %swap3A_237 = tpu.vector_load %arg6[%swap3A_235, %swap3A_236] {strides = array<i32>} : memref<9x128xi32, #tpu.memory_space<vmem>>, vector<16xi32>,
      tpu.vector_store %arg6[%swap3A_235, %swap3A_236], %add3A_233 {strides = array<i32>} : memref<9x128xi32, #tpu.memory_space<vmem>>, vector<16xi32>,
      %mul3A_238 = arith.constant 34 : i32
      %mul3A_239 = vector.broadcast %mul3A_238 : i32 to vector<16xi32>
      %mul3A_240 = arith.muli %iota3A, %mul3A_239 : vector<16xi32>
      %add3A_241 = arith.constant 2 : i32
      %add3A_242 = vector.broadcast %add3A_241 : i32 to vector<16xi32>
      %add3A_243 = arith.addi %mul3A_240, %add3A_242 : vector<16xi32>
      %gather3A_244 = tpu.vector_load_idx %arg5[%add3A_243] : memref<544xi32, #tpu.memory_space<vmem>>[vector<16xi32>], vector<16xi32>,
      %add3A_245 = arith.constant 1 : i32
      %add3A_246 = vector.broadcast %add3A_245 : i32 to vector<16xi32>
      %add3A_247 = arith.addi %add3A_243, %add3A_246 : vector<16xi32>
      %gather3A_248 = tpu.vector_load_idx %arg5[%add3A_247] : memref<544xi32, #tpu.memory_space<vmem>>[vector<16xi32>], vector<16xi32>,
      %ne3A_249 = arith.constant 0 : i32
      %ne3A_250 = vector.broadcast %ne3A_249 : i32 to vector<16xi32>
      %ne3A_251 = arith.cmpi ne, %gather3A_248, %ne3A_250 : vector<16xi32>
      %jit3A_252 = arith.constant 1.000000e+00 : f32
      %jit3A_253 = arith.constant 0.000000e+00 : f32
      %broadcast_in_dim3A_254 = vector.broadcast %jit3A_252 : f32 to vector<16xf32>
      %broadcast_in_dim3A_255 = vector.broadcast %jit3A_253 : f32 to vector<16xf32>
      %select_n3A_256 = arith.select %ne3A_251, %broadcast_in_dim3A_254, %broadcast_in_dim3A_255 : vector<16xi1>, vector<16xf32>
      %swap3A_257 = arith.constant 1 : i32
      %swap3A_258 = arith.index_cast %swap3A_257 : i32 to index
      %swap3A_259 = arith.constant 0 : index
      %swap3A_260 = tpu.vector_load %arg8[%swap3A_258, %swap3A_259] {strides = array<i32>} : memref<17x16xf32, #tpu.memory_space<vmem>>, vector<16xf32>,
      tpu.vector_store %arg8[%swap3A_258, %swap3A_259], %select_n3A_256 {strides = array<i32>} : memref<17x16xf32, #tpu.memory_space<vmem>>, vector<16xf32>,
      %shift_right_arithmetic3A_261 = arith.constant 11 : i32
      %shift_right_arithmetic3A_262 = vector.broadcast %shift_right_arithmetic3A_261 : i32 to vector<16xi32>
      %shift_right_arithmetic3A_263 = arith.shrsi %gather3A_244, %shift_right_arithmetic3A_262 : vector<16xi32>
      %shift_left3A_264 = arith.constant 11 : i32
      %shift_left3A_265 = vector.broadcast %shift_left3A_264 : i32 to vector<16xi32>
      %shift_left3A_266 = arith.shli %shift_right_arithmetic3A_263, %shift_left3A_265 : vector<16xi32>
      %shift_right_arithmetic3A_267 = arith.constant 7 : i32
      %shift_right_arithmetic3A_268 = vector.broadcast %shift_right_arithmetic3A_267 : i32 to vector<16xi32>
      %shift_right_arithmetic3A_269 = arith.shrsi %gather3A_244, %shift_right_arithmetic3A_268 : vector<16xi32>
      %and3A_270 = arith.constant 1 : i32
      %and3A_271 = vector.broadcast %and3A_270 : i32 to vector<16xi32>
      %and3A_272 = arith.andi %shift_right_arithmetic3A_269, %and3A_271 : vector<16xi32>
      %shift_left3A_273 = arith.constant 10 : i32
      %shift_left3A_274 = vector.broadcast %shift_left3A_273 : i32 to vector<16xi32>
      %shift_left3A_275 = arith.shli %and3A_272, %shift_left3A_274 : vector<16xi32>
      %add3A_276 = arith.addi %shift_left3A_266, %shift_left3A_275 : vector<16xi32>
      %shift_right_arithmetic3A_277 = arith.constant 8 : i32
      %shift_right_arithmetic3A_278 = vector.broadcast %shift_right_arithmetic3A_277 : i32 to vector<16xi32>
      %shift_right_arithmetic3A_279 = arith.shrsi %gather3A_244, %shift_right_arithmetic3A_278 : vector<16xi32>
      %and3A_280 = arith.constant 7 : i32
      %and3A_281 = vector.broadcast %and3A_280 : i32 to vector<16xi32>
      %and3A_282 = arith.andi %shift_right_arithmetic3A_279, %and3A_281 : vector<16xi32>
      %shift_left3A_283 = arith.constant 7 : i32
      %shift_left3A_284 = vector.broadcast %shift_left3A_283 : i32 to vector<16xi32>
      %shift_left3A_285 = arith.shli %and3A_282, %shift_left3A_284 : vector<16xi32>
      %add3A_286 = arith.addi %add3A_276, %shift_left3A_285 : vector<16xi32>
      %and3A_287 = arith.constant 127 : i32
      %and3A_288 = vector.broadcast %and3A_287 : i32 to vector<16xi32>
      %and3A_289 = arith.andi %gather3A_244, %and3A_288 : vector<16xi32>
      %add3A_290 = arith.addi %add3A_286, %and3A_289 : vector<16xi32>
      %mul3A_291 = arith.constant 4 : i32
      %mul3A_292 = arith.muli %select_n3A, %mul3A_291 : i32
      %mul3A_293 = arith.constant 17 : i32
      %mul3A_294 = arith.muli %mul3A_292, %mul3A_293 : i32
      %mul3A_295 = arith.constant 65536 : i32
      %mul3A_296 = arith.muli %mul3A_294, %mul3A_295 : i32
      %add3A_297 = arith.constant 65536 : i32
      %add3A_298 = arith.addi %mul3A_296, %add3A_297 : i32
      %add3A_299 = arith.constant 0 : i32
      %add3A_300 = arith.addi %add3A_298, %add3A_299 : i32
      %add3A_301 = vector.broadcast %add3A_300 : i32 to vector<16xi32>
      %add3A_302 = arith.addi %add3A_290, %add3A_301 : vector<16xi32>
      %swap3A_303 = arith.constant 0 : i32
      %swap3A_304 = arith.index_cast %swap3A_303 : i32 to index
      %swap3A_305 = arith.constant 64 : index
      %swap3A_306 = tpu.vector_load %arg6[%swap3A_304, %swap3A_305] {strides = array<i32>} : memref<9x128xi32, #tpu.memory_space<vmem>>, vector<16xi32>,
      tpu.vector_store %arg6[%swap3A_304, %swap3A_305], %add3A_302 {strides = array<i32>} : memref<9x128xi32, #tpu.memory_space<vmem>>, vector<16xi32>,
      %add3A_307 = arith.constant 1114112 : i32
      %add3A_308 = arith.addi %add3A_298, %add3A_307 : i32
      %add3A_309 = vector.broadcast %add3A_308 : i32 to vector<16xi32>
      %add3A_310 = arith.addi %add3A_290, %add3A_309 : vector<16xi32>
      %swap3A_311 = arith.constant 0 : i32
      %swap3A_312 = arith.index_cast %swap3A_311 : i32 to index
      %swap3A_313 = arith.constant 80 : index
      %swap3A_314 = tpu.vector_load %arg6[%swap3A_312, %swap3A_313] {strides = array<i32>} : memref<9x128xi32, #tpu.memory_space<vmem>>, vector<16xi32>,
      tpu.vector_store %arg6[%swap3A_312, %swap3A_313], %add3A_310 {strides = array<i32>} : memref<9x128xi32, #tpu.memory_space<vmem>>, vector<16xi32>,
      %add3A_315 = arith.constant 2228224 : i32
      %add3A_316 = arith.addi %add3A_298, %add3A_315 : i32
      %add3A_317 = vector.broadcast %add3A_316 : i32 to vector<16xi32>
      %add3A_318 = arith.addi %add3A_290, %add3A_317 : vector<16xi32>
      %swap3A_319 = arith.constant 0 : i32
      %swap3A_320 = arith.index_cast %swap3A_319 : i32 to index
      %swap3A_321 = arith.constant 96 : index
      %swap3A_322 = tpu.vector_load %arg6[%swap3A_320, %swap3A_321] {strides = array<i32>} : memref<9x128xi32, #tpu.memory_space<vmem>>, vector<16xi32>,
      tpu.vector_store %arg6[%swap3A_320, %swap3A_321], %add3A_318 {strides = array<i32>} : memref<9x128xi32, #tpu.memory_space<vmem>>, vector<16xi32>,
      %add3A_323 = arith.constant 3342336 : i32
      %add3A_324 = arith.addi %add3A_298, %add3A_323 : i32
      %add3A_325 = vector.broadcast %add3A_324 : i32 to vector<16xi32>
      %add3A_326 = arith.addi %add3A_290, %add3A_325 : vector<16xi32>
      %swap3A_327 = arith.constant 0 : i32
      %swap3A_328 = arith.index_cast %swap3A_327 : i32 to index
      %swap3A_329 = arith.constant 112 : index
      %swap3A_330 = tpu.vector_load %arg6[%swap3A_328, %swap3A_329] {strides = array<i32>} : memref<9x128xi32, #tpu.memory_space<vmem>>, vector<16xi32>,
      tpu.vector_store %arg6[%swap3A_328, %swap3A_329], %add3A_326 {strides = array<i32>} : memref<9x128xi32, #tpu.memory_space<vmem>>, vector<16xi32>,
      %dma_start3A_331 = arith.constant 0 : i32
      %dma_start3A_332 = arith.constant 0 : i32
      %dma_start3A_333 = arith.constant 0 : i32
      %dma_start3A_334 = tpu.memref_slice %arg7[%dma_start3A_332, %dma_start3A_333] : memref<9x128xf32, #tpu.memory_space<vmem>> -> memref<1x128xf32, #tpu.memory_space<vmem>>
      %dma_start3A_335 = tpu.memref_squeeze %dma_start3A_334 : memref<1x128xf32, #tpu.memory_space<vmem>> -> memref<128xf32, #tpu.memory_space<vmem>>
      %dma_start3A_336 = arith.constant 0 : i32
      %dma_start3A_337 = tpu.memref_slice %arg6[%dma_start3A_331, %dma_start3A_336] : memref<9x128xi32, #tpu.memory_space<vmem>> -> memref<1x128xi32, #tpu.memory_space<vmem>>
      %dma_start3A_338 = tpu.memref_squeeze %dma_start3A_337 : memref<1x128xi32, #tpu.memory_space<vmem>> -> memref<128xi32, #tpu.memory_space<vmem>>
      %dma_start3A_339 = arith.constant 0 : i32
      %dma_start3A_340 = tpu.memref_slice %arg2[%dma_start3A_339] : memref<17825792xf32, #tpu.memory_space<hbm>> -> memref<17825792xf32, #tpu.memory_space<hbm>>
      tpu.enqueue_indirect_dma source(%dma_start3A_340 : memref<17825792xf32, #tpu.memory_space<hbm>>) target(%dma_start3A_335 : memref<128xf32, #tpu.memory_space<vmem>>) offsets(%dma_start3A_338 : memref<128xi32, #tpu.memory_space<vmem>>) semaphore(%arg15 : memref<!tpu.dma_semaphore, #tpu.memory_space<semaphore_mem>>)
      %mul3A_341 = arith.constant 34 : i32
      %mul3A_342 = vector.broadcast %mul3A_341 : i32 to vector<16xi32>
      %mul3A_343 = arith.muli %iota3A, %mul3A_342 : vector<16xi32>
      %add3A_344 = arith.constant 4 : i32
      %add3A_345 = vector.broadcast %add3A_344 : i32 to vector<16xi32>
      %add3A_346 = arith.addi %mul3A_343, %add3A_345 : vector<16xi32>
      %gather3A_347 = tpu.vector_load_idx %arg5[%add3A_346] : memref<544xi32, #tpu.memory_space<vmem>>[vector<16xi32>], vector<16xi32>,
      %add3A_348 = arith.constant 1 : i32
      %add3A_349 = vector.broadcast %add3A_348 : i32 to vector<16xi32>
      %add3A_350 = arith.addi %add3A_346, %add3A_349 : vector<16xi32>
      %gather3A_351 = tpu.vector_load_idx %arg5[%add3A_350] : memref<544xi32, #tpu.memory_space<vmem>>[vector<16xi32>], vector<16xi32>,
      %ne3A_352 = arith.constant 0 : i32
      %ne3A_353 = vector.broadcast %ne3A_352 : i32 to vector<16xi32>
      %ne3A_354 = arith.cmpi ne, %gather3A_351, %ne3A_353 : vector<16xi32>
      %jit3A_355 = arith.constant 1.000000e+00 : f32
      %jit3A_356 = arith.constant 0.000000e+00 : f32
      %broadcast_in_dim3A_357 = vector.broadcast %jit3A_355 : f32 to vector<16xf32>
      %broadcast_in_dim3A_358 = vector.broadcast %jit3A_356 : f32 to vector<16xf32>
      %select_n3A_359 = arith.select %ne3A_354, %broadcast_in_dim3A_357, %broadcast_in_dim3A_358 : vector<16xi1>, vector<16xf32>
      %swap3A_360 = arith.constant 2 : i32
      %swap3A_361 = arith.index_cast %swap3A_360 : i32 to index
      %swap3A_362 = arith.constant 0 : index
      %swap3A_363 = tpu.vector_load %arg8[%swap3A_361, %swap3A_362] {strides = array<i32>} : memref<17x16xf32, #tpu.memory_space<vmem>>, vector<16xf32>,
      tpu.vector_store %arg8[%swap3A_361, %swap3A_362], %select_n3A_359 {strides = array<i32>} : memref<17x16xf32, #tpu.memory_space<vmem>>, vector<16xf32>,
      %shift_right_arithmetic3A_364 = arith.constant 11 : i32
      %shift_right_arithmetic3A_365 = vector.broadcast %shift_right_arithmetic3A_364 : i32 to vector<16xi32>
      %shift_right_arithmetic3A_366 = arith.shrsi %gather3A_347, %shift_right_arithmetic3A_365 : vector<16xi32>
      %shift_left3A_367 = arith.constant 11 : i32
      %shift_left3A_368 = vector.broadcast %shift_left3A_367 : i32 to vector<16xi32>
      %shift_left3A_369 = arith.shli %shift_right_arithmetic3A_366, %shift_left3A_368 : vector<16xi32>
      %shift_right_arithmetic3A_370 = arith.constant 7 : i32
      %shift_right_arithmetic3A_371 = vector.broadcast %shift_right_arithmetic3A_370 : i32 to vector<16xi32>
      %shift_right_arithmetic3A_372 = arith.shrsi %gather3A_347, %shift_right_arithmetic3A_371 : vector<16xi32>
      %and3A_373 = arith.constant 1 : i32
      %and3A_374 = vector.broadcast %and3A_373 : i32 to vector<16xi32>
      %and3A_375 = arith.andi %shift_right_arithmetic3A_372, %and3A_374 : vector<16xi32>
      %shift_left3A_376 = arith.constant 10 : i32
      %shift_left3A_377 = vector.broadcast %shift_left3A_376 : i32 to vector<16xi32>
      %shift_left3A_378 = arith.shli %and3A_375, %shift_left3A_377 : vector<16xi32>
      %add3A_379 = arith.addi %shift_left3A_369, %shift_left3A_378 : vector<16xi32>
      %shift_right_arithmetic3A_380 = arith.constant 8 : i32
      %shift_right_arithmetic3A_381 = vector.broadcast %shift_right_arithmetic3A_380 : i32 to vector<16xi32>
      %shift_right_arithmetic3A_382 = arith.shrsi %gather3A_347, %shift_right_arithmetic3A_381 : vector<16xi32>
      %and3A_383 = arith.constant 7 : i32
      %and3A_384 = vector.broadcast %and3A_383 : i32 to vector<16xi32>
      %and3A_385 = arith.andi %shift_right_arithmetic3A_382, %and3A_384 : vector<16xi32>
      %shift_left3A_386 = arith.constant 7 : i32
      %shift_left3A_387 = vector.broadcast %shift_left3A_386 : i32 to vector<16xi32>
      %shift_left3A_388 = arith.shli %and3A_385, %shift_left3A_387 : vector<16xi32>
      %add3A_389 = arith.addi %add3A_379, %shift_left3A_388 : vector<16xi32>
      %and3A_390 = arith.constant 127 : i32
      %and3A_391 = vector.broadcast %and3A_390 : i32 to vector<16xi32>
      %and3A_392 = arith.andi %gather3A_347, %and3A_391 : vector<16xi32>
      %add3A_393 = arith.addi %add3A_389, %and3A_392 : vector<16xi32>
      %mul3A_394 = arith.constant 4 : i32
      %mul3A_395 = arith.muli %select_n3A, %mul3A_394 : i32
      %mul3A_396 = arith.constant 17 : i32
      %mul3A_397 = arith.muli %mul3A_395, %mul3A_396 : i32
      %mul3A_398 = arith.constant 65536 : i32
      %mul3A_399 = arith.muli %mul3A_397, %mul3A_398 : i32
      %add3A_400 = arith.constant 131072 : i32
      %add3A_401 = arith.addi %mul3A_399, %add3A_400 : i32
      %add3A_402 = arith.constant 0 : i32
      %add3A_403 = arith.addi %add3A_401, %add3A_402 : i32
      %add3A_404 = vector.broadcast %add3A_403 : i32 to vector<16xi32>
      %add3A_405 = arith.addi %add3A_393, %add3A_404 : vector<16xi32>
      %swap3A_406 = arith.constant 1 : i32
      %swap3A_407 = arith.index_cast %swap3A_406 : i32 to index
      %swap3A_408 = arith.constant 0 : index
      %swap3A_409 = tpu.vector_load %arg6[%swap3A_407, %swap3A_408] {strides = array<i32>} : memref<9x128xi32, #tpu.memory_space<vmem>>, vector<16xi32>,
      tpu.vector_store %arg6[%swap3A_407, %swap3A_408], %add3A_405 {strides = array<i32>} : memref<9x128xi32, #tpu.memory_space<vmem>>, vector<16xi32>,
      %add3A_410 = arith.constant 1114112 : i32
      %add3A_411 = arith.addi %add3A_401, %add3A_410 : i32
      %add3A_412 = vector.broadcast %add3A_411 : i32 to vector<16xi32>
      %add3A_413 = arith.addi %add3A_393, %add3A_412 : vector<16xi32>
      %swap3A_414 = arith.constant 1 : i32
      %swap3A_415 = arith.index_cast %swap3A_414 : i32 to index
      %swap3A_416 = arith.constant 16 : index
      %swap3A_417 = tpu.vector_load %arg6[%swap3A_415, %swap3A_416] {strides = array<i32>} : memref<9x128xi32, #tpu.memory_space<vmem>>, vector<16xi32>,
      tpu.vector_store %arg6[%swap3A_415, %swap3A_416], %add3A_413 {strides = array<i32>} : memref<9x128xi32, #tpu.memory_space<vmem>>, vector<16xi32>,
      %add3A_418 = arith.constant 2228224 : i32
      %add3A_419 = arith.addi %add3A_401, %add3A_418 : i32
      %add3A_420 = vector.broadcast %add3A_419 : i32 to vector<16xi32>
      %add3A_421 = arith.addi %add3A_393, %add3A_420 : vector<16xi32>
      %swap3A_422 = arith.constant 1 : i32
      %swap3A_423 = arith.index_cast %swap3A_422 : i32 to index
      %swap3A_424 = arith.constant 32 : index
      %swap3A_425 = tpu.vector_load %arg6[%swap3A_423, %swap3A_424] {strides = array<i32>} : memref<9x128xi32, #tpu.memory_space<vmem>>, vector<16xi32>,
      tpu.vector_store %arg6[%swap3A_423, %swap3A_424], %add3A_421 {strides = array<i32>} : memref<9x128xi32, #tpu.memory_space<vmem>>, vector<16xi32>,
      %add3A_426 = arith.constant 3342336 : i32
      %add3A_427 = arith.addi %add3A_401, %add3A_426 : i32
      %add3A_428 = vector.broadcast %add3A_427 : i32 to vector<16xi32>
      %add3A_429 = arith.addi %add3A_393, %add3A_428 : vector<16xi32>
      %swap3A_430 = arith.constant 1 : i32
      %swap3A_431 = arith.index_cast %swap3A_430 : i32 to index
      %swap3A_432 = arith.constant 48 : index
      %swap3A_433 = tpu.vector_load %arg6[%swap3A_431, %swap3A_432] {strides = array<i32>} : memref<9x128xi32, #tpu.memory_space<vmem>>, vector<16xi32>,
      tpu.vector_store %arg6[%swap3A_431, %swap3A_432], %add3A_429 {strides = array<i32>} : memref<9x128xi32, #tpu.memory_space<vmem>>, vector<16xi32>,
      %mul3A_434 = arith.constant 34 : i32
      %mul3A_435 = vector.broadcast %mul3A_434 : i32 to vector<16xi32>
      %mul3A_436 = arith.muli %iota3A, %mul3A_435 : vector<16xi32>
      %add3A_437 = arith.constant 6 : i32
      %add3A_438 = vector.broadcast %add3A_437 : i32 to vector<16xi32>
      %add3A_439 = arith.addi %mul3A_436, %add3A_438 : vector<16xi32>
      %gather3A_440 = tpu.vector_load_idx %arg5[%add3A_439] : memref<544xi32, #tpu.memory_space<vmem>>[vector<16xi32>], vector<16xi32>,
      %add3A_441 = arith.constant 1 : i32
      %add3A_442 = vector.broadcast %add3A_441 : i32 to vector<16xi32>
      %add3A_443 = arith.addi %add3A_439, %add3A_442 : vector<16xi32>
      %gather3A_444 = tpu.vector_load_idx %arg5[%add3A_443] : memref<544xi32, #tpu.memory_space<vmem>>[vector<16xi32>], vector<16xi32>,
      %ne3A_445 = arith.constant 0 : i32
      %ne3A_446 = vector.broadcast %ne3A_445 : i32 to vector<16xi32>
      %ne3A_447 = arith.cmpi ne, %gather3A_444, %ne3A_446 : vector<16xi32>
      %jit3A_448 = arith.constant 1.000000e+00 : f32
      %jit3A_449 = arith.constant 0.000000e+00 : f32
      %broadcast_in_dim3A_450 = vector.broadcast %jit3A_448 : f32 to vector<16xf32>
      %broadcast_in_dim3A_451 = vector.broadcast %jit3A_449 : f32 to vector<16xf32>
      %select_n3A_452 = arith.select %ne3A_447, %broadcast_in_dim3A_450, %broadcast_in_dim3A_451 : vector<16xi1>, vector<16xf32>
      %swap3A_453 = arith.constant 3 : i32
      %swap3A_454 = arith.index_cast %swap3A_453 : i32 to index
      %swap3A_455 = arith.constant 0 : index
      %swap3A_456 = tpu.vector_load %arg8[%swap3A_454, %swap3A_455] {strides = array<i32>} : memref<17x16xf32, #tpu.memory_space<vmem>>, vector<16xf32>,
      tpu.vector_store %arg8[%swap3A_454, %swap3A_455], %select_n3A_452 {strides = array<i32>} : memref<17x16xf32, #tpu.memory_space<vmem>>, vector<16xf32>,
      %shift_right_arithmetic3A_457 = arith.constant 11 : i32
      %shift_right_arithmetic3A_458 = vector.broadcast %shift_right_arithmetic3A_457 : i32 to vector<16xi32>
      %shift_right_arithmetic3A_459 = arith.shrsi %gather3A_440, %shift_right_arithmetic3A_458 : vector<16xi32>
      %shift_left3A_460 = arith.constant 11 : i32
      %shift_left3A_461 = vector.broadcast %shift_left3A_460 : i32 to vector<16xi32>
      %shift_left3A_462 = arith.shli %shift_right_arithmetic3A_459, %shift_left3A_461 : vector<16xi32>
      %shift_right_arithmetic3A_463 = arith.constant 7 : i32
      %shift_right_arithmetic3A_464 = vector.broadcast %shift_right_arithmetic3A_463 : i32 to vector<16xi32>
      %shift_right_arithmetic3A_465 = arith.shrsi %gather3A_440, %shift_right_arithmetic3A_464 : vector<16xi32>
      %and3A_466 = arith.constant 1 : i32
      %and3A_467 = vector.broadcast %and3A_466 : i32 to vector<16xi32>
      %and3A_468 = arith.andi %shift_right_arithmetic3A_465, %and3A_467 : vector<16xi32>
      %shift_left3A_469 = arith.constant 10 : i32
      %shift_left3A_470 = vector.broadcast %shift_left3A_469 : i32 to vector<16xi32>
      %shift_left3A_471 = arith.shli %and3A_468, %shift_left3A_470 : vector<16xi32>
      %add3A_472 = arith.addi %shift_left3A_462, %shift_left3A_471 : vector<16xi32>
      %shift_right_arithmetic3A_473 = arith.constant 8 : i32
      %shift_right_arithmetic3A_474 = vector.broadcast %shift_right_arithmetic3A_473 : i32 to vector<16xi32>
      %shift_right_arithmetic3A_475 = arith.shrsi %gather3A_440, %shift_right_arithmetic3A_474 : vector<16xi32>
      %and3A_476 = arith.constant 7 : i32
      %and3A_477 = vector.broadcast %and3A_476 : i32 to vector<16xi32>
      %and3A_478 = arith.andi %shift_right_arithmetic3A_475, %and3A_477 : vector<16xi32>
      %shift_left3A_479 = arith.constant 7 : i32
      %shift_left3A_480 = vector.broadcast %shift_left3A_479 : i32 to vector<16xi32>
      %shift_left3A_481 = arith.shli %and3A_478, %shift_left3A_480 : vector<16xi32>
      %add3A_482 = arith.addi %add3A_472, %shift_left3A_481 : vector<16xi32>
      %and3A_483 = arith.constant 127 : i32
      %and3A_484 = vector.broadcast %and3A_483 : i32 to vector<16xi32>
      %and3A_485 = arith.andi %gather3A_440, %and3A_484 : vector<16xi32>
      %add3A_486 = arith.addi %add3A_482, %and3A_485 : vector<16xi32>
      %mul3A_487 = arith.constant 4 : i32
      %mul3A_488 = arith.muli %select_n3A, %mul3A_487 : i32
      %mul3A_489 = arith.constant 17 : i32
      %mul3A_490 = arith.muli %mul3A_488, %mul3A_489 : i32
      %mul3A_491 = arith.constant 65536 : i32
      %mul3A_492 = arith.muli %mul3A_490, %mul3A_491 : i32
      %add3A_493 = arith.constant 196608 : i32
      %add3A_494 = arith.addi %mul3A_492, %add3A_493 : i32
      %add3A_495 = arith.constant 0 : i32
      %add3A_496 = arith.addi %add3A_494, %add3A_495 : i32
      %add3A_497 = vector.broadcast %add3A_496 : i32 to vector<16xi32>
      %add3A_498 = arith.addi %add3A_486, %add3A_497 : vector<16xi32>
      %swap3A_499 = arith.constant 1 : i32
      %swap3A_500 = arith.index_cast %swap3A_499 : i32 to index
      %swap3A_501 = arith.constant 64 : index
      %swap3A_502 = tpu.vector_load %arg6[%swap3A_500, %swap3A_501] {strides = array<i32>} : memref<9x128xi32, #tpu.memory_space<vmem>>, vector<16xi32>,
      tpu.vector_store %arg6[%swap3A_500, %swap3A_501], %add3A_498 {strides = array<i32>} : memref<9x128xi32, #tpu.memory_space<vmem>>, vector<16xi32>,
      %add3A_503 = arith.constant 1114112 : i32
      %add3A_504 = arith.addi %add3A_494, %add3A_503 : i32
      %add3A_505 = vector.broadcast %add3A_504 : i32 to vector<16xi32>
      %add3A_506 = arith.addi %add3A_486, %add3A_505 : vector<16xi32>
      %swap3A_507 = arith.constant 1 : i32
      %swap3A_508 = arith.index_cast %swap3A_507 : i32 to index
      %swap3A_509 = arith.constant 80 : index
      %swap3A_510 = tpu.vector_load %arg6[%swap3A_508, %swap3A_509] {strides = array<i32>} : memref<9x128xi32, #tpu.memory_space<vmem>>, vector<16xi32>,
      tpu.vector_store %arg6[%swap3A_508, %swap3A_509], %add3A_506 {strides = array<i32>} : memref<9x128xi32, #tpu.memory_space<vmem>>, vector<16xi32>,
      %add3A_511 = arith.constant 2228224 : i32
      %add3A_512 = arith.addi %add3A_494, %add3A_511 : i32
      %add3A_513 = vector.broadcast %add3A_512 : i32 to vector<16xi32>
      %add3A_514 = arith.addi %add3A_486, %add3A_513 : vector<16xi32>
      %swap3A_515 = arith.constant 1 : i32
      %swap3A_516 = arith.index_cast %swap3A_515 : i32 to index
      %swap3A_517 = arith.constant 96 : index
      %swap3A_518 = tpu.vector_load %arg6[%swap3A_516, %swap3A_517] {strides = array<i32>} : memref<9x128xi32, #tpu.memory_space<vmem>>, vector<16xi32>,
      tpu.vector_store %arg6[%swap3A_516, %swap3A_517], %add3A_514 {strides = array<i32>} : memref<9x128xi32, #tpu.memory_space<vmem>>, vector<16xi32>,
      %add3A_519 = arith.constant 3342336 : i32
      %add3A_520 = arith.addi %add3A_494, %add3A_519 : i32
      %add3A_521 = vector.broadcast %add3A_520 : i32 to vector<16xi32>
      %add3A_522 = arith.addi %add3A_486, %add3A_521 : vector<16xi32>
      %swap3A_523 = arith.constant 1 : i32
      %swap3A_524 = arith.index_cast %swap3A_523 : i32 to index
      %swap3A_525 = arith.constant 112 : index
      %swap3A_526 = tpu.vector_load %arg6[%swap3A_524, %swap3A_525] {strides = array<i32>} : memref<9x128xi32, #tpu.memory_space<vmem>>, vector<16xi32>,
      tpu.vector_store %arg6[%swap3A_524, %swap3A_525], %add3A_522 {strides = array<i32>} : memref<9x128xi32, #tpu.memory_space<vmem>>, vector<16xi32>,
      %dma_start3A_527 = arith.constant 1 : i32
      %dma_start3A_528 = arith.constant 1 : i32
      %dma_start3A_529 = arith.constant 0 : i32
      %dma_start3A_530 = tpu.memref_slice %arg7[%dma_start3A_528, %dma_start3A_529] : memref<9x128xf32, #tpu.memory_space<vmem>> -> memref<1x128xf32, #tpu.memory_space<vmem>>
      %dma_start3A_531 = tpu.memref_squeeze %dma_start3A_530 : memref<1x128xf32, #tpu.memory_space<vmem>> -> memref<128xf32, #tpu.memory_space<vmem>>
      %dma_start3A_532 = arith.constant 0 : i32
      %dma_start3A_533 = tpu.memref_slice %arg6[%dma_start3A_527, %dma_start3A_532] : memref<9x128xi32, #tpu.memory_space<vmem>> -> memref<1x128xi32, #tpu.memory_space<vmem>>
      %dma_start3A_534 = tpu.memref_squeeze %dma_start3A_533 : memref<1x128xi32, #tpu.memory_space<vmem>> -> memref<128xi32, #tpu.memory_space<vmem>>
      %dma_start3A_535 = arith.constant 0 : i32
      %dma_start3A_536 = tpu.memref_slice %arg2[%dma_start3A_535] : memref<17825792xf32, #tpu.memory_space<hbm>> -> memref<17825792xf32, #tpu.memory_space<hbm>>
      tpu.enqueue_indirect_dma source(%dma_start3A_536 : memref<17825792xf32, #tpu.memory_space<hbm>>) target(%dma_start3A_531 : memref<128xf32, #tpu.memory_space<vmem>>) offsets(%dma_start3A_534 : memref<128xi32, #tpu.memory_space<vmem>>) semaphore(%arg15 : memref<!tpu.dma_semaphore, #tpu.memory_space<semaphore_mem>>)
      %mul3A_537 = arith.constant 34 : i32
      %mul3A_538 = vector.broadcast %mul3A_537 : i32 to vector<16xi32>
      %mul3A_539 = arith.muli %iota3A, %mul3A_538 : vector<16xi32>
      %add3A_540 = arith.constant 8 : i32
      %add3A_541 = vector.broadcast %add3A_540 : i32 to vector<16xi32>
      %add3A_542 = arith.addi %mul3A_539, %add3A_541 : vector<16xi32>
      %gather3A_543 = tpu.vector_load_idx %arg5[%add3A_542] : memref<544xi32, #tpu.memory_space<vmem>>[vector<16xi32>], vector<16xi32>,
      %add3A_544 = arith.constant 1 : i32
      %add3A_545 = vector.broadcast %add3A_544 : i32 to vector<16xi32>
      %add3A_546 = arith.addi %add3A_542, %add3A_545 : vector<16xi32>
      %gather3A_547 = tpu.vector_load_idx %arg5[%add3A_546] : memref<544xi32, #tpu.memory_space<vmem>>[vector<16xi32>], vector<16xi32>,
      %ne3A_548 = arith.constant 0 : i32
      %ne3A_549 = vector.broadcast %ne3A_548 : i32 to vector<16xi32>
      %ne3A_550 = arith.cmpi ne, %gather3A_547, %ne3A_549 : vector<16xi32>
      %jit3A_551 = arith.constant 1.000000e+00 : f32
      %jit3A_552 = arith.constant 0.000000e+00 : f32
      %broadcast_in_dim3A_553 = vector.broadcast %jit3A_551 : f32 to vector<16xf32>
      %broadcast_in_dim3A_554 = vector.broadcast %jit3A_552 : f32 to vector<16xf32>
      %select_n3A_555 = arith.select %ne3A_550, %broadcast_in_dim3A_553, %broadcast_in_dim3A_554 : vector<16xi1>, vector<16xf32>
      %swap3A_556 = arith.constant 4 : i32
      %swap3A_557 = arith.index_cast %swap3A_556 : i32 to index
      %swap3A_558 = arith.constant 0 : index
      %swap3A_559 = tpu.vector_load %arg8[%swap3A_557, %swap3A_558] {strides = array<i32>} : memref<17x16xf32, #tpu.memory_space<vmem>>, vector<16xf32>,
      tpu.vector_store %arg8[%swap3A_557, %swap3A_558], %select_n3A_555 {strides = array<i32>} : memref<17x16xf32, #tpu.memory_space<vmem>>, vector<16xf32>,
      %shift_right_arithmetic3A_560 = arith.constant 11 : i32
      %shift_right_arithmetic3A_561 = vector.broadcast %shift_right_arithmetic3A_560 : i32 to vector<16xi32>
      %shift_right_arithmetic3A_562 = arith.shrsi %gather3A_543, %shift_right_arithmetic3A_561 : vector<16xi32>
      %shift_left3A_563 = arith.constant 11 : i32
      %shift_left3A_564 = vector.broadcast %shift_left3A_563 : i32 to vector<16xi32>
      %shift_left3A_565 = arith.shli %shift_right_arithmetic3A_562, %shift_left3A_564 : vector<16xi32>
      %shift_right_arithmetic3A_566 = arith.constant 7 : i32
      %shift_right_arithmetic3A_567 = vector.broadcast %shift_right_arithmetic3A_566 : i32 to vector<16xi32>
      %shift_right_arithmetic3A_568 = arith.shrsi %gather3A_543, %shift_right_arithmetic3A_567 : vector<16xi32>
      %and3A_569 = arith.constant 1 : i32
      %and3A_570 = vector.broadcast %and3A_569 : i32 to vector<16xi32>
      %and3A_571 = arith.andi %shift_right_arithmetic3A_568, %and3A_570 : vector<16xi32>
      %shift_left3A_572 = arith.constant 10 : i32
      %shift_left3A_573 = vector.broadcast %shift_left3A_572 : i32 to vector<16xi32>
      %shift_left3A_574 = arith.shli %and3A_571, %shift_left3A_573 : vector<16xi32>
      %add3A_575 = arith.addi %shift_left3A_565, %shift_left3A_574 : vector<16xi32>
      %shift_right_arithmetic3A_576 = arith.constant 8 : i32
      %shift_right_arithmetic3A_577 = vector.broadcast %shift_right_arithmetic3A_576 : i32 to vector<16xi32>
      %shift_right_arithmetic3A_578 = arith.shrsi %gather3A_543, %shift_right_arithmetic3A_577 : vector<16xi32>
      %and3A_579 = arith.constant 7 : i32
      %and3A_580 = vector.broadcast %and3A_579 : i32 to vector<16xi32>
      %and3A_581 = arith.andi %shift_right_arithmetic3A_578, %and3A_580 : vector<16xi32>
      %shift_left3A_582 = arith.constant 7 : i32
      %shift_left3A_583 = vector.broadcast %shift_left3A_582 : i32 to vector<16xi32>
      %shift_left3A_584 = arith.shli %and3A_581, %shift_left3A_583 : vector<16xi32>
      %add3A_585 = arith.addi %add3A_575, %shift_left3A_584 : vector<16xi32>
      %and3A_586 = arith.constant 127 : i32
      %and3A_587 = vector.broadcast %and3A_586 : i32 to vector<16xi32>
      %and3A_588 = arith.andi %gather3A_543, %and3A_587 : vector<16xi32>
      %add3A_589 = arith.addi %add3A_585, %and3A_588 : vector<16xi32>
      %mul3A_590 = arith.constant 4 : i32
      %mul3A_591 = arith.muli %select_n3A, %mul3A_590 : i32
      %mul3A_592 = arith.constant 17 : i32
      %mul3A_593 = arith.muli %mul3A_591, %mul3A_592 : i32
      %mul3A_594 = arith.constant 65536 : i32
      %mul3A_595 = arith.muli %mul3A_593, %mul3A_594 : i32
      %add3A_596 = arith.constant 262144 : i32
      %add3A_597 = arith.addi %mul3A_595, %add3A_596 : i32
      %add3A_598 = arith.constant 0 : i32
      %add3A_599 = arith.addi %add3A_597, %add3A_598 : i32
      %add3A_600 = vector.broadcast %add3A_599 : i32 to vector<16xi32>
      %add3A_601 = arith.addi %add3A_589, %add3A_600 : vector<16xi32>
      %swap3A_602 = arith.constant 2 : i32
      %swap3A_603 = arith.index_cast %swap3A_602 : i32 to index
      %swap3A_604 = arith.constant 0 : index
      %swap3A_605 = tpu.vector_load %arg6[%swap3A_603, %swap3A_604] {strides = array<i32>} : memref<9x128xi32, #tpu.memory_space<vmem>>, vector<16xi32>,
      tpu.vector_store %arg6[%swap3A_603, %swap3A_604], %add3A_601 {strides = array<i32>} : memref<9x128xi32, #tpu.memory_space<vmem>>, vector<16xi32>,
      %add3A_606 = arith.constant 1114112 : i32
      %add3A_607 = arith.addi %add3A_597, %add3A_606 : i32
      %add3A_608 = vector.broadcast %add3A_607 : i32 to vector<16xi32>
      %add3A_609 = arith.addi %add3A_589, %add3A_608 : vector<16xi32>
      %swap3A_610 = arith.constant 2 : i32
      %swap3A_611 = arith.index_cast %swap3A_610 : i32 to index
      %swap3A_612 = arith.constant 16 : index
      %swap3A_613 = tpu.vector_load %arg6[%swap3A_611, %swap3A_612] {strides = array<i32>} : memref<9x128xi32, #tpu.memory_space<vmem>>, vector<16xi32>,
      tpu.vector_store %arg6[%swap3A_611, %swap3A_612], %add3A_609 {strides = array<i32>} : memref<9x128xi32, #tpu.memory_space<vmem>>, vector<16xi32>,
      %add3A_614 = arith.constant 2228224 : i32
      %add3A_615 = arith.addi %add3A_597, %add3A_614 : i32
      %add3A_616 = vector.broadcast %add3A_615 : i32 to vector<16xi32>
      %add3A_617 = arith.addi %add3A_589, %add3A_616 : vector<16xi32>
      %swap3A_618 = arith.constant 2 : i32
      %swap3A_619 = arith.index_cast %swap3A_618 : i32 to index
      %swap3A_620 = arith.constant 32 : index
      %swap3A_621 = tpu.vector_load %arg6[%swap3A_619, %swap3A_620] {strides = array<i32>} : memref<9x128xi32, #tpu.memory_space<vmem>>, vector<16xi32>,
      tpu.vector_store %arg6[%swap3A_619, %swap3A_620], %add3A_617 {strides = array<i32>} : memref<9x128xi32, #tpu.memory_space<vmem>>, vector<16xi32>,
      %add3A_622 = arith.constant 3342336 : i32
      %add3A_623 = arith.addi %add3A_597, %add3A_622 : i32
      %add3A_624 = vector.broadcast %add3A_623 : i32 to vector<16xi32>
      %add3A_625 = arith.addi %add3A_589, %add3A_624 : vector<16xi32>
      %swap3A_626 = arith.constant 2 : i32
      %swap3A_627 = arith.index_cast %swap3A_626 : i32 to index
      %swap3A_628 = arith.constant 48 : index
      %swap3A_629 = tpu.vector_load %arg6[%swap3A_627, %swap3A_628] {strides = array<i32>} : memref<9x128xi32, #tpu.memory_space<vmem>>, vector<16xi32>,
      tpu.vector_store %arg6[%swap3A_627, %swap3A_628], %add3A_625 {strides = array<i32>} : memref<9x128xi32, #tpu.memory_space<vmem>>, vector<16xi32>,
      %mul3A_630 = arith.constant 34 : i32
      %mul3A_631 = vector.broadcast %mul3A_630 : i32 to vector<16xi32>
      %mul3A_632 = arith.muli %iota3A, %mul3A_631 : vector<16xi32>
      %add3A_633 = arith.constant 10 : i32
      %add3A_634 = vector.broadcast %add3A_633 : i32 to vector<16xi32>
      %add3A_635 = arith.addi %mul3A_632, %add3A_634 : vector<16xi32>
      %gather3A_636 = tpu.vector_load_idx %arg5[%add3A_635] : memref<544xi32, #tpu.memory_space<vmem>>[vector<16xi32>], vector<16xi32>,
      %add3A_637 = arith.constant 1 : i32
      %add3A_638 = vector.broadcast %add3A_637 : i32 to vector<16xi32>
      %add3A_639 = arith.addi %add3A_635, %add3A_638 : vector<16xi32>
      %gather3A_640 = tpu.vector_load_idx %arg5[%add3A_639] : memref<544xi32, #tpu.memory_space<vmem>>[vector<16xi32>], vector<16xi32>,
      %ne3A_641 = arith.constant 0 : i32
      %ne3A_642 = vector.broadcast %ne3A_641 : i32 to vector<16xi32>
      %ne3A_643 = arith.cmpi ne, %gather3A_640, %ne3A_642 : vector<16xi32>
      %jit3A_644 = arith.constant 1.000000e+00 : f32
      %jit3A_645 = arith.constant 0.000000e+00 : f32
      %broadcast_in_dim3A_646 = vector.broadcast %jit3A_644 : f32 to vector<16xf32>
      %broadcast_in_dim3A_647 = vector.broadcast %jit3A_645 : f32 to vector<16xf32>
      %select_n3A_648 = arith.select %ne3A_643, %broadcast_in_dim3A_646, %broadcast_in_dim3A_647 : vector<16xi1>, vector<16xf32>
      %swap3A_649 = arith.constant 5 : i32
      %swap3A_650 = arith.index_cast %swap3A_649 : i32 to index
      %swap3A_651 = arith.constant 0 : index
      %swap3A_652 = tpu.vector_load %arg8[%swap3A_650, %swap3A_651] {strides = array<i32>} : memref<17x16xf32, #tpu.memory_space<vmem>>, vector<16xf32>,
      tpu.vector_store %arg8[%swap3A_650, %swap3A_651], %select_n3A_648 {strides = array<i32>} : memref<17x16xf32, #tpu.memory_space<vmem>>, vector<16xf32>,
      %shift_right_arithmetic3A_653 = arith.constant 11 : i32
      %shift_right_arithmetic3A_654 = vector.broadcast %shift_right_arithmetic3A_653 : i32 to vector<16xi32>
      %shift_right_arithmetic3A_655 = arith.shrsi %gather3A_636, %shift_right_arithmetic3A_654 : vector<16xi32>
      %shift_left3A_656 = arith.constant 11 : i32
      %shift_left3A_657 = vector.broadcast %shift_left3A_656 : i32 to vector<16xi32>
      %shift_left3A_658 = arith.shli %shift_right_arithmetic3A_655, %shift_left3A_657 : vector<16xi32>
      %shift_right_arithmetic3A_659 = arith.constant 7 : i32
      %shift_right_arithmetic3A_660 = vector.broadcast %shift_right_arithmetic3A_659 : i32 to vector<16xi32>
      %shift_right_arithmetic3A_661 = arith.shrsi %gather3A_636, %shift_right_arithmetic3A_660 : vector<16xi32>
      %and3A_662 = arith.constant 1 : i32
      %and3A_663 = vector.broadcast %and3A_662 : i32 to vector<16xi32>
      %and3A_664 = arith.andi %shift_right_arithmetic3A_661, %and3A_663 : vector<16xi32>
      %shift_left3A_665 = arith.constant 10 : i32
      %shift_left3A_666 = vector.broadcast %shift_left3A_665 : i32 to vector<16xi32>
      %shift_left3A_667 = arith.shli %and3A_664, %shift_left3A_666 : vector<16xi32>
      %add3A_668 = arith.addi %shift_left3A_658, %shift_left3A_667 : vector<16xi32>
      %shift_right_arithmetic3A_669 = arith.constant 8 : i32
      %shift_right_arithmetic3A_670 = vector.broadcast %shift_right_arithmetic3A_669 : i32 to vector<16xi32>
      %shift_right_arithmetic3A_671 = arith.shrsi %gather3A_636, %shift_right_arithmetic3A_670 : vector<16xi32>
      %and3A_672 = arith.constant 7 : i32
      %and3A_673 = vector.broadcast %and3A_672 : i32 to vector<16xi32>
      %and3A_674 = arith.andi %shift_right_arithmetic3A_671, %and3A_673 : vector<16xi32>
      %shift_left3A_675 = arith.constant 7 : i32
      %shift_left3A_676 = vector.broadcast %shift_left3A_675 : i32 to vector<16xi32>
      %shift_left3A_677 = arith.shli %and3A_674, %shift_left3A_676 : vector<16xi32>
      %add3A_678 = arith.addi %add3A_668, %shift_left3A_677 : vector<16xi32>
      %and3A_679 = arith.constant 127 : i32
      %and3A_680 = vector.broadcast %and3A_679 : i32 to vector<16xi32>
      %and3A_681 = arith.andi %gather3A_636, %and3A_680 : vector<16xi32>
      %add3A_682 = arith.addi %add3A_678, %and3A_681 : vector<16xi32>
      %mul3A_683 = arith.constant 4 : i32
      %mul3A_684 = arith.muli %select_n3A, %mul3A_683 : i32
      %mul3A_685 = arith.constant 17 : i32
      %mul3A_686 = arith.muli %mul3A_684, %mul3A_685 : i32
      %mul3A_687 = arith.constant 65536 : i32
      %mul3A_688 = arith.muli %mul3A_686, %mul3A_687 : i32
      %add3A_689 = arith.constant 327680 : i32
      %add3A_690 = arith.addi %mul3A_688, %add3A_689 : i32
      %add3A_691 = arith.constant 0 : i32
      %add3A_692 = arith.addi %add3A_690, %add3A_691 : i32
      %add3A_693 = vector.broadcast %add3A_692 : i32 to vector<16xi32>
      %add3A_694 = arith.addi %add3A_682, %add3A_693 : vector<16xi32>
      %swap3A_695 = arith.constant 2 : i32
      %swap3A_696 = arith.index_cast %swap3A_695 : i32 to index
      %swap3A_697 = arith.constant 64 : index
      %swap3A_698 = tpu.vector_load %arg6[%swap3A_696, %swap3A_697] {strides = array<i32>} : memref<9x128xi32, #tpu.memory_space<vmem>>, vector<16xi32>,
      tpu.vector_store %arg6[%swap3A_696, %swap3A_697], %add3A_694 {strides = array<i32>} : memref<9x128xi32, #tpu.memory_space<vmem>>, vector<16xi32>,
      %add3A_699 = arith.constant 1114112 : i32
      %add3A_700 = arith.addi %add3A_690, %add3A_699 : i32
      %add3A_701 = vector.broadcast %add3A_700 : i32 to vector<16xi32>
      %add3A_702 = arith.addi %add3A_682, %add3A_701 : vector<16xi32>
      %swap3A_703 = arith.constant 2 : i32
      %swap3A_704 = arith.index_cast %swap3A_703 : i32 to index
      %swap3A_705 = arith.constant 80 : index
      %swap3A_706 = tpu.vector_load %arg6[%swap3A_704, %swap3A_705] {strides = array<i32>} : memref<9x128xi32, #tpu.memory_space<vmem>>, vector<16xi32>,
      tpu.vector_store %arg6[%swap3A_704, %swap3A_705], %add3A_702 {strides = array<i32>} : memref<9x128xi32, #tpu.memory_space<vmem>>, vector<16xi32>,
      %add3A_707 = arith.constant 2228224 : i32
      %add3A_708 = arith.addi %add3A_690, %add3A_707 : i32
      %add3A_709 = vector.broadcast %add3A_708 : i32 to vector<16xi32>
      %add3A_710 = arith.addi %add3A_682, %add3A_709 : vector<16xi32>
      %swap3A_711 = arith.constant 2 : i32
      %swap3A_712 = arith.index_cast %swap3A_711 : i32 to index
      %swap3A_713 = arith.constant 96 : index
      %swap3A_714 = tpu.vector_load %arg6[%swap3A_712, %swap3A_713] {strides = array<i32>} : memref<9x128xi32, #tpu.memory_space<vmem>>, vector<16xi32>,
      tpu.vector_store %arg6[%swap3A_712, %swap3A_713], %add3A_710 {strides = array<i32>} : memref<9x128xi32, #tpu.memory_space<vmem>>, vector<16xi32>,
      %add3A_715 = arith.constant 3342336 : i32
      %add3A_716 = arith.addi %add3A_690, %add3A_715 : i32
      %add3A_717 = vector.broadcast %add3A_716 : i32 to vector<16xi32>
      %add3A_718 = arith.addi %add3A_682, %add3A_717 : vector<16xi32>
      %swap3A_719 = arith.constant 2 : i32
      %swap3A_720 = arith.index_cast %swap3A_719 : i32 to index
      %swap3A_721 = arith.constant 112 : index
      %swap3A_722 = tpu.vector_load %arg6[%swap3A_720, %swap3A_721] {strides = array<i32>} : memref<9x128xi32, #tpu.memory_space<vmem>>, vector<16xi32>,
      tpu.vector_store %arg6[%swap3A_720, %swap3A_721], %add3A_718 {strides = array<i32>} : memref<9x128xi32, #tpu.memory_space<vmem>>, vector<16xi32>,
      %dma_start3A_723 = arith.constant 2 : i32
      %dma_start3A_724 = arith.constant 2 : i32
      %dma_start3A_725 = arith.constant 0 : i32
      %dma_start3A_726 = tpu.memref_slice %arg7[%dma_start3A_724, %dma_start3A_725] : memref<9x128xf32, #tpu.memory_space<vmem>> -> memref<1x128xf32, #tpu.memory_space<vmem>>
      %dma_start3A_727 = tpu.memref_squeeze %dma_start3A_726 : memref<1x128xf32, #tpu.memory_space<vmem>> -> memref<128xf32, #tpu.memory_space<vmem>>
      %dma_start3A_728 = arith.constant 0 : i32
      %dma_start3A_729 = tpu.memref_slice %arg6[%dma_start3A_723, %dma_start3A_728] : memref<9x128xi32, #tpu.memory_space<vmem>> -> memref<1x128xi32, #tpu.memory_space<vmem>>
      %dma_start3A_730 = tpu.memref_squeeze %dma_start3A_729 : memref<1x128xi32, #tpu.memory_space<vmem>> -> memref<128xi32, #tpu.memory_space<vmem>>
      %dma_start3A_731 = arith.constant 0 : i32
      %dma_start3A_732 = tpu.memref_slice %arg2[%dma_start3A_731] : memref<17825792xf32, #tpu.memory_space<hbm>> -> memref<17825792xf32, #tpu.memory_space<hbm>>
      tpu.enqueue_indirect_dma source(%dma_start3A_732 : memref<17825792xf32, #tpu.memory_space<hbm>>) target(%dma_start3A_727 : memref<128xf32, #tpu.memory_space<vmem>>) offsets(%dma_start3A_730 : memref<128xi32, #tpu.memory_space<vmem>>) semaphore(%arg15 : memref<!tpu.dma_semaphore, #tpu.memory_space<semaphore_mem>>)
      %mul3A_733 = arith.constant 34 : i32
      %mul3A_734 = vector.broadcast %mul3A_733 : i32 to vector<16xi32>
      %mul3A_735 = arith.muli %iota3A, %mul3A_734 : vector<16xi32>
      %add3A_736 = arith.constant 12 : i32
      %add3A_737 = vector.broadcast %add3A_736 : i32 to vector<16xi32>
      %add3A_738 = arith.addi %mul3A_735, %add3A_737 : vector<16xi32>
      %gather3A_739 = tpu.vector_load_idx %arg5[%add3A_738] : memref<544xi32, #tpu.memory_space<vmem>>[vector<16xi32>], vector<16xi32>,
      %add3A_740 = arith.constant 1 : i32
      %add3A_741 = vector.broadcast %add3A_740 : i32 to vector<16xi32>
      %add3A_742 = arith.addi %add3A_738, %add3A_741 : vector<16xi32>
      %gather3A_743 = tpu.vector_load_idx %arg5[%add3A_742] : memref<544xi32, #tpu.memory_space<vmem>>[vector<16xi32>], vector<16xi32>,
      %ne3A_744 = arith.constant 0 : i32
      %ne3A_745 = vector.broadcast %ne3A_744 : i32 to vector<16xi32>
      %ne3A_746 = arith.cmpi ne, %gather3A_743, %ne3A_745 : vector<16xi32>
      %jit3A_747 = arith.constant 1.000000e+00 : f32
      %jit3A_748 = arith.constant 0.000000e+00 : f32
      %broadcast_in_dim3A_749 = vector.broadcast %jit3A_747 : f32 to vector<16xf32>
      %broadcast_in_dim3A_750 = vector.broadcast %jit3A_748 : f32 to vector<16xf32>
      %select_n3A_751 = arith.select %ne3A_746, %broadcast_in_dim3A_749, %broadcast_in_dim3A_750 : vector<16xi1>, vector<16xf32>
      %swap3A_752 = arith.constant 6 : i32
      %swap3A_753 = arith.index_cast %swap3A_752 : i32 to index
      %swap3A_754 = arith.constant 0 : index
      %swap3A_755 = tpu.vector_load %arg8[%swap3A_753, %swap3A_754] {strides = array<i32>} : memref<17x16xf32, #tpu.memory_space<vmem>>, vector<16xf32>,
      tpu.vector_store %arg8[%swap3A_753, %swap3A_754], %select_n3A_751 {strides = array<i32>} : memref<17x16xf32, #tpu.memory_space<vmem>>, vector<16xf32>,
      %shift_right_arithmetic3A_756 = arith.constant 11 : i32
      %shift_right_arithmetic3A_757 = vector.broadcast %shift_right_arithmetic3A_756 : i32 to vector<16xi32>
      %shift_right_arithmetic3A_758 = arith.shrsi %gather3A_739, %shift_right_arithmetic3A_757 : vector<16xi32>
      %shift_left3A_759 = arith.constant 11 : i32
      %shift_left3A_760 = vector.broadcast %shift_left3A_759 : i32 to vector<16xi32>
      %shift_left3A_761 = arith.shli %shift_right_arithmetic3A_758, %shift_left3A_760 : vector<16xi32>
      %shift_right_arithmetic3A_762 = arith.constant 7 : i32
      %shift_right_arithmetic3A_763 = vector.broadcast %shift_right_arithmetic3A_762 : i32 to vector<16xi32>
      %shift_right_arithmetic3A_764 = arith.shrsi %gather3A_739, %shift_right_arithmetic3A_763 : vector<16xi32>
      %and3A_765 = arith.constant 1 : i32
      %and3A_766 = vector.broadcast %and3A_765 : i32 to vector<16xi32>
      %and3A_767 = arith.andi %shift_right_arithmetic3A_764, %and3A_766 : vector<16xi32>
      %shift_left3A_768 = arith.constant 10 : i32
      %shift_left3A_769 = vector.broadcast %shift_left3A_768 : i32 to vector<16xi32>
      %shift_left3A_770 = arith.shli %and3A_767, %shift_left3A_769 : vector<16xi32>
      %add3A_771 = arith.addi %shift_left3A_761, %shift_left3A_770 : vector<16xi32>
      %shift_right_arithmetic3A_772 = arith.constant 8 : i32
      %shift_right_arithmetic3A_773 = vector.broadcast %shift_right_arithmetic3A_772 : i32 to vector<16xi32>
      %shift_right_arithmetic3A_774 = arith.shrsi %gather3A_739, %shift_right_arithmetic3A_773 : vector<16xi32>
      %and3A_775 = arith.constant 7 : i32
      %and3A_776 = vector.broadcast %and3A_775 : i32 to vector<16xi32>
      %and3A_777 = arith.andi %shift_right_arithmetic3A_774, %and3A_776 : vector<16xi32>
      %shift_left3A_778 = arith.constant 7 : i32
      %shift_left3A_779 = vector.broadcast %shift_left3A_778 : i32 to vector<16xi32>
      %shift_left3A_780 = arith.shli %and3A_777, %shift_left3A_779 : vector<16xi32>
      %add3A_781 = arith.addi %add3A_771, %shift_left3A_780 : vector<16xi32>
      %and3A_782 = arith.constant 127 : i32
      %and3A_783 = vector.broadcast %and3A_782 : i32 to vector<16xi32>
      %and3A_784 = arith.andi %gather3A_739, %and3A_783 : vector<16xi32>
      %add3A_785 = arith.addi %add3A_781, %and3A_784 : vector<16xi32>
      %mul3A_786 = arith.constant 4 : i32
      %mul3A_787 = arith.muli %select_n3A, %mul3A_786 : i32
      %mul3A_788 = arith.constant 17 : i32
      %mul3A_789 = arith.muli %mul3A_787, %mul3A_788 : i32
      %mul3A_790 = arith.constant 65536 : i32
      %mul3A_791 = arith.muli %mul3A_789, %mul3A_790 : i32
      %add3A_792 = arith.constant 393216 : i32
      %add3A_793 = arith.addi %mul3A_791, %add3A_792 : i32
      %add3A_794 = arith.constant 0 : i32
      %add3A_795 = arith.addi %add3A_793, %add3A_794 : i32
      %add3A_796 = vector.broadcast %add3A_795 : i32 to vector<16xi32>
      %add3A_797 = arith.addi %add3A_785, %add3A_796 : vector<16xi32>
      %swap3A_798 = arith.constant 3 : i32
      %swap3A_799 = arith.index_cast %swap3A_798 : i32 to index
      %swap3A_800 = arith.constant 0 : index
      %swap3A_801 = tpu.vector_load %arg6[%swap3A_799, %swap3A_800] {strides = array<i32>} : memref<9x128xi32, #tpu.memory_space<vmem>>, vector<16xi32>,
      tpu.vector_store %arg6[%swap3A_799, %swap3A_800], %add3A_797 {strides = array<i32>} : memref<9x128xi32, #tpu.memory_space<vmem>>, vector<16xi32>,
      %add3A_802 = arith.constant 1114112 : i32
      %add3A_803 = arith.addi %add3A_793, %add3A_802 : i32
      %add3A_804 = vector.broadcast %add3A_803 : i32 to vector<16xi32>
      %add3A_805 = arith.addi %add3A_785, %add3A_804 : vector<16xi32>
      %swap3A_806 = arith.constant 3 : i32
      %swap3A_807 = arith.index_cast %swap3A_806 : i32 to index
      %swap3A_808 = arith.constant 16 : index
      %swap3A_809 = tpu.vector_load %arg6[%swap3A_807, %swap3A_808] {strides = array<i32>} : memref<9x128xi32, #tpu.memory_space<vmem>>, vector<16xi32>,
      tpu.vector_store %arg6[%swap3A_807, %swap3A_808], %add3A_805 {strides = array<i32>} : memref<9x128xi32, #tpu.memory_space<vmem>>, vector<16xi32>,
      %add3A_810 = arith.constant 2228224 : i32
      %add3A_811 = arith.addi %add3A_793, %add3A_810 : i32
      %add3A_812 = vector.broadcast %add3A_811 : i32 to vector<16xi32>
      %add3A_813 = arith.addi %add3A_785, %add3A_812 : vector<16xi32>
      %swap3A_814 = arith.constant 3 : i32
      %swap3A_815 = arith.index_cast %swap3A_814 : i32 to index
      %swap3A_816 = arith.constant 32 : index
      %swap3A_817 = tpu.vector_load %arg6[%swap3A_815, %swap3A_816] {strides = array<i32>} : memref<9x128xi32, #tpu.memory_space<vmem>>, vector<16xi32>,
      tpu.vector_store %arg6[%swap3A_815, %swap3A_816], %add3A_813 {strides = array<i32>} : memref<9x128xi32, #tpu.memory_space<vmem>>, vector<16xi32>,
      %add3A_818 = arith.constant 3342336 : i32
      %add3A_819 = arith.addi %add3A_793, %add3A_818 : i32
      %add3A_820 = vector.broadcast %add3A_819 : i32 to vector<16xi32>
      %add3A_821 = arith.addi %add3A_785, %add3A_820 : vector<16xi32>
      %swap3A_822 = arith.constant 3 : i32
      %swap3A_823 = arith.index_cast %swap3A_822 : i32 to index
      %swap3A_824 = arith.constant 48 : index
      %swap3A_825 = tpu.vector_load %arg6[%swap3A_823, %swap3A_824] {strides = array<i32>} : memref<9x128xi32, #tpu.memory_space<vmem>>, vector<16xi32>,
      tpu.vector_store %arg6[%swap3A_823, %swap3A_824], %add3A_821 {strides = array<i32>} : memref<9x128xi32, #tpu.memory_space<vmem>>, vector<16xi32>,
      %mul3A_826 = arith.constant 34 : i32
      %mul3A_827 = vector.broadcast %mul3A_826 : i32 to vector<16xi32>
      %mul3A_828 = arith.muli %iota3A, %mul3A_827 : vector<16xi32>
      %add3A_829 = arith.constant 14 : i32
      %add3A_830 = vector.broadcast %add3A_829 : i32 to vector<16xi32>
      %add3A_831 = arith.addi %mul3A_828, %add3A_830 : vector<16xi32>
      %gather3A_832 = tpu.vector_load_idx %arg5[%add3A_831] : memref<544xi32, #tpu.memory_space<vmem>>[vector<16xi32>], vector<16xi32>,
      %add3A_833 = arith.constant 1 : i32
      %add3A_834 = vector.broadcast %add3A_833 : i32 to vector<16xi32>
      %add3A_835 = arith.addi %add3A_831, %add3A_834 : vector<16xi32>
      %gather3A_836 = tpu.vector_load_idx %arg5[%add3A_835] : memref<544xi32, #tpu.memory_space<vmem>>[vector<16xi32>], vector<16xi32>,
      %ne3A_837 = arith.constant 0 : i32
      %ne3A_838 = vector.broadcast %ne3A_837 : i32 to vector<16xi32>
      %ne3A_839 = arith.cmpi ne, %gather3A_836, %ne3A_838 : vector<16xi32>
      %jit3A_840 = arith.constant 1.000000e+00 : f32
      %jit3A_841 = arith.constant 0.000000e+00 : f32
      %broadcast_in_dim3A_842 = vector.broadcast %jit3A_840 : f32 to vector<16xf32>
      %broadcast_in_dim3A_843 = vector.broadcast %jit3A_841 : f32 to vector<16xf32>
      %select_n3A_844 = arith.select %ne3A_839, %broadcast_in_dim3A_842, %broadcast_in_dim3A_843 : vector<16xi1>, vector<16xf32>
      %swap3A_845 = arith.constant 7 : i32
      %swap3A_846 = arith.index_cast %swap3A_845 : i32 to index
      %swap3A_847 = arith.constant 0 : index
      %swap3A_848 = tpu.vector_load %arg8[%swap3A_846, %swap3A_847] {strides = array<i32>} : memref<17x16xf32, #tpu.memory_space<vmem>>, vector<16xf32>,
      tpu.vector_store %arg8[%swap3A_846, %swap3A_847], %select_n3A_844 {strides = array<i32>} : memref<17x16xf32, #tpu.memory_space<vmem>>, vector<16xf32>,
      %shift_right_arithmetic3A_849 = arith.constant 11 : i32
      %shift_right_arithmetic3A_850 = vector.broadcast %shift_right_arithmetic3A_849 : i32 to vector<16xi32>
      %shift_right_arithmetic3A_851 = arith.shrsi %gather3A_832, %shift_right_arithmetic3A_850 : vector<16xi32>
      %shift_left3A_852 = arith.constant 11 : i32
      %shift_left3A_853 = vector.broadcast %shift_left3A_852 : i32 to vector<16xi32>
      %shift_left3A_854 = arith.shli %shift_right_arithmetic3A_851, %shift_left3A_853 : vector<16xi32>
      %shift_right_arithmetic3A_855 = arith.constant 7 : i32
      %shift_right_arithmetic3A_856 = vector.broadcast %shift_right_arithmetic3A_855 : i32 to vector<16xi32>
      %shift_right_arithmetic3A_857 = arith.shrsi %gather3A_832, %shift_right_arithmetic3A_856 : vector<16xi32>
      %and3A_858 = arith.constant 1 : i32
      %and3A_859 = vector.broadcast %and3A_858 : i32 to vector<16xi32>
      %and3A_860 = arith.andi %shift_right_arithmetic3A_857, %and3A_859 : vector<16xi32>
      %shift_left3A_861 = arith.constant 10 : i32
      %shift_left3A_862 = vector.broadcast %shift_left3A_861 : i32 to vector<16xi32>
      %shift_left3A_863 = arith.shli %and3A_860, %shift_left3A_862 : vector<16xi32>
      %add3A_864 = arith.addi %shift_left3A_854, %shift_left3A_863 : vector<16xi32>
      %shift_right_arithmetic3A_865 = arith.constant 8 : i32
      %shift_right_arithmetic3A_866 = vector.broadcast %shift_right_arithmetic3A_865 : i32 to vector<16xi32>
      %shift_right_arithmetic3A_867 = arith.shrsi %gather3A_832, %shift_right_arithmetic3A_866 : vector<16xi32>
      %and3A_868 = arith.constant 7 : i32
      %and3A_869 = vector.broadcast %and3A_868 : i32 to vector<16xi32>
      %and3A_870 = arith.andi %shift_right_arithmetic3A_867, %and3A_869 : vector<16xi32>
      %shift_left3A_871 = arith.constant 7 : i32
      %shift_left3A_872 = vector.broadcast %shift_left3A_871 : i32 to vector<16xi32>
      %shift_left3A_873 = arith.shli %and3A_870, %shift_left3A_872 : vector<16xi32>
      %add3A_874 = arith.addi %add3A_864, %shift_left3A_873 : vector<16xi32>
      %and3A_875 = arith.constant 127 : i32
      %and3A_876 = vector.broadcast %and3A_875 : i32 to vector<16xi32>
      %and3A_877 = arith.andi %gather3A_832, %and3A_876 : vector<16xi32>
      %add3A_878 = arith.addi %add3A_874, %and3A_877 : vector<16xi32>
      %mul3A_879 = arith.constant 4 : i32
      %mul3A_880 = arith.muli %select_n3A, %mul3A_879 : i32
      %mul3A_881 = arith.constant 17 : i32
      %mul3A_882 = arith.muli %mul3A_880, %mul3A_881 : i32
      %mul3A_883 = arith.constant 65536 : i32
      %mul3A_884 = arith.muli %mul3A_882, %mul3A_883 : i32
      %add3A_885 = arith.constant 458752 : i32
      %add3A_886 = arith.addi %mul3A_884, %add3A_885 : i32
      %add3A_887 = arith.constant 0 : i32
      %add3A_888 = arith.addi %add3A_886, %add3A_887 : i32
      %add3A_889 = vector.broadcast %add3A_888 : i32 to vector<16xi32>
      %add3A_890 = arith.addi %add3A_878, %add3A_889 : vector<16xi32>
      %swap3A_891 = arith.constant 3 : i32
      %swap3A_892 = arith.index_cast %swap3A_891 : i32 to index
      %swap3A_893 = arith.constant 64 : index
      %swap3A_894 = tpu.vector_load %arg6[%swap3A_892, %swap3A_893] {strides = array<i32>} : memref<9x128xi32, #tpu.memory_space<vmem>>, vector<16xi32>,
      tpu.vector_store %arg6[%swap3A_892, %swap3A_893], %add3A_890 {strides = array<i32>} : memref<9x128xi32, #tpu.memory_space<vmem>>, vector<16xi32>,
      %add3A_895 = arith.constant 1114112 : i32
      %add3A_896 = arith.addi %add3A_886, %add3A_895 : i32
      %add3A_897 = vector.broadcast %add3A_896 : i32 to vector<16xi32>
      %add3A_898 = arith.addi %add3A_878, %add3A_897 : vector<16xi32>
      %swap3A_899 = arith.constant 3 : i32
      %swap3A_900 = arith.index_cast %swap3A_899 : i32 to index
      %swap3A_901 = arith.constant 80 : index
      %swap3A_902 = tpu.vector_load %arg6[%swap3A_900, %swap3A_901] {strides = array<i32>} : memref<9x128xi32, #tpu.memory_space<vmem>>, vector<16xi32>,
      tpu.vector_store %arg6[%swap3A_900, %swap3A_901], %add3A_898 {strides = array<i32>} : memref<9x128xi32, #tpu.memory_space<vmem>>, vector<16xi32>,
      %add3A_903 = arith.constant 2228224 : i32
      %add3A_904 = arith.addi %add3A_886, %add3A_903 : i32
      %add3A_905 = vector.broadcast %add3A_904 : i32 to vector<16xi32>
      %add3A_906 = arith.addi %add3A_878, %add3A_905 : vector<16xi32>
      %swap3A_907 = arith.constant 3 : i32
      %swap3A_908 = arith.index_cast %swap3A_907 : i32 to index
      %swap3A_909 = arith.constant 96 : index
      %swap3A_910 = tpu.vector_load %arg6[%swap3A_908, %swap3A_909] {strides = array<i32>} : memref<9x128xi32, #tpu.memory_space<vmem>>, vector<16xi32>,
      tpu.vector_store %arg6[%swap3A_908, %swap3A_909], %add3A_906 {strides = array<i32>} : memref<9x128xi32, #tpu.memory_space<vmem>>, vector<16xi32>,
      %add3A_911 = arith.constant 3342336 : i32
      %add3A_912 = arith.addi %add3A_886, %add3A_911 : i32
      %add3A_913 = vector.broadcast %add3A_912 : i32 to vector<16xi32>
      %add3A_914 = arith.addi %add3A_878, %add3A_913 : vector<16xi32>
      %swap3A_915 = arith.constant 3 : i32
      %swap3A_916 = arith.index_cast %swap3A_915 : i32 to index
      %swap3A_917 = arith.constant 112 : index
      %swap3A_918 = tpu.vector_load %arg6[%swap3A_916, %swap3A_917] {strides = array<i32>} : memref<9x128xi32, #tpu.memory_space<vmem>>, vector<16xi32>,
      tpu.vector_store %arg6[%swap3A_916, %swap3A_917], %add3A_914 {strides = array<i32>} : memref<9x128xi32, #tpu.memory_space<vmem>>, vector<16xi32>,
      %dma_start3A_919 = arith.constant 3 : i32
      %dma_start3A_920 = arith.constant 3 : i32
      %dma_start3A_921 = arith.constant 0 : i32
      %dma_start3A_922 = tpu.memref_slice %arg7[%dma_start3A_920, %dma_start3A_921] : memref<9x128xf32, #tpu.memory_space<vmem>> -> memref<1x128xf32, #tpu.memory_space<vmem>>
      %dma_start3A_923 = tpu.memref_squeeze %dma_start3A_922 : memref<1x128xf32, #tpu.memory_space<vmem>> -> memref<128xf32, #tpu.memory_space<vmem>>
      %dma_start3A_924 = arith.constant 0 : i32
      %dma_start3A_925 = tpu.memref_slice %arg6[%dma_start3A_919, %dma_start3A_924] : memref<9x128xi32, #tpu.memory_space<vmem>> -> memref<1x128xi32, #tpu.memory_space<vmem>>
      %dma_start3A_926 = tpu.memref_squeeze %dma_start3A_925 : memref<1x128xi32, #tpu.memory_space<vmem>> -> memref<128xi32, #tpu.memory_space<vmem>>
      %dma_start3A_927 = arith.constant 0 : i32
      %dma_start3A_928 = tpu.memref_slice %arg2[%dma_start3A_927] : memref<17825792xf32, #tpu.memory_space<hbm>> -> memref<17825792xf32, #tpu.memory_space<hbm>>
      tpu.enqueue_indirect_dma source(%dma_start3A_928 : memref<17825792xf32, #tpu.memory_space<hbm>>) target(%dma_start3A_923 : memref<128xf32, #tpu.memory_space<vmem>>) offsets(%dma_start3A_926 : memref<128xi32, #tpu.memory_space<vmem>>) semaphore(%arg15 : memref<!tpu.dma_semaphore, #tpu.memory_space<semaphore_mem>>)
      %mul3A_929 = arith.constant 34 : i32
      %mul3A_930 = vector.broadcast %mul3A_929 : i32 to vector<16xi32>
      %mul3A_931 = arith.muli %iota3A, %mul3A_930 : vector<16xi32>
      %add3A_932 = arith.constant 16 : i32
      %add3A_933 = vector.broadcast %add3A_932 : i32 to vector<16xi32>
      %add3A_934 = arith.addi %mul3A_931, %add3A_933 : vector<16xi32>
      %gather3A_935 = tpu.vector_load_idx %arg5[%add3A_934] : memref<544xi32, #tpu.memory_space<vmem>>[vector<16xi32>], vector<16xi32>,
      %add3A_936 = arith.constant 1 : i32
      %add3A_937 = vector.broadcast %add3A_936 : i32 to vector<16xi32>
      %add3A_938 = arith.addi %add3A_934, %add3A_937 : vector<16xi32>
      %gather3A_939 = tpu.vector_load_idx %arg5[%add3A_938] : memref<544xi32, #tpu.memory_space<vmem>>[vector<16xi32>], vector<16xi32>,
      %ne3A_940 = arith.constant 0 : i32
      %ne3A_941 = vector.broadcast %ne3A_940 : i32 to vector<16xi32>
      %ne3A_942 = arith.cmpi ne, %gather3A_939, %ne3A_941 : vector<16xi32>
      %jit3A_943 = arith.constant 1.000000e+00 : f32
      %jit3A_944 = arith.constant 0.000000e+00 : f32
      %broadcast_in_dim3A_945 = vector.broadcast %jit3A_943 : f32 to vector<16xf32>
      %broadcast_in_dim3A_946 = vector.broadcast %jit3A_944 : f32 to vector<16xf32>
      %select_n3A_947 = arith.select %ne3A_942, %broadcast_in_dim3A_945, %broadcast_in_dim3A_946 : vector<16xi1>, vector<16xf32>
      %swap3A_948 = arith.constant 8 : i32
      %swap3A_949 = arith.index_cast %swap3A_948 : i32 to index
      %swap3A_950 = arith.constant 0 : index
      %swap3A_951 = tpu.vector_load %arg8[%swap3A_949, %swap3A_950] {strides = array<i32>} : memref<17x16xf32, #tpu.memory_space<vmem>>, vector<16xf32>,
      tpu.vector_store %arg8[%swap3A_949, %swap3A_950], %select_n3A_947 {strides = array<i32>} : memref<17x16xf32, #tpu.memory_space<vmem>>, vector<16xf32>,
      %shift_right_arithmetic3A_952 = arith.constant 11 : i32
      %shift_right_arithmetic3A_953 = vector.broadcast %shift_right_arithmetic3A_952 : i32 to vector<16xi32>
      %shift_right_arithmetic3A_954 = arith.shrsi %gather3A_935, %shift_right_arithmetic3A_953 : vector<16xi32>
      %shift_left3A_955 = arith.constant 11 : i32
      %shift_left3A_956 = vector.broadcast %shift_left3A_955 : i32 to vector<16xi32>
      %shift_left3A_957 = arith.shli %shift_right_arithmetic3A_954, %shift_left3A_956 : vector<16xi32>
      %shift_right_arithmetic3A_958 = arith.constant 7 : i32
      %shift_right_arithmetic3A_959 = vector.broadcast %shift_right_arithmetic3A_958 : i32 to vector<16xi32>
      %shift_right_arithmetic3A_960 = arith.shrsi %gather3A_935, %shift_right_arithmetic3A_959 : vector<16xi32>
      %and3A_961 = arith.constant 1 : i32
      %and3A_962 = vector.broadcast %and3A_961 : i32 to vector<16xi32>
      %and3A_963 = arith.andi %shift_right_arithmetic3A_960, %and3A_962 : vector<16xi32>
      %shift_left3A_964 = arith.constant 10 : i32
      %shift_left3A_965 = vector.broadcast %shift_left3A_964 : i32 to vector<16xi32>
      %shift_left3A_966 = arith.shli %and3A_963, %shift_left3A_965 : vector<16xi32>
      %add3A_967 = arith.addi %shift_left3A_957, %shift_left3A_966 : vector<16xi32>
      %shift_right_arithmetic3A_968 = arith.constant 8 : i32
      %shift_right_arithmetic3A_969 = vector.broadcast %shift_right_arithmetic3A_968 : i32 to vector<16xi32>
      %shift_right_arithmetic3A_970 = arith.shrsi %gather3A_935, %shift_right_arithmetic3A_969 : vector<16xi32>
      %and3A_971 = arith.constant 7 : i32
      %and3A_972 = vector.broadcast %and3A_971 : i32 to vector<16xi32>
      %and3A_973 = arith.andi %shift_right_arithmetic3A_970, %and3A_972 : vector<16xi32>
      %shift_left3A_974 = arith.constant 7 : i32
      %shift_left3A_975 = vector.broadcast %shift_left3A_974 : i32 to vector<16xi32>
      %shift_left3A_976 = arith.shli %and3A_973, %shift_left3A_975 : vector<16xi32>
      %add3A_977 = arith.addi %add3A_967, %shift_left3A_976 : vector<16xi32>
      %and3A_978 = arith.constant 127 : i32
      %and3A_979 = vector.broadcast %and3A_978 : i32 to vector<16xi32>
      %and3A_980 = arith.andi %gather3A_935, %and3A_979 : vector<16xi32>
      %add3A_981 = arith.addi %add3A_977, %and3A_980 : vector<16xi32>
      %mul3A_982 = arith.constant 4 : i32
      %mul3A_983 = arith.muli %select_n3A, %mul3A_982 : i32
      %mul3A_984 = arith.constant 17 : i32
      %mul3A_985 = arith.muli %mul3A_983, %mul3A_984 : i32
      %mul3A_986 = arith.constant 65536 : i32
      %mul3A_987 = arith.muli %mul3A_985, %mul3A_986 : i32
      %add3A_988 = arith.constant 524288 : i32
      %add3A_989 = arith.addi %mul3A_987, %add3A_988 : i32
      %add3A_990 = arith.constant 0 : i32
      %add3A_991 = arith.addi %add3A_989, %add3A_990 : i32
      %add3A_992 = vector.broadcast %add3A_991 : i32 to vector<16xi32>
      %add3A_993 = arith.addi %add3A_981, %add3A_992 : vector<16xi32>
      %swap3A_994 = arith.constant 4 : i32
      %swap3A_995 = arith.index_cast %swap3A_994 : i32 to index
      %swap3A_996 = arith.constant 0 : index
      %swap3A_997 = tpu.vector_load %arg6[%swap3A_995, %swap3A_996] {strides = array<i32>} : memref<9x128xi32, #tpu.memory_space<vmem>>, vector<16xi32>,
      tpu.vector_store %arg6[%swap3A_995, %swap3A_996], %add3A_993 {strides = array<i32>} : memref<9x128xi32, #tpu.memory_space<vmem>>, vector<16xi32>,
      %add3A_998 = arith.constant 1114112 : i32
      %add3A_999 = arith.addi %add3A_989, %add3A_998 : i32
      %add3A_1000 = vector.broadcast %add3A_999 : i32 to vector<16xi32>
      %add3A_1001 = arith.addi %add3A_981, %add3A_1000 : vector<16xi32>
      %swap3A_1002 = arith.constant 4 : i32
      %swap3A_1003 = arith.index_cast %swap3A_1002 : i32 to index
      %swap3A_1004 = arith.constant 16 : index
      %swap3A_1005 = tpu.vector_load %arg6[%swap3A_1003, %swap3A_1004] {strides = array<i32>} : memref<9x128xi32, #tpu.memory_space<vmem>>, vector<16xi32>,
      tpu.vector_store %arg6[%swap3A_1003, %swap3A_1004], %add3A_1001 {strides = array<i32>} : memref<9x128xi32, #tpu.memory_space<vmem>>, vector<16xi32>,
      %add3A_1006 = arith.constant 2228224 : i32
      %add3A_1007 = arith.addi %add3A_989, %add3A_1006 : i32
      %add3A_1008 = vector.broadcast %add3A_1007 : i32 to vector<16xi32>
      %add3A_1009 = arith.addi %add3A_981, %add3A_1008 : vector<16xi32>
      %swap3A_1010 = arith.constant 4 : i32
      %swap3A_1011 = arith.index_cast %swap3A_1010 : i32 to index
      %swap3A_1012 = arith.constant 32 : index
      %swap3A_1013 = tpu.vector_load %arg6[%swap3A_1011, %swap3A_1012] {strides = array<i32>} : memref<9x128xi32, #tpu.memory_space<vmem>>, vector<16xi32>,
      tpu.vector_store %arg6[%swap3A_1011, %swap3A_1012], %add3A_1009 {strides = array<i32>} : memref<9x128xi32, #tpu.memory_space<vmem>>, vector<16xi32>,
      %add3A_1014 = arith.constant 3342336 : i32
      %add3A_1015 = arith.addi %add3A_989, %add3A_1014 : i32
      %add3A_1016 = vector.broadcast %add3A_1015 : i32 to vector<16xi32>
      %add3A_1017 = arith.addi %add3A_981, %add3A_1016 : vector<16xi32>
      %swap3A_1018 = arith.constant 4 : i32
      %swap3A_1019 = arith.index_cast %swap3A_1018 : i32 to index
      %swap3A_1020 = arith.constant 48 : index
      %swap3A_1021 = tpu.vector_load %arg6[%swap3A_1019, %swap3A_1020] {strides = array<i32>} : memref<9x128xi32, #tpu.memory_space<vmem>>, vector<16xi32>,
      tpu.vector_store %arg6[%swap3A_1019, %swap3A_1020], %add3A_1017 {strides = array<i32>} : memref<9x128xi32, #tpu.memory_space<vmem>>, vector<16xi32>,
      %mul3A_1022 = arith.constant 34 : i32
      %mul3A_1023 = vector.broadcast %mul3A_1022 : i32 to vector<16xi32>
      %mul3A_1024 = arith.muli %iota3A, %mul3A_1023 : vector<16xi32>
      %add3A_1025 = arith.constant 18 : i32
      %add3A_1026 = vector.broadcast %add3A_1025 : i32 to vector<16xi32>
      %add3A_1027 = arith.addi %mul3A_1024, %add3A_1026 : vector<16xi32>
      %gather3A_1028 = tpu.vector_load_idx %arg5[%add3A_1027] : memref<544xi32, #tpu.memory_space<vmem>>[vector<16xi32>], vector<16xi32>,
      %add3A_1029 = arith.constant 1 : i32
      %add3A_1030 = vector.broadcast %add3A_1029 : i32 to vector<16xi32>
      %add3A_1031 = arith.addi %add3A_1027, %add3A_1030 : vector<16xi32>
      %gather3A_1032 = tpu.vector_load_idx %arg5[%add3A_1031] : memref<544xi32, #tpu.memory_space<vmem>>[vector<16xi32>], vector<16xi32>,
      %ne3A_1033 = arith.constant 0 : i32
      %ne3A_1034 = vector.broadcast %ne3A_1033 : i32 to vector<16xi32>
      %ne3A_1035 = arith.cmpi ne, %gather3A_1032, %ne3A_1034 : vector<16xi32>
      %jit3A_1036 = arith.constant 1.000000e+00 : f32
      %jit3A_1037 = arith.constant 0.000000e+00 : f32
      %broadcast_in_dim3A_1038 = vector.broadcast %jit3A_1036 : f32 to vector<16xf32>
      %broadcast_in_dim3A_1039 = vector.broadcast %jit3A_1037 : f32 to vector<16xf32>
      %select_n3A_1040 = arith.select %ne3A_1035, %broadcast_in_dim3A_1038, %broadcast_in_dim3A_1039 : vector<16xi1>, vector<16xf32>
      %swap3A_1041 = arith.constant 9 : i32
      %swap3A_1042 = arith.index_cast %swap3A_1041 : i32 to index
      %swap3A_1043 = arith.constant 0 : index
      %swap3A_1044 = tpu.vector_load %arg8[%swap3A_1042, %swap3A_1043] {strides = array<i32>} : memref<17x16xf32, #tpu.memory_space<vmem>>, vector<16xf32>,
      tpu.vector_store %arg8[%swap3A_1042, %swap3A_1043], %select_n3A_1040 {strides = array<i32>} : memref<17x16xf32, #tpu.memory_space<vmem>>, vector<16xf32>,
      %shift_right_arithmetic3A_1045 = arith.constant 11 : i32
      %shift_right_arithmetic3A_1046 = vector.broadcast %shift_right_arithmetic3A_1045 : i32 to vector<16xi32>
      %shift_right_arithmetic3A_1047 = arith.shrsi %gather3A_1028, %shift_right_arithmetic3A_1046 : vector<16xi32>
      %shift_left3A_1048 = arith.constant 11 : i32
      %shift_left3A_1049 = vector.broadcast %shift_left3A_1048 : i32 to vector<16xi32>
      %shift_left3A_1050 = arith.shli %shift_right_arithmetic3A_1047, %shift_left3A_1049 : vector<16xi32>
      %shift_right_arithmetic3A_1051 = arith.constant 7 : i32
      %shift_right_arithmetic3A_1052 = vector.broadcast %shift_right_arithmetic3A_1051 : i32 to vector<16xi32>
      %shift_right_arithmetic3A_1053 = arith.shrsi %gather3A_1028, %shift_right_arithmetic3A_1052 : vector<16xi32>
      %and3A_1054 = arith.constant 1 : i32
      %and3A_1055 = vector.broadcast %and3A_1054 : i32 to vector<16xi32>
      %and3A_1056 = arith.andi %shift_right_arithmetic3A_1053, %and3A_1055 : vector<16xi32>
      %shift_left3A_1057 = arith.constant 10 : i32
      %shift_left3A_1058 = vector.broadcast %shift_left3A_1057 : i32 to vector<16xi32>
      %shift_left3A_1059 = arith.shli %and3A_1056, %shift_left3A_1058 : vector<16xi32>
      %add3A_1060 = arith.addi %shift_left3A_1050, %shift_left3A_1059 : vector<16xi32>
      %shift_right_arithmetic3A_1061 = arith.constant 8 : i32
      %shift_right_arithmetic3A_1062 = vector.broadcast %shift_right_arithmetic3A_1061 : i32 to vector<16xi32>
      %shift_right_arithmetic3A_1063 = arith.shrsi %gather3A_1028, %shift_right_arithmetic3A_1062 : vector<16xi32>
      %and3A_1064 = arith.constant 7 : i32
      %and3A_1065 = vector.broadcast %and3A_1064 : i32 to vector<16xi32>
      %and3A_1066 = arith.andi %shift_right_arithmetic3A_1063, %and3A_1065 : vector<16xi32>
      %shift_left3A_1067 = arith.constant 7 : i32
      %shift_left3A_1068 = vector.broadcast %shift_left3A_1067 : i32 to vector<16xi32>
      %shift_left3A_1069 = arith.shli %and3A_1066, %shift_left3A_1068 : vector<16xi32>
      %add3A_1070 = arith.addi %add3A_1060, %shift_left3A_1069 : vector<16xi32>
      %and3A_1071 = arith.constant 127 : i32
      %and3A_1072 = vector.broadcast %and3A_1071 : i32 to vector<16xi32>
      %and3A_1073 = arith.andi %gather3A_1028, %and3A_1072 : vector<16xi32>
      %add3A_1074 = arith.addi %add3A_1070, %and3A_1073 : vector<16xi32>
      %mul3A_1075 = arith.constant 4 : i32
      %mul3A_1076 = arith.muli %select_n3A, %mul3A_1075 : i32
      %mul3A_1077 = arith.constant 17 : i32
      %mul3A_1078 = arith.muli %mul3A_1076, %mul3A_1077 : i32
      %mul3A_1079 = arith.constant 65536 : i32
      %mul3A_1080 = arith.muli %mul3A_1078, %mul3A_1079 : i32
      %add3A_1081 = arith.constant 589824 : i32
      %add3A_1082 = arith.addi %mul3A_1080, %add3A_1081 : i32
      %add3A_1083 = arith.constant 0 : i32
      %add3A_1084 = arith.addi %add3A_1082, %add3A_1083 : i32
      %add3A_1085 = vector.broadcast %add3A_1084 : i32 to vector<16xi32>
      %add3A_1086 = arith.addi %add3A_1074, %add3A_1085 : vector<16xi32>
      %swap3A_1087 = arith.constant 4 : i32
      %swap3A_1088 = arith.index_cast %swap3A_1087 : i32 to index
      %swap3A_1089 = arith.constant 64 : index
      %swap3A_1090 = tpu.vector_load %arg6[%swap3A_1088, %swap3A_1089] {strides = array<i32>} : memref<9x128xi32, #tpu.memory_space<vmem>>, vector<16xi32>,
      tpu.vector_store %arg6[%swap3A_1088, %swap3A_1089], %add3A_1086 {strides = array<i32>} : memref<9x128xi32, #tpu.memory_space<vmem>>, vector<16xi32>,
      %add3A_1091 = arith.constant 1114112 : i32
      %add3A_1092 = arith.addi %add3A_1082, %add3A_1091 : i32
      %add3A_1093 = vector.broadcast %add3A_1092 : i32 to vector<16xi32>
      %add3A_1094 = arith.addi %add3A_1074, %add3A_1093 : vector<16xi32>
      %swap3A_1095 = arith.constant 4 : i32
      %swap3A_1096 = arith.index_cast %swap3A_1095 : i32 to index
      %swap3A_1097 = arith.constant 80 : index
      %swap3A_1098 = tpu.vector_load %arg6[%swap3A_1096, %swap3A_1097] {strides = array<i32>} : memref<9x128xi32, #tpu.memory_space<vmem>>, vector<16xi32>,
      tpu.vector_store %arg6[%swap3A_1096, %swap3A_1097], %add3A_1094 {strides = array<i32>} : memref<9x128xi32, #tpu.memory_space<vmem>>, vector<16xi32>,
      %add3A_1099 = arith.constant 2228224 : i32
      %add3A_1100 = arith.addi %add3A_1082, %add3A_1099 : i32
      %add3A_1101 = vector.broadcast %add3A_1100 : i32 to vector<16xi32>
      %add3A_1102 = arith.addi %add3A_1074, %add3A_1101 : vector<16xi32>
      %swap3A_1103 = arith.constant 4 : i32
      %swap3A_1104 = arith.index_cast %swap3A_1103 : i32 to index
      %swap3A_1105 = arith.constant 96 : index
      %swap3A_1106 = tpu.vector_load %arg6[%swap3A_1104, %swap3A_1105] {strides = array<i32>} : memref<9x128xi32, #tpu.memory_space<vmem>>, vector<16xi32>,
      tpu.vector_store %arg6[%swap3A_1104, %swap3A_1105], %add3A_1102 {strides = array<i32>} : memref<9x128xi32, #tpu.memory_space<vmem>>, vector<16xi32>,
      %add3A_1107 = arith.constant 3342336 : i32
      %add3A_1108 = arith.addi %add3A_1082, %add3A_1107 : i32
      %add3A_1109 = vector.broadcast %add3A_1108 : i32 to vector<16xi32>
      %add3A_1110 = arith.addi %add3A_1074, %add3A_1109 : vector<16xi32>
      %swap3A_1111 = arith.constant 4 : i32
      %swap3A_1112 = arith.index_cast %swap3A_1111 : i32 to index
      %swap3A_1113 = arith.constant 112 : index
      %swap3A_1114 = tpu.vector_load %arg6[%swap3A_1112, %swap3A_1113] {strides = array<i32>} : memref<9x128xi32, #tpu.memory_space<vmem>>, vector<16xi32>,
      tpu.vector_store %arg6[%swap3A_1112, %swap3A_1113], %add3A_1110 {strides = array<i32>} : memref<9x128xi32, #tpu.memory_space<vmem>>, vector<16xi32>,
      %dma_start3A_1115 = arith.constant 4 : i32
      %dma_start3A_1116 = arith.constant 4 : i32
      %dma_start3A_1117 = arith.constant 0 : i32
      %dma_start3A_1118 = tpu.memref_slice %arg7[%dma_start3A_1116, %dma_start3A_1117] : memref<9x128xf32, #tpu.memory_space<vmem>> -> memref<1x128xf32, #tpu.memory_space<vmem>>
      %dma_start3A_1119 = tpu.memref_squeeze %dma_start3A_1118 : memref<1x128xf32, #tpu.memory_space<vmem>> -> memref<128xf32, #tpu.memory_space<vmem>>
      %dma_start3A_1120 = arith.constant 0 : i32
      %dma_start3A_1121 = tpu.memref_slice %arg6[%dma_start3A_1115, %dma_start3A_1120] : memref<9x128xi32, #tpu.memory_space<vmem>> -> memref<1x128xi32, #tpu.memory_space<vmem>>
      %dma_start3A_1122 = tpu.memref_squeeze %dma_start3A_1121 : memref<1x128xi32, #tpu.memory_space<vmem>> -> memref<128xi32, #tpu.memory_space<vmem>>
      %dma_start3A_1123 = arith.constant 0 : i32
      %dma_start3A_1124 = tpu.memref_slice %arg2[%dma_start3A_1123] : memref<17825792xf32, #tpu.memory_space<hbm>> -> memref<17825792xf32, #tpu.memory_space<hbm>>
      tpu.enqueue_indirect_dma source(%dma_start3A_1124 : memref<17825792xf32, #tpu.memory_space<hbm>>) target(%dma_start3A_1119 : memref<128xf32, #tpu.memory_space<vmem>>) offsets(%dma_start3A_1122 : memref<128xi32, #tpu.memory_space<vmem>>) semaphore(%arg15 : memref<!tpu.dma_semaphore, #tpu.memory_space<semaphore_mem>>)
      %mul3A_1125 = arith.constant 34 : i32
      %mul3A_1126 = vector.broadcast %mul3A_1125 : i32 to vector<16xi32>
      %mul3A_1127 = arith.muli %iota3A, %mul3A_1126 : vector<16xi32>
      %add3A_1128 = arith.constant 20 : i32
      %add3A_1129 = vector.broadcast %add3A_1128 : i32 to vector<16xi32>
      %add3A_1130 = arith.addi %mul3A_1127, %add3A_1129 : vector<16xi32>
      %gather3A_1131 = tpu.vector_load_idx %arg5[%add3A_1130] : memref<544xi32, #tpu.memory_space<vmem>>[vector<16xi32>], vector<16xi32>,
      %add3A_1132 = arith.constant 1 : i32
      %add3A_1133 = vector.broadcast %add3A_1132 : i32 to vector<16xi32>
      %add3A_1134 = arith.addi %add3A_1130, %add3A_1133 : vector<16xi32>
      %gather3A_1135 = tpu.vector_load_idx %arg5[%add3A_1134] : memref<544xi32, #tpu.memory_space<vmem>>[vector<16xi32>], vector<16xi32>,
      %ne3A_1136 = arith.constant 0 : i32
      %ne3A_1137 = vector.broadcast %ne3A_1136 : i32 to vector<16xi32>
      %ne3A_1138 = arith.cmpi ne, %gather3A_1135, %ne3A_1137 : vector<16xi32>
      %jit3A_1139 = arith.constant 1.000000e+00 : f32
      %jit3A_1140 = arith.constant 0.000000e+00 : f32
      %broadcast_in_dim3A_1141 = vector.broadcast %jit3A_1139 : f32 to vector<16xf32>
      %broadcast_in_dim3A_1142 = vector.broadcast %jit3A_1140 : f32 to vector<16xf32>
      %select_n3A_1143 = arith.select %ne3A_1138, %broadcast_in_dim3A_1141, %broadcast_in_dim3A_1142 : vector<16xi1>, vector<16xf32>
      %swap3A_1144 = arith.constant 10 : i32
      %swap3A_1145 = arith.index_cast %swap3A_1144 : i32 to index
      %swap3A_1146 = arith.constant 0 : index
      %swap3A_1147 = tpu.vector_load %arg8[%swap3A_1145, %swap3A_1146] {strides = array<i32>} : memref<17x16xf32, #tpu.memory_space<vmem>>, vector<16xf32>,
      tpu.vector_store %arg8[%swap3A_1145, %swap3A_1146], %select_n3A_1143 {strides = array<i32>} : memref<17x16xf32, #tpu.memory_space<vmem>>, vector<16xf32>,
      %shift_right_arithmetic3A_1148 = arith.constant 11 : i32
      %shift_right_arithmetic3A_1149 = vector.broadcast %shift_right_arithmetic3A_1148 : i32 to vector<16xi32>
      %shift_right_arithmetic3A_1150 = arith.shrsi %gather3A_1131, %shift_right_arithmetic3A_1149 : vector<16xi32>
      %shift_left3A_1151 = arith.constant 11 : i32
      %shift_left3A_1152 = vector.broadcast %shift_left3A_1151 : i32 to vector<16xi32>
      %shift_left3A_1153 = arith.shli %shift_right_arithmetic3A_1150, %shift_left3A_1152 : vector<16xi32>
      %shift_right_arithmetic3A_1154 = arith.constant 7 : i32
      %shift_right_arithmetic3A_1155 = vector.broadcast %shift_right_arithmetic3A_1154 : i32 to vector<16xi32>
      %shift_right_arithmetic3A_1156 = arith.shrsi %gather3A_1131, %shift_right_arithmetic3A_1155 : vector<16xi32>
      %and3A_1157 = arith.constant 1 : i32
      %and3A_1158 = vector.broadcast %and3A_1157 : i32 to vector<16xi32>
      %and3A_1159 = arith.andi %shift_right_arithmetic3A_1156, %and3A_1158 : vector<16xi32>
      %shift_left3A_1160 = arith.constant 10 : i32
      %shift_left3A_1161 = vector.broadcast %shift_left3A_1160 : i32 to vector<16xi32>
      %shift_left3A_1162 = arith.shli %and3A_1159, %shift_left3A_1161 : vector<16xi32>
      %add3A_1163 = arith.addi %shift_left3A_1153, %shift_left3A_1162 : vector<16xi32>
      %shift_right_arithmetic3A_1164 = arith.constant 8 : i32
      %shift_right_arithmetic3A_1165 = vector.broadcast %shift_right_arithmetic3A_1164 : i32 to vector<16xi32>
      %shift_right_arithmetic3A_1166 = arith.shrsi %gather3A_1131, %shift_right_arithmetic3A_1165 : vector<16xi32>
      %and3A_1167 = arith.constant 7 : i32
      %and3A_1168 = vector.broadcast %and3A_1167 : i32 to vector<16xi32>
      %and3A_1169 = arith.andi %shift_right_arithmetic3A_1166, %and3A_1168 : vector<16xi32>
      %shift_left3A_1170 = arith.constant 7 : i32
      %shift_left3A_1171 = vector.broadcast %shift_left3A_1170 : i32 to vector<16xi32>
      %shift_left3A_1172 = arith.shli %and3A_1169, %shift_left3A_1171 : vector<16xi32>
      %add3A_1173 = arith.addi %add3A_1163, %shift_left3A_1172 : vector<16xi32>
      %and3A_1174 = arith.constant 127 : i32
      %and3A_1175 = vector.broadcast %and3A_1174 : i32 to vector<16xi32>
      %and3A_1176 = arith.andi %gather3A_1131, %and3A_1175 : vector<16xi32>
      %add3A_1177 = arith.addi %add3A_1173, %and3A_1176 : vector<16xi32>
      %mul3A_1178 = arith.constant 4 : i32
      %mul3A_1179 = arith.muli %select_n3A, %mul3A_1178 : i32
      %mul3A_1180 = arith.constant 17 : i32
      %mul3A_1181 = arith.muli %mul3A_1179, %mul3A_1180 : i32
      %mul3A_1182 = arith.constant 65536 : i32
      %mul3A_1183 = arith.muli %mul3A_1181, %mul3A_1182 : i32
      %add3A_1184 = arith.constant 655360 : i32
      %add3A_1185 = arith.addi %mul3A_1183, %add3A_1184 : i32
      %add3A_1186 = arith.constant 0 : i32
      %add3A_1187 = arith.addi %add3A_1185, %add3A_1186 : i32
      %add3A_1188 = vector.broadcast %add3A_1187 : i32 to vector<16xi32>
      %add3A_1189 = arith.addi %add3A_1177, %add3A_1188 : vector<16xi32>
      %swap3A_1190 = arith.constant 5 : i32
      %swap3A_1191 = arith.index_cast %swap3A_1190 : i32 to index
      %swap3A_1192 = arith.constant 0 : index
      %swap3A_1193 = tpu.vector_load %arg6[%swap3A_1191, %swap3A_1192] {strides = array<i32>} : memref<9x128xi32, #tpu.memory_space<vmem>>, vector<16xi32>,
      tpu.vector_store %arg6[%swap3A_1191, %swap3A_1192], %add3A_1189 {strides = array<i32>} : memref<9x128xi32, #tpu.memory_space<vmem>>, vector<16xi32>,
      %add3A_1194 = arith.constant 1114112 : i32
      %add3A_1195 = arith.addi %add3A_1185, %add3A_1194 : i32
      %add3A_1196 = vector.broadcast %add3A_1195 : i32 to vector<16xi32>
      %add3A_1197 = arith.addi %add3A_1177, %add3A_1196 : vector<16xi32>
      %swap3A_1198 = arith.constant 5 : i32
      %swap3A_1199 = arith.index_cast %swap3A_1198 : i32 to index
      %swap3A_1200 = arith.constant 16 : index
      %swap3A_1201 = tpu.vector_load %arg6[%swap3A_1199, %swap3A_1200] {strides = array<i32>} : memref<9x128xi32, #tpu.memory_space<vmem>>, vector<16xi32>,
      tpu.vector_store %arg6[%swap3A_1199, %swap3A_1200], %add3A_1197 {strides = array<i32>} : memref<9x128xi32, #tpu.memory_space<vmem>>, vector<16xi32>,
      %add3A_1202 = arith.constant 2228224 : i32
      %add3A_1203 = arith.addi %add3A_1185, %add3A_1202 : i32
      %add3A_1204 = vector.broadcast %add3A_1203 : i32 to vector<16xi32>
      %add3A_1205 = arith.addi %add3A_1177, %add3A_1204 : vector<16xi32>
      %swap3A_1206 = arith.constant 5 : i32
      %swap3A_1207 = arith.index_cast %swap3A_1206 : i32 to index
      %swap3A_1208 = arith.constant 32 : index
      %swap3A_1209 = tpu.vector_load %arg6[%swap3A_1207, %swap3A_1208] {strides = array<i32>} : memref<9x128xi32, #tpu.memory_space<vmem>>, vector<16xi32>,
      tpu.vector_store %arg6[%swap3A_1207, %swap3A_1208], %add3A_1205 {strides = array<i32>} : memref<9x128xi32, #tpu.memory_space<vmem>>, vector<16xi32>,
      %add3A_1210 = arith.constant 3342336 : i32
      %add3A_1211 = arith.addi %add3A_1185, %add3A_1210 : i32
      %add3A_1212 = vector.broadcast %add3A_1211 : i32 to vector<16xi32>
      %add3A_1213 = arith.addi %add3A_1177, %add3A_1212 : vector<16xi32>
      %swap3A_1214 = arith.constant 5 : i32
      %swap3A_1215 = arith.index_cast %swap3A_1214 : i32 to index
      %swap3A_1216 = arith.constant 48 : index
      %swap3A_1217 = tpu.vector_load %arg6[%swap3A_1215, %swap3A_1216] {strides = array<i32>} : memref<9x128xi32, #tpu.memory_space<vmem>>, vector<16xi32>,
      tpu.vector_store %arg6[%swap3A_1215, %swap3A_1216], %add3A_1213 {strides = array<i32>} : memref<9x128xi32, #tpu.memory_space<vmem>>, vector<16xi32>,
      %mul3A_1218 = arith.constant 34 : i32
      %mul3A_1219 = vector.broadcast %mul3A_1218 : i32 to vector<16xi32>
      %mul3A_1220 = arith.muli %iota3A, %mul3A_1219 : vector<16xi32>
      %add3A_1221 = arith.constant 22 : i32
      %add3A_1222 = vector.broadcast %add3A_1221 : i32 to vector<16xi32>
      %add3A_1223 = arith.addi %mul3A_1220, %add3A_1222 : vector<16xi32>
      %gather3A_1224 = tpu.vector_load_idx %arg5[%add3A_1223] : memref<544xi32, #tpu.memory_space<vmem>>[vector<16xi32>], vector<16xi32>,
      %add3A_1225 = arith.constant 1 : i32
      %add3A_1226 = vector.broadcast %add3A_1225 : i32 to vector<16xi32>
      %add3A_1227 = arith.addi %add3A_1223, %add3A_1226 : vector<16xi32>
      %gather3A_1228 = tpu.vector_load_idx %arg5[%add3A_1227] : memref<544xi32, #tpu.memory_space<vmem>>[vector<16xi32>], vector<16xi32>,
      %ne3A_1229 = arith.constant 0 : i32
      %ne3A_1230 = vector.broadcast %ne3A_1229 : i32 to vector<16xi32>
      %ne3A_1231 = arith.cmpi ne, %gather3A_1228, %ne3A_1230 : vector<16xi32>
      %jit3A_1232 = arith.constant 1.000000e+00 : f32
      %jit3A_1233 = arith.constant 0.000000e+00 : f32
      %broadcast_in_dim3A_1234 = vector.broadcast %jit3A_1232 : f32 to vector<16xf32>
      %broadcast_in_dim3A_1235 = vector.broadcast %jit3A_1233 : f32 to vector<16xf32>
      %select_n3A_1236 = arith.select %ne3A_1231, %broadcast_in_dim3A_1234, %broadcast_in_dim3A_1235 : vector<16xi1>, vector<16xf32>
      %swap3A_1237 = arith.constant 11 : i32
      %swap3A_1238 = arith.index_cast %swap3A_1237 : i32 to index
      %swap3A_1239 = arith.constant 0 : index
      %swap3A_1240 = tpu.vector_load %arg8[%swap3A_1238, %swap3A_1239] {strides = array<i32>} : memref<17x16xf32, #tpu.memory_space<vmem>>, vector<16xf32>,
      tpu.vector_store %arg8[%swap3A_1238, %swap3A_1239], %select_n3A_1236 {strides = array<i32>} : memref<17x16xf32, #tpu.memory_space<vmem>>, vector<16xf32>,
      %shift_right_arithmetic3A_1241 = arith.constant 11 : i32
      %shift_right_arithmetic3A_1242 = vector.broadcast %shift_right_arithmetic3A_1241 : i32 to vector<16xi32>
      %shift_right_arithmetic3A_1243 = arith.shrsi %gather3A_1224, %shift_right_arithmetic3A_1242 : vector<16xi32>
      %shift_left3A_1244 = arith.constant 11 : i32
      %shift_left3A_1245 = vector.broadcast %shift_left3A_1244 : i32 to vector<16xi32>
      %shift_left3A_1246 = arith.shli %shift_right_arithmetic3A_1243, %shift_left3A_1245 : vector<16xi32>
      %shift_right_arithmetic3A_1247 = arith.constant 7 : i32
      %shift_right_arithmetic3A_1248 = vector.broadcast %shift_right_arithmetic3A_1247 : i32 to vector<16xi32>
      %shift_right_arithmetic3A_1249 = arith.shrsi %gather3A_1224, %shift_right_arithmetic3A_1248 : vector<16xi32>
      %and3A_1250 = arith.constant 1 : i32
      %and3A_1251 = vector.broadcast %and3A_1250 : i32 to vector<16xi32>
      %and3A_1252 = arith.andi %shift_right_arithmetic3A_1249, %and3A_1251 : vector<16xi32>
      %shift_left3A_1253 = arith.constant 10 : i32
      %shift_left3A_1254 = vector.broadcast %shift_left3A_1253 : i32 to vector<16xi32>
      %shift_left3A_1255 = arith.shli %and3A_1252, %shift_left3A_1254 : vector<16xi32>
      %add3A_1256 = arith.addi %shift_left3A_1246, %shift_left3A_1255 : vector<16xi32>
      %shift_right_arithmetic3A_1257 = arith.constant 8 : i32
      %shift_right_arithmetic3A_1258 = vector.broadcast %shift_right_arithmetic3A_1257 : i32 to vector<16xi32>
      %shift_right_arithmetic3A_1259 = arith.shrsi %gather3A_1224, %shift_right_arithmetic3A_1258 : vector<16xi32>
      %and3A_1260 = arith.constant 7 : i32
      %and3A_1261 = vector.broadcast %and3A_1260 : i32 to vector<16xi32>
      %and3A_1262 = arith.andi %shift_right_arithmetic3A_1259, %and3A_1261 : vector<16xi32>
      %shift_left3A_1263 = arith.constant 7 : i32
      %shift_left3A_1264 = vector.broadcast %shift_left3A_1263 : i32 to vector<16xi32>
      %shift_left3A_1265 = arith.shli %and3A_1262, %shift_left3A_1264 : vector<16xi32>
      %add3A_1266 = arith.addi %add3A_1256, %shift_left3A_1265 : vector<16xi32>
      %and3A_1267 = arith.constant 127 : i32
      %and3A_1268 = vector.broadcast %and3A_1267 : i32 to vector<16xi32>
      %and3A_1269 = arith.andi %gather3A_1224, %and3A_1268 : vector<16xi32>
      %add3A_1270 = arith.addi %add3A_1266, %and3A_1269 : vector<16xi32>
      %mul3A_1271 = arith.constant 4 : i32
      %mul3A_1272 = arith.muli %select_n3A, %mul3A_1271 : i32
      %mul3A_1273 = arith.constant 17 : i32
      %mul3A_1274 = arith.muli %mul3A_1272, %mul3A_1273 : i32
      %mul3A_1275 = arith.constant 65536 : i32
      %mul3A_1276 = arith.muli %mul3A_1274, %mul3A_1275 : i32
      %add3A_1277 = arith.constant 720896 : i32
      %add3A_1278 = arith.addi %mul3A_1276, %add3A_1277 : i32
      %add3A_1279 = arith.constant 0 : i32
      %add3A_1280 = arith.addi %add3A_1278, %add3A_1279 : i32
      %add3A_1281 = vector.broadcast %add3A_1280 : i32 to vector<16xi32>
      %add3A_1282 = arith.addi %add3A_1270, %add3A_1281 : vector<16xi32>
      %swap3A_1283 = arith.constant 5 : i32
      %swap3A_1284 = arith.index_cast %swap3A_1283 : i32 to index
      %swap3A_1285 = arith.constant 64 : index
      %swap3A_1286 = tpu.vector_load %arg6[%swap3A_1284, %swap3A_1285] {strides = array<i32>} : memref<9x128xi32, #tpu.memory_space<vmem>>, vector<16xi32>,
      tpu.vector_store %arg6[%swap3A_1284, %swap3A_1285], %add3A_1282 {strides = array<i32>} : memref<9x128xi32, #tpu.memory_space<vmem>>, vector<16xi32>,
      %add3A_1287 = arith.constant 1114112 : i32
      %add3A_1288 = arith.addi %add3A_1278, %add3A_1287 : i32
      %add3A_1289 = vector.broadcast %add3A_1288 : i32 to vector<16xi32>
      %add3A_1290 = arith.addi %add3A_1270, %add3A_1289 : vector<16xi32>
      %swap3A_1291 = arith.constant 5 : i32
      %swap3A_1292 = arith.index_cast %swap3A_1291 : i32 to index
      %swap3A_1293 = arith.constant 80 : index
      %swap3A_1294 = tpu.vector_load %arg6[%swap3A_1292, %swap3A_1293] {strides = array<i32>} : memref<9x128xi32, #tpu.memory_space<vmem>>, vector<16xi32>,
      tpu.vector_store %arg6[%swap3A_1292, %swap3A_1293], %add3A_1290 {strides = array<i32>} : memref<9x128xi32, #tpu.memory_space<vmem>>, vector<16xi32>,
      %add3A_1295 = arith.constant 2228224 : i32
      %add3A_1296 = arith.addi %add3A_1278, %add3A_1295 : i32
      %add3A_1297 = vector.broadcast %add3A_1296 : i32 to vector<16xi32>
      %add3A_1298 = arith.addi %add3A_1270, %add3A_1297 : vector<16xi32>
      %swap3A_1299 = arith.constant 5 : i32
      %swap3A_1300 = arith.index_cast %swap3A_1299 : i32 to index
      %swap3A_1301 = arith.constant 96 : index
      %swap3A_1302 = tpu.vector_load %arg6[%swap3A_1300, %swap3A_1301] {strides = array<i32>} : memref<9x128xi32, #tpu.memory_space<vmem>>, vector<16xi32>,
      tpu.vector_store %arg6[%swap3A_1300, %swap3A_1301], %add3A_1298 {strides = array<i32>} : memref<9x128xi32, #tpu.memory_space<vmem>>, vector<16xi32>,
      %add3A_1303 = arith.constant 3342336 : i32
      %add3A_1304 = arith.addi %add3A_1278, %add3A_1303 : i32
      %add3A_1305 = vector.broadcast %add3A_1304 : i32 to vector<16xi32>
      %add3A_1306 = arith.addi %add3A_1270, %add3A_1305 : vector<16xi32>
      %swap3A_1307 = arith.constant 5 : i32
      %swap3A_1308 = arith.index_cast %swap3A_1307 : i32 to index
      %swap3A_1309 = arith.constant 112 : index
      %swap3A_1310 = tpu.vector_load %arg6[%swap3A_1308, %swap3A_1309] {strides = array<i32>} : memref<9x128xi32, #tpu.memory_space<vmem>>, vector<16xi32>,
      tpu.vector_store %arg6[%swap3A_1308, %swap3A_1309], %add3A_1306 {strides = array<i32>} : memref<9x128xi32, #tpu.memory_space<vmem>>, vector<16xi32>,
      %dma_start3A_1311 = arith.constant 5 : i32
      %dma_start3A_1312 = arith.constant 5 : i32
      %dma_start3A_1313 = arith.constant 0 : i32
      %dma_start3A_1314 = tpu.memref_slice %arg7[%dma_start3A_1312, %dma_start3A_1313] : memref<9x128xf32, #tpu.memory_space<vmem>> -> memref<1x128xf32, #tpu.memory_space<vmem>>
      %dma_start3A_1315 = tpu.memref_squeeze %dma_start3A_1314 : memref<1x128xf32, #tpu.memory_space<vmem>> -> memref<128xf32, #tpu.memory_space<vmem>>
      %dma_start3A_1316 = arith.constant 0 : i32
      %dma_start3A_1317 = tpu.memref_slice %arg6[%dma_start3A_1311, %dma_start3A_1316] : memref<9x128xi32, #tpu.memory_space<vmem>> -> memref<1x128xi32, #tpu.memory_space<vmem>>
      %dma_start3A_1318 = tpu.memref_squeeze %dma_start3A_1317 : memref<1x128xi32, #tpu.memory_space<vmem>> -> memref<128xi32, #tpu.memory_space<vmem>>
      %dma_start3A_1319 = arith.constant 0 : i32
      %dma_start3A_1320 = tpu.memref_slice %arg2[%dma_start3A_1319] : memref<17825792xf32, #tpu.memory_space<hbm>> -> memref<17825792xf32, #tpu.memory_space<hbm>>
      tpu.enqueue_indirect_dma source(%dma_start3A_1320 : memref<17825792xf32, #tpu.memory_space<hbm>>) target(%dma_start3A_1315 : memref<128xf32, #tpu.memory_space<vmem>>) offsets(%dma_start3A_1318 : memref<128xi32, #tpu.memory_space<vmem>>) semaphore(%arg15 : memref<!tpu.dma_semaphore, #tpu.memory_space<semaphore_mem>>)
      %mul3A_1321 = arith.constant 34 : i32
      %mul3A_1322 = vector.broadcast %mul3A_1321 : i32 to vector<16xi32>
      %mul3A_1323 = arith.muli %iota3A, %mul3A_1322 : vector<16xi32>
      %add3A_1324 = arith.constant 24 : i32
      %add3A_1325 = vector.broadcast %add3A_1324 : i32 to vector<16xi32>
      %add3A_1326 = arith.addi %mul3A_1323, %add3A_1325 : vector<16xi32>
      %gather3A_1327 = tpu.vector_load_idx %arg5[%add3A_1326] : memref<544xi32, #tpu.memory_space<vmem>>[vector<16xi32>], vector<16xi32>,
      %add3A_1328 = arith.constant 1 : i32
      %add3A_1329 = vector.broadcast %add3A_1328 : i32 to vector<16xi32>
      %add3A_1330 = arith.addi %add3A_1326, %add3A_1329 : vector<16xi32>
      %gather3A_1331 = tpu.vector_load_idx %arg5[%add3A_1330] : memref<544xi32, #tpu.memory_space<vmem>>[vector<16xi32>], vector<16xi32>,
      %ne3A_1332 = arith.constant 0 : i32
      %ne3A_1333 = vector.broadcast %ne3A_1332 : i32 to vector<16xi32>
      %ne3A_1334 = arith.cmpi ne, %gather3A_1331, %ne3A_1333 : vector<16xi32>
      %jit3A_1335 = arith.constant 1.000000e+00 : f32
      %jit3A_1336 = arith.constant 0.000000e+00 : f32
      %broadcast_in_dim3A_1337 = vector.broadcast %jit3A_1335 : f32 to vector<16xf32>
      %broadcast_in_dim3A_1338 = vector.broadcast %jit3A_1336 : f32 to vector<16xf32>
      %select_n3A_1339 = arith.select %ne3A_1334, %broadcast_in_dim3A_1337, %broadcast_in_dim3A_1338 : vector<16xi1>, vector<16xf32>
      %swap3A_1340 = arith.constant 12 : i32
      %swap3A_1341 = arith.index_cast %swap3A_1340 : i32 to index
      %swap3A_1342 = arith.constant 0 : index
      %swap3A_1343 = tpu.vector_load %arg8[%swap3A_1341, %swap3A_1342] {strides = array<i32>} : memref<17x16xf32, #tpu.memory_space<vmem>>, vector<16xf32>,
      tpu.vector_store %arg8[%swap3A_1341, %swap3A_1342], %select_n3A_1339 {strides = array<i32>} : memref<17x16xf32, #tpu.memory_space<vmem>>, vector<16xf32>,
      %shift_right_arithmetic3A_1344 = arith.constant 11 : i32
      %shift_right_arithmetic3A_1345 = vector.broadcast %shift_right_arithmetic3A_1344 : i32 to vector<16xi32>
      %shift_right_arithmetic3A_1346 = arith.shrsi %gather3A_1327, %shift_right_arithmetic3A_1345 : vector<16xi32>
      %shift_left3A_1347 = arith.constant 11 : i32
      %shift_left3A_1348 = vector.broadcast %shift_left3A_1347 : i32 to vector<16xi32>
      %shift_left3A_1349 = arith.shli %shift_right_arithmetic3A_1346, %shift_left3A_1348 : vector<16xi32>
      %shift_right_arithmetic3A_1350 = arith.constant 7 : i32
      %shift_right_arithmetic3A_1351 = vector.broadcast %shift_right_arithmetic3A_1350 : i32 to vector<16xi32>
      %shift_right_arithmetic3A_1352 = arith.shrsi %gather3A_1327, %shift_right_arithmetic3A_1351 : vector<16xi32>
      %and3A_1353 = arith.constant 1 : i32
      %and3A_1354 = vector.broadcast %and3A_1353 : i32 to vector<16xi32>
      %and3A_1355 = arith.andi %shift_right_arithmetic3A_1352, %and3A_1354 : vector<16xi32>
      %shift_left3A_1356 = arith.constant 10 : i32
      %shift_left3A_1357 = vector.broadcast %shift_left3A_1356 : i32 to vector<16xi32>
      %shift_left3A_1358 = arith.shli %and3A_1355, %shift_left3A_1357 : vector<16xi32>
      %add3A_1359 = arith.addi %shift_left3A_1349, %shift_left3A_1358 : vector<16xi32>
      %shift_right_arithmetic3A_1360 = arith.constant 8 : i32
      %shift_right_arithmetic3A_1361 = vector.broadcast %shift_right_arithmetic3A_1360 : i32 to vector<16xi32>
      %shift_right_arithmetic3A_1362 = arith.shrsi %gather3A_1327, %shift_right_arithmetic3A_1361 : vector<16xi32>
      %and3A_1363 = arith.constant 7 : i32
      %and3A_1364 = vector.broadcast %and3A_1363 : i32 to vector<16xi32>
      %and3A_1365 = arith.andi %shift_right_arithmetic3A_1362, %and3A_1364 : vector<16xi32>
      %shift_left3A_1366 = arith.constant 7 : i32
      %shift_left3A_1367 = vector.broadcast %shift_left3A_1366 : i32 to vector<16xi32>
      %shift_left3A_1368 = arith.shli %and3A_1365, %shift_left3A_1367 : vector<16xi32>
      %add3A_1369 = arith.addi %add3A_1359, %shift_left3A_1368 : vector<16xi32>
      %and3A_1370 = arith.constant 127 : i32
      %and3A_1371 = vector.broadcast %and3A_1370 : i32 to vector<16xi32>
      %and3A_1372 = arith.andi %gather3A_1327, %and3A_1371 : vector<16xi32>
      %add3A_1373 = arith.addi %add3A_1369, %and3A_1372 : vector<16xi32>
      %mul3A_1374 = arith.constant 4 : i32
      %mul3A_1375 = arith.muli %select_n3A, %mul3A_1374 : i32
      %mul3A_1376 = arith.constant 17 : i32
      %mul3A_1377 = arith.muli %mul3A_1375, %mul3A_1376 : i32
      %mul3A_1378 = arith.constant 65536 : i32
      %mul3A_1379 = arith.muli %mul3A_1377, %mul3A_1378 : i32
      %add3A_1380 = arith.constant 786432 : i32
      %add3A_1381 = arith.addi %mul3A_1379, %add3A_1380 : i32
      %add3A_1382 = arith.constant 0 : i32
      %add3A_1383 = arith.addi %add3A_1381, %add3A_1382 : i32
      %add3A_1384 = vector.broadcast %add3A_1383 : i32 to vector<16xi32>
      %add3A_1385 = arith.addi %add3A_1373, %add3A_1384 : vector<16xi32>
      %swap3A_1386 = arith.constant 6 : i32
      %swap3A_1387 = arith.index_cast %swap3A_1386 : i32 to index
      %swap3A_1388 = arith.constant 0 : index
      %swap3A_1389 = tpu.vector_load %arg6[%swap3A_1387, %swap3A_1388] {strides = array<i32>} : memref<9x128xi32, #tpu.memory_space<vmem>>, vector<16xi32>,
      tpu.vector_store %arg6[%swap3A_1387, %swap3A_1388], %add3A_1385 {strides = array<i32>} : memref<9x128xi32, #tpu.memory_space<vmem>>, vector<16xi32>,
      %add3A_1390 = arith.constant 1114112 : i32
      %add3A_1391 = arith.addi %add3A_1381, %add3A_1390 : i32
      %add3A_1392 = vector.broadcast %add3A_1391 : i32 to vector<16xi32>
      %add3A_1393 = arith.addi %add3A_1373, %add3A_1392 : vector<16xi32>
      %swap3A_1394 = arith.constant 6 : i32
      %swap3A_1395 = arith.index_cast %swap3A_1394 : i32 to index
      %swap3A_1396 = arith.constant 16 : index
      %swap3A_1397 = tpu.vector_load %arg6[%swap3A_1395, %swap3A_1396] {strides = array<i32>} : memref<9x128xi32, #tpu.memory_space<vmem>>, vector<16xi32>,
      tpu.vector_store %arg6[%swap3A_1395, %swap3A_1396], %add3A_1393 {strides = array<i32>} : memref<9x128xi32, #tpu.memory_space<vmem>>, vector<16xi32>,
      %add3A_1398 = arith.constant 2228224 : i32
      %add3A_1399 = arith.addi %add3A_1381, %add3A_1398 : i32
      %add3A_1400 = vector.broadcast %add3A_1399 : i32 to vector<16xi32>
      %add3A_1401 = arith.addi %add3A_1373, %add3A_1400 : vector<16xi32>
      %swap3A_1402 = arith.constant 6 : i32
      %swap3A_1403 = arith.index_cast %swap3A_1402 : i32 to index
      %swap3A_1404 = arith.constant 32 : index
      %swap3A_1405 = tpu.vector_load %arg6[%swap3A_1403, %swap3A_1404] {strides = array<i32>} : memref<9x128xi32, #tpu.memory_space<vmem>>, vector<16xi32>,
      tpu.vector_store %arg6[%swap3A_1403, %swap3A_1404], %add3A_1401 {strides = array<i32>} : memref<9x128xi32, #tpu.memory_space<vmem>>, vector<16xi32>,
      %add3A_1406 = arith.constant 3342336 : i32
      %add3A_1407 = arith.addi %add3A_1381, %add3A_1406 : i32
      %add3A_1408 = vector.broadcast %add3A_1407 : i32 to vector<16xi32>
      %add3A_1409 = arith.addi %add3A_1373, %add3A_1408 : vector<16xi32>
      %swap3A_1410 = arith.constant 6 : i32
      %swap3A_1411 = arith.index_cast %swap3A_1410 : i32 to index
      %swap3A_1412 = arith.constant 48 : index
      %swap3A_1413 = tpu.vector_load %arg6[%swap3A_1411, %swap3A_1412] {strides = array<i32>} : memref<9x128xi32, #tpu.memory_space<vmem>>, vector<16xi32>,
      tpu.vector_store %arg6[%swap3A_1411, %swap3A_1412], %add3A_1409 {strides = array<i32>} : memref<9x128xi32, #tpu.memory_space<vmem>>, vector<16xi32>,
      %mul3A_1414 = arith.constant 34 : i32
      %mul3A_1415 = vector.broadcast %mul3A_1414 : i32 to vector<16xi32>
      %mul3A_1416 = arith.muli %iota3A, %mul3A_1415 : vector<16xi32>
      %add3A_1417 = arith.constant 26 : i32
      %add3A_1418 = vector.broadcast %add3A_1417 : i32 to vector<16xi32>
      %add3A_1419 = arith.addi %mul3A_1416, %add3A_1418 : vector<16xi32>
      %gather3A_1420 = tpu.vector_load_idx %arg5[%add3A_1419] : memref<544xi32, #tpu.memory_space<vmem>>[vector<16xi32>], vector<16xi32>,
      %add3A_1421 = arith.constant 1 : i32
      %add3A_1422 = vector.broadcast %add3A_1421 : i32 to vector<16xi32>
      %add3A_1423 = arith.addi %add3A_1419, %add3A_1422 : vector<16xi32>
      %gather3A_1424 = tpu.vector_load_idx %arg5[%add3A_1423] : memref<544xi32, #tpu.memory_space<vmem>>[vector<16xi32>], vector<16xi32>,
      %ne3A_1425 = arith.constant 0 : i32
      %ne3A_1426 = vector.broadcast %ne3A_1425 : i32 to vector<16xi32>
      %ne3A_1427 = arith.cmpi ne, %gather3A_1424, %ne3A_1426 : vector<16xi32>
      %jit3A_1428 = arith.constant 1.000000e+00 : f32
      %jit3A_1429 = arith.constant 0.000000e+00 : f32
      %broadcast_in_dim3A_1430 = vector.broadcast %jit3A_1428 : f32 to vector<16xf32>
      %broadcast_in_dim3A_1431 = vector.broadcast %jit3A_1429 : f32 to vector<16xf32>
      %select_n3A_1432 = arith.select %ne3A_1427, %broadcast_in_dim3A_1430, %broadcast_in_dim3A_1431 : vector<16xi1>, vector<16xf32>
      %swap3A_1433 = arith.constant 13 : i32
      %swap3A_1434 = arith.index_cast %swap3A_1433 : i32 to index
      %swap3A_1435 = arith.constant 0 : index
      %swap3A_1436 = tpu.vector_load %arg8[%swap3A_1434, %swap3A_1435] {strides = array<i32>} : memref<17x16xf32, #tpu.memory_space<vmem>>, vector<16xf32>,
      tpu.vector_store %arg8[%swap3A_1434, %swap3A_1435], %select_n3A_1432 {strides = array<i32>} : memref<17x16xf32, #tpu.memory_space<vmem>>, vector<16xf32>,
      %shift_right_arithmetic3A_1437 = arith.constant 11 : i32
      %shift_right_arithmetic3A_1438 = vector.broadcast %shift_right_arithmetic3A_1437 : i32 to vector<16xi32>
      %shift_right_arithmetic3A_1439 = arith.shrsi %gather3A_1420, %shift_right_arithmetic3A_1438 : vector<16xi32>
      %shift_left3A_1440 = arith.constant 11 : i32
      %shift_left3A_1441 = vector.broadcast %shift_left3A_1440 : i32 to vector<16xi32>
      %shift_left3A_1442 = arith.shli %shift_right_arithmetic3A_1439, %shift_left3A_1441 : vector<16xi32>
      %shift_right_arithmetic3A_1443 = arith.constant 7 : i32
      %shift_right_arithmetic3A_1444 = vector.broadcast %shift_right_arithmetic3A_1443 : i32 to vector<16xi32>
      %shift_right_arithmetic3A_1445 = arith.shrsi %gather3A_1420, %shift_right_arithmetic3A_1444 : vector<16xi32>
      %and3A_1446 = arith.constant 1 : i32
      %and3A_1447 = vector.broadcast %and3A_1446 : i32 to vector<16xi32>
      %and3A_1448 = arith.andi %shift_right_arithmetic3A_1445, %and3A_1447 : vector<16xi32>
      %shift_left3A_1449 = arith.constant 10 : i32
      %shift_left3A_1450 = vector.broadcast %shift_left3A_1449 : i32 to vector<16xi32>
      %shift_left3A_1451 = arith.shli %and3A_1448, %shift_left3A_1450 : vector<16xi32>
      %add3A_1452 = arith.addi %shift_left3A_1442, %shift_left3A_1451 : vector<16xi32>
      %shift_right_arithmetic3A_1453 = arith.constant 8 : i32
      %shift_right_arithmetic3A_1454 = vector.broadcast %shift_right_arithmetic3A_1453 : i32 to vector<16xi32>
      %shift_right_arithmetic3A_1455 = arith.shrsi %gather3A_1420, %shift_right_arithmetic3A_1454 : vector<16xi32>
      %and3A_1456 = arith.constant 7 : i32
      %and3A_1457 = vector.broadcast %and3A_1456 : i32 to vector<16xi32>
      %and3A_1458 = arith.andi %shift_right_arithmetic3A_1455, %and3A_1457 : vector<16xi32>
      %shift_left3A_1459 = arith.constant 7 : i32
      %shift_left3A_1460 = vector.broadcast %shift_left3A_1459 : i32 to vector<16xi32>
      %shift_left3A_1461 = arith.shli %and3A_1458, %shift_left3A_1460 : vector<16xi32>
      %add3A_1462 = arith.addi %add3A_1452, %shift_left3A_1461 : vector<16xi32>
      %and3A_1463 = arith.constant 127 : i32
      %and3A_1464 = vector.broadcast %and3A_1463 : i32 to vector<16xi32>
      %and3A_1465 = arith.andi %gather3A_1420, %and3A_1464 : vector<16xi32>
      %add3A_1466 = arith.addi %add3A_1462, %and3A_1465 : vector<16xi32>
      %mul3A_1467 = arith.constant 4 : i32
      %mul3A_1468 = arith.muli %select_n3A, %mul3A_1467 : i32
      %mul3A_1469 = arith.constant 17 : i32
      %mul3A_1470 = arith.muli %mul3A_1468, %mul3A_1469 : i32
      %mul3A_1471 = arith.constant 65536 : i32
      %mul3A_1472 = arith.muli %mul3A_1470, %mul3A_1471 : i32
      %add3A_1473 = arith.constant 851968 : i32
      %add3A_1474 = arith.addi %mul3A_1472, %add3A_1473 : i32
      %add3A_1475 = arith.constant 0 : i32
      %add3A_1476 = arith.addi %add3A_1474, %add3A_1475 : i32
      %add3A_1477 = vector.broadcast %add3A_1476 : i32 to vector<16xi32>
      %add3A_1478 = arith.addi %add3A_1466, %add3A_1477 : vector<16xi32>
      %swap3A_1479 = arith.constant 6 : i32
      %swap3A_1480 = arith.index_cast %swap3A_1479 : i32 to index
      %swap3A_1481 = arith.constant 64 : index
      %swap3A_1482 = tpu.vector_load %arg6[%swap3A_1480, %swap3A_1481] {strides = array<i32>} : memref<9x128xi32, #tpu.memory_space<vmem>>, vector<16xi32>,
      tpu.vector_store %arg6[%swap3A_1480, %swap3A_1481], %add3A_1478 {strides = array<i32>} : memref<9x128xi32, #tpu.memory_space<vmem>>, vector<16xi32>,
      %add3A_1483 = arith.constant 1114112 : i32
      %add3A_1484 = arith.addi %add3A_1474, %add3A_1483 : i32
      %add3A_1485 = vector.broadcast %add3A_1484 : i32 to vector<16xi32>
      %add3A_1486 = arith.addi %add3A_1466, %add3A_1485 : vector<16xi32>
      %swap3A_1487 = arith.constant 6 : i32
      %swap3A_1488 = arith.index_cast %swap3A_1487 : i32 to index
      %swap3A_1489 = arith.constant 80 : index
      %swap3A_1490 = tpu.vector_load %arg6[%swap3A_1488, %swap3A_1489] {strides = array<i32>} : memref<9x128xi32, #tpu.memory_space<vmem>>, vector<16xi32>,
      tpu.vector_store %arg6[%swap3A_1488, %swap3A_1489], %add3A_1486 {strides = array<i32>} : memref<9x128xi32, #tpu.memory_space<vmem>>, vector<16xi32>,
      %add3A_1491 = arith.constant 2228224 : i32
      %add3A_1492 = arith.addi %add3A_1474, %add3A_1491 : i32
      %add3A_1493 = vector.broadcast %add3A_1492 : i32 to vector<16xi32>
      %add3A_1494 = arith.addi %add3A_1466, %add3A_1493 : vector<16xi32>
      %swap3A_1495 = arith.constant 6 : i32
      %swap3A_1496 = arith.index_cast %swap3A_1495 : i32 to index
      %swap3A_1497 = arith.constant 96 : index
      %swap3A_1498 = tpu.vector_load %arg6[%swap3A_1496, %swap3A_1497] {strides = array<i32>} : memref<9x128xi32, #tpu.memory_space<vmem>>, vector<16xi32>,
      tpu.vector_store %arg6[%swap3A_1496, %swap3A_1497], %add3A_1494 {strides = array<i32>} : memref<9x128xi32, #tpu.memory_space<vmem>>, vector<16xi32>,
      %add3A_1499 = arith.constant 3342336 : i32
      %add3A_1500 = arith.addi %add3A_1474, %add3A_1499 : i32
      %add3A_1501 = vector.broadcast %add3A_1500 : i32 to vector<16xi32>
      %add3A_1502 = arith.addi %add3A_1466, %add3A_1501 : vector<16xi32>
      %swap3A_1503 = arith.constant 6 : i32
      %swap3A_1504 = arith.index_cast %swap3A_1503 : i32 to index
      %swap3A_1505 = arith.constant 112 : index
      %swap3A_1506 = tpu.vector_load %arg6[%swap3A_1504, %swap3A_1505] {strides = array<i32>} : memref<9x128xi32, #tpu.memory_space<vmem>>, vector<16xi32>,
      tpu.vector_store %arg6[%swap3A_1504, %swap3A_1505], %add3A_1502 {strides = array<i32>} : memref<9x128xi32, #tpu.memory_space<vmem>>, vector<16xi32>,
      %dma_start3A_1507 = arith.constant 6 : i32
      %dma_start3A_1508 = arith.constant 6 : i32
      %dma_start3A_1509 = arith.constant 0 : i32
      %dma_start3A_1510 = tpu.memref_slice %arg7[%dma_start3A_1508, %dma_start3A_1509] : memref<9x128xf32, #tpu.memory_space<vmem>> -> memref<1x128xf32, #tpu.memory_space<vmem>>
      %dma_start3A_1511 = tpu.memref_squeeze %dma_start3A_1510 : memref<1x128xf32, #tpu.memory_space<vmem>> -> memref<128xf32, #tpu.memory_space<vmem>>
      %dma_start3A_1512 = arith.constant 0 : i32
      %dma_start3A_1513 = tpu.memref_slice %arg6[%dma_start3A_1507, %dma_start3A_1512] : memref<9x128xi32, #tpu.memory_space<vmem>> -> memref<1x128xi32, #tpu.memory_space<vmem>>
      %dma_start3A_1514 = tpu.memref_squeeze %dma_start3A_1513 : memref<1x128xi32, #tpu.memory_space<vmem>> -> memref<128xi32, #tpu.memory_space<vmem>>
      %dma_start3A_1515 = arith.constant 0 : i32
      %dma_start3A_1516 = tpu.memref_slice %arg2[%dma_start3A_1515] : memref<17825792xf32, #tpu.memory_space<hbm>> -> memref<17825792xf32, #tpu.memory_space<hbm>>
      tpu.enqueue_indirect_dma source(%dma_start3A_1516 : memref<17825792xf32, #tpu.memory_space<hbm>>) target(%dma_start3A_1511 : memref<128xf32, #tpu.memory_space<vmem>>) offsets(%dma_start3A_1514 : memref<128xi32, #tpu.memory_space<vmem>>) semaphore(%arg15 : memref<!tpu.dma_semaphore, #tpu.memory_space<semaphore_mem>>)
      %mul3A_1517 = arith.constant 34 : i32
      %mul3A_1518 = vector.broadcast %mul3A_1517 : i32 to vector<16xi32>
      %mul3A_1519 = arith.muli %iota3A, %mul3A_1518 : vector<16xi32>
      %add3A_1520 = arith.constant 28 : i32
      %add3A_1521 = vector.broadcast %add3A_1520 : i32 to vector<16xi32>
      %add3A_1522 = arith.addi %mul3A_1519, %add3A_1521 : vector<16xi32>
      %gather3A_1523 = tpu.vector_load_idx %arg5[%add3A_1522] : memref<544xi32, #tpu.memory_space<vmem>>[vector<16xi32>], vector<16xi32>,
      %add3A_1524 = arith.constant 1 : i32
      %add3A_1525 = vector.broadcast %add3A_1524 : i32 to vector<16xi32>
      %add3A_1526 = arith.addi %add3A_1522, %add3A_1525 : vector<16xi32>
      %gather3A_1527 = tpu.vector_load_idx %arg5[%add3A_1526] : memref<544xi32, #tpu.memory_space<vmem>>[vector<16xi32>], vector<16xi32>,
      %ne3A_1528 = arith.constant 0 : i32
      %ne3A_1529 = vector.broadcast %ne3A_1528 : i32 to vector<16xi32>
      %ne3A_1530 = arith.cmpi ne, %gather3A_1527, %ne3A_1529 : vector<16xi32>
      %jit3A_1531 = arith.constant 1.000000e+00 : f32
      %jit3A_1532 = arith.constant 0.000000e+00 : f32
      %broadcast_in_dim3A_1533 = vector.broadcast %jit3A_1531 : f32 to vector<16xf32>
      %broadcast_in_dim3A_1534 = vector.broadcast %jit3A_1532 : f32 to vector<16xf32>
      %select_n3A_1535 = arith.select %ne3A_1530, %broadcast_in_dim3A_1533, %broadcast_in_dim3A_1534 : vector<16xi1>, vector<16xf32>
      %swap3A_1536 = arith.constant 14 : i32
      %swap3A_1537 = arith.index_cast %swap3A_1536 : i32 to index
      %swap3A_1538 = arith.constant 0 : index
      %swap3A_1539 = tpu.vector_load %arg8[%swap3A_1537, %swap3A_1538] {strides = array<i32>} : memref<17x16xf32, #tpu.memory_space<vmem>>, vector<16xf32>,
      tpu.vector_store %arg8[%swap3A_1537, %swap3A_1538], %select_n3A_1535 {strides = array<i32>} : memref<17x16xf32, #tpu.memory_space<vmem>>, vector<16xf32>,
      %shift_right_arithmetic3A_1540 = arith.constant 11 : i32
      %shift_right_arithmetic3A_1541 = vector.broadcast %shift_right_arithmetic3A_1540 : i32 to vector<16xi32>
      %shift_right_arithmetic3A_1542 = arith.shrsi %gather3A_1523, %shift_right_arithmetic3A_1541 : vector<16xi32>
      %shift_left3A_1543 = arith.constant 11 : i32
      %shift_left3A_1544 = vector.broadcast %shift_left3A_1543 : i32 to vector<16xi32>
      %shift_left3A_1545 = arith.shli %shift_right_arithmetic3A_1542, %shift_left3A_1544 : vector<16xi32>
      %shift_right_arithmetic3A_1546 = arith.constant 7 : i32
      %shift_right_arithmetic3A_1547 = vector.broadcast %shift_right_arithmetic3A_1546 : i32 to vector<16xi32>
      %shift_right_arithmetic3A_1548 = arith.shrsi %gather3A_1523, %shift_right_arithmetic3A_1547 : vector<16xi32>
      %and3A_1549 = arith.constant 1 : i32
      %and3A_1550 = vector.broadcast %and3A_1549 : i32 to vector<16xi32>
      %and3A_1551 = arith.andi %shift_right_arithmetic3A_1548, %and3A_1550 : vector<16xi32>
      %shift_left3A_1552 = arith.constant 10 : i32
      %shift_left3A_1553 = vector.broadcast %shift_left3A_1552 : i32 to vector<16xi32>
      %shift_left3A_1554 = arith.shli %and3A_1551, %shift_left3A_1553 : vector<16xi32>
      %add3A_1555 = arith.addi %shift_left3A_1545, %shift_left3A_1554 : vector<16xi32>
      %shift_right_arithmetic3A_1556 = arith.constant 8 : i32
      %shift_right_arithmetic3A_1557 = vector.broadcast %shift_right_arithmetic3A_1556 : i32 to vector<16xi32>
      %shift_right_arithmetic3A_1558 = arith.shrsi %gather3A_1523, %shift_right_arithmetic3A_1557 : vector<16xi32>
      %and3A_1559 = arith.constant 7 : i32
      %and3A_1560 = vector.broadcast %and3A_1559 : i32 to vector<16xi32>
      %and3A_1561 = arith.andi %shift_right_arithmetic3A_1558, %and3A_1560 : vector<16xi32>
      %shift_left3A_1562 = arith.constant 7 : i32
      %shift_left3A_1563 = vector.broadcast %shift_left3A_1562 : i32 to vector<16xi32>
      %shift_left3A_1564 = arith.shli %and3A_1561, %shift_left3A_1563 : vector<16xi32>
      %add3A_1565 = arith.addi %add3A_1555, %shift_left3A_1564 : vector<16xi32>
      %and3A_1566 = arith.constant 127 : i32
      %and3A_1567 = vector.broadcast %and3A_1566 : i32 to vector<16xi32>
      %and3A_1568 = arith.andi %gather3A_1523, %and3A_1567 : vector<16xi32>
      %add3A_1569 = arith.addi %add3A_1565, %and3A_1568 : vector<16xi32>
      %mul3A_1570 = arith.constant 4 : i32
      %mul3A_1571 = arith.muli %select_n3A, %mul3A_1570 : i32
      %mul3A_1572 = arith.constant 17 : i32
      %mul3A_1573 = arith.muli %mul3A_1571, %mul3A_1572 : i32
      %mul3A_1574 = arith.constant 65536 : i32
      %mul3A_1575 = arith.muli %mul3A_1573, %mul3A_1574 : i32
      %add3A_1576 = arith.constant 917504 : i32
      %add3A_1577 = arith.addi %mul3A_1575, %add3A_1576 : i32
      %add3A_1578 = arith.constant 0 : i32
      %add3A_1579 = arith.addi %add3A_1577, %add3A_1578 : i32
      %add3A_1580 = vector.broadcast %add3A_1579 : i32 to vector<16xi32>
      %add3A_1581 = arith.addi %add3A_1569, %add3A_1580 : vector<16xi32>
      %swap3A_1582 = arith.constant 7 : i32
      %swap3A_1583 = arith.index_cast %swap3A_1582 : i32 to index
      %swap3A_1584 = arith.constant 0 : index
      %swap3A_1585 = tpu.vector_load %arg6[%swap3A_1583, %swap3A_1584] {strides = array<i32>} : memref<9x128xi32, #tpu.memory_space<vmem>>, vector<16xi32>,
      tpu.vector_store %arg6[%swap3A_1583, %swap3A_1584], %add3A_1581 {strides = array<i32>} : memref<9x128xi32, #tpu.memory_space<vmem>>, vector<16xi32>,
      %add3A_1586 = arith.constant 1114112 : i32
      %add3A_1587 = arith.addi %add3A_1577, %add3A_1586 : i32
      %add3A_1588 = vector.broadcast %add3A_1587 : i32 to vector<16xi32>
      %add3A_1589 = arith.addi %add3A_1569, %add3A_1588 : vector<16xi32>
      %swap3A_1590 = arith.constant 7 : i32
      %swap3A_1591 = arith.index_cast %swap3A_1590 : i32 to index
      %swap3A_1592 = arith.constant 16 : index
      %swap3A_1593 = tpu.vector_load %arg6[%swap3A_1591, %swap3A_1592] {strides = array<i32>} : memref<9x128xi32, #tpu.memory_space<vmem>>, vector<16xi32>,
      tpu.vector_store %arg6[%swap3A_1591, %swap3A_1592], %add3A_1589 {strides = array<i32>} : memref<9x128xi32, #tpu.memory_space<vmem>>, vector<16xi32>,
      %add3A_1594 = arith.constant 2228224 : i32
      %add3A_1595 = arith.addi %add3A_1577, %add3A_1594 : i32
      %add3A_1596 = vector.broadcast %add3A_1595 : i32 to vector<16xi32>
      %add3A_1597 = arith.addi %add3A_1569, %add3A_1596 : vector<16xi32>
      %swap3A_1598 = arith.constant 7 : i32
      %swap3A_1599 = arith.index_cast %swap3A_1598 : i32 to index
      %swap3A_1600 = arith.constant 32 : index
      %swap3A_1601 = tpu.vector_load %arg6[%swap3A_1599, %swap3A_1600] {strides = array<i32>} : memref<9x128xi32, #tpu.memory_space<vmem>>, vector<16xi32>,
      tpu.vector_store %arg6[%swap3A_1599, %swap3A_1600], %add3A_1597 {strides = array<i32>} : memref<9x128xi32, #tpu.memory_space<vmem>>, vector<16xi32>,
      %add3A_1602 = arith.constant 3342336 : i32
      %add3A_1603 = arith.addi %add3A_1577, %add3A_1602 : i32
      %add3A_1604 = vector.broadcast %add3A_1603 : i32 to vector<16xi32>
      %add3A_1605 = arith.addi %add3A_1569, %add3A_1604 : vector<16xi32>
      %swap3A_1606 = arith.constant 7 : i32
      %swap3A_1607 = arith.index_cast %swap3A_1606 : i32 to index
      %swap3A_1608 = arith.constant 48 : index
      %swap3A_1609 = tpu.vector_load %arg6[%swap3A_1607, %swap3A_1608] {strides = array<i32>} : memref<9x128xi32, #tpu.memory_space<vmem>>, vector<16xi32>,
      tpu.vector_store %arg6[%swap3A_1607, %swap3A_1608], %add3A_1605 {strides = array<i32>} : memref<9x128xi32, #tpu.memory_space<vmem>>, vector<16xi32>,
      %mul3A_1610 = arith.constant 34 : i32
      %mul3A_1611 = vector.broadcast %mul3A_1610 : i32 to vector<16xi32>
      %mul3A_1612 = arith.muli %iota3A, %mul3A_1611 : vector<16xi32>
      %add3A_1613 = arith.constant 30 : i32
      %add3A_1614 = vector.broadcast %add3A_1613 : i32 to vector<16xi32>
      %add3A_1615 = arith.addi %mul3A_1612, %add3A_1614 : vector<16xi32>
      %gather3A_1616 = tpu.vector_load_idx %arg5[%add3A_1615] : memref<544xi32, #tpu.memory_space<vmem>>[vector<16xi32>], vector<16xi32>,
      %add3A_1617 = arith.constant 1 : i32
      %add3A_1618 = vector.broadcast %add3A_1617 : i32 to vector<16xi32>
      %add3A_1619 = arith.addi %add3A_1615, %add3A_1618 : vector<16xi32>
      %gather3A_1620 = tpu.vector_load_idx %arg5[%add3A_1619] : memref<544xi32, #tpu.memory_space<vmem>>[vector<16xi32>], vector<16xi32>,
      %ne3A_1621 = arith.constant 0 : i32
      %ne3A_1622 = vector.broadcast %ne3A_1621 : i32 to vector<16xi32>
      %ne3A_1623 = arith.cmpi ne, %gather3A_1620, %ne3A_1622 : vector<16xi32>
      %jit3A_1624 = arith.constant 1.000000e+00 : f32
      %jit3A_1625 = arith.constant 0.000000e+00 : f32
      %broadcast_in_dim3A_1626 = vector.broadcast %jit3A_1624 : f32 to vector<16xf32>
      %broadcast_in_dim3A_1627 = vector.broadcast %jit3A_1625 : f32 to vector<16xf32>
      %select_n3A_1628 = arith.select %ne3A_1623, %broadcast_in_dim3A_1626, %broadcast_in_dim3A_1627 : vector<16xi1>, vector<16xf32>
      %swap3A_1629 = arith.constant 15 : i32
      %swap3A_1630 = arith.index_cast %swap3A_1629 : i32 to index
      %swap3A_1631 = arith.constant 0 : index
      %swap3A_1632 = tpu.vector_load %arg8[%swap3A_1630, %swap3A_1631] {strides = array<i32>} : memref<17x16xf32, #tpu.memory_space<vmem>>, vector<16xf32>,
      tpu.vector_store %arg8[%swap3A_1630, %swap3A_1631], %select_n3A_1628 {strides = array<i32>} : memref<17x16xf32, #tpu.memory_space<vmem>>, vector<16xf32>,
      %shift_right_arithmetic3A_1633 = arith.constant 11 : i32
      %shift_right_arithmetic3A_1634 = vector.broadcast %shift_right_arithmetic3A_1633 : i32 to vector<16xi32>
      %shift_right_arithmetic3A_1635 = arith.shrsi %gather3A_1616, %shift_right_arithmetic3A_1634 : vector<16xi32>
      %shift_left3A_1636 = arith.constant 11 : i32
      %shift_left3A_1637 = vector.broadcast %shift_left3A_1636 : i32 to vector<16xi32>
      %shift_left3A_1638 = arith.shli %shift_right_arithmetic3A_1635, %shift_left3A_1637 : vector<16xi32>
      %shift_right_arithmetic3A_1639 = arith.constant 7 : i32
      %shift_right_arithmetic3A_1640 = vector.broadcast %shift_right_arithmetic3A_1639 : i32 to vector<16xi32>
      %shift_right_arithmetic3A_1641 = arith.shrsi %gather3A_1616, %shift_right_arithmetic3A_1640 : vector<16xi32>
      %and3A_1642 = arith.constant 1 : i32
      %and3A_1643 = vector.broadcast %and3A_1642 : i32 to vector<16xi32>
      %and3A_1644 = arith.andi %shift_right_arithmetic3A_1641, %and3A_1643 : vector<16xi32>
      %shift_left3A_1645 = arith.constant 10 : i32
      %shift_left3A_1646 = vector.broadcast %shift_left3A_1645 : i32 to vector<16xi32>
      %shift_left3A_1647 = arith.shli %and3A_1644, %shift_left3A_1646 : vector<16xi32>
      %add3A_1648 = arith.addi %shift_left3A_1638, %shift_left3A_1647 : vector<16xi32>
      %shift_right_arithmetic3A_1649 = arith.constant 8 : i32
      %shift_right_arithmetic3A_1650 = vector.broadcast %shift_right_arithmetic3A_1649 : i32 to vector<16xi32>
      %shift_right_arithmetic3A_1651 = arith.shrsi %gather3A_1616, %shift_right_arithmetic3A_1650 : vector<16xi32>
      %and3A_1652 = arith.constant 7 : i32
      %and3A_1653 = vector.broadcast %and3A_1652 : i32 to vector<16xi32>
      %and3A_1654 = arith.andi %shift_right_arithmetic3A_1651, %and3A_1653 : vector<16xi32>
      %shift_left3A_1655 = arith.constant 7 : i32
      %shift_left3A_1656 = vector.broadcast %shift_left3A_1655 : i32 to vector<16xi32>
      %shift_left3A_1657 = arith.shli %and3A_1654, %shift_left3A_1656 : vector<16xi32>
      %add3A_1658 = arith.addi %add3A_1648, %shift_left3A_1657 : vector<16xi32>
      %and3A_1659 = arith.constant 127 : i32
      %and3A_1660 = vector.broadcast %and3A_1659 : i32 to vector<16xi32>
      %and3A_1661 = arith.andi %gather3A_1616, %and3A_1660 : vector<16xi32>
      %add3A_1662 = arith.addi %add3A_1658, %and3A_1661 : vector<16xi32>
      %mul3A_1663 = arith.constant 4 : i32
      %mul3A_1664 = arith.muli %select_n3A, %mul3A_1663 : i32
      %mul3A_1665 = arith.constant 17 : i32
      %mul3A_1666 = arith.muli %mul3A_1664, %mul3A_1665 : i32
      %mul3A_1667 = arith.constant 65536 : i32
      %mul3A_1668 = arith.muli %mul3A_1666, %mul3A_1667 : i32
      %add3A_1669 = arith.constant 983040 : i32
      %add3A_1670 = arith.addi %mul3A_1668, %add3A_1669 : i32
      %add3A_1671 = arith.constant 0 : i32
      %add3A_1672 = arith.addi %add3A_1670, %add3A_1671 : i32
      %add3A_1673 = vector.broadcast %add3A_1672 : i32 to vector<16xi32>
      %add3A_1674 = arith.addi %add3A_1662, %add3A_1673 : vector<16xi32>
      %swap3A_1675 = arith.constant 7 : i32
      %swap3A_1676 = arith.index_cast %swap3A_1675 : i32 to index
      %swap3A_1677 = arith.constant 64 : index
      %swap3A_1678 = tpu.vector_load %arg6[%swap3A_1676, %swap3A_1677] {strides = array<i32>} : memref<9x128xi32, #tpu.memory_space<vmem>>, vector<16xi32>,
      tpu.vector_store %arg6[%swap3A_1676, %swap3A_1677], %add3A_1674 {strides = array<i32>} : memref<9x128xi32, #tpu.memory_space<vmem>>, vector<16xi32>,
      %add3A_1679 = arith.constant 1114112 : i32
      %add3A_1680 = arith.addi %add3A_1670, %add3A_1679 : i32
      %add3A_1681 = vector.broadcast %add3A_1680 : i32 to vector<16xi32>
      %add3A_1682 = arith.addi %add3A_1662, %add3A_1681 : vector<16xi32>
      %swap3A_1683 = arith.constant 7 : i32
      %swap3A_1684 = arith.index_cast %swap3A_1683 : i32 to index
      %swap3A_1685 = arith.constant 80 : index
      %swap3A_1686 = tpu.vector_load %arg6[%swap3A_1684, %swap3A_1685] {strides = array<i32>} : memref<9x128xi32, #tpu.memory_space<vmem>>, vector<16xi32>,
      tpu.vector_store %arg6[%swap3A_1684, %swap3A_1685], %add3A_1682 {strides = array<i32>} : memref<9x128xi32, #tpu.memory_space<vmem>>, vector<16xi32>,
      %add3A_1687 = arith.constant 2228224 : i32
      %add3A_1688 = arith.addi %add3A_1670, %add3A_1687 : i32
      %add3A_1689 = vector.broadcast %add3A_1688 : i32 to vector<16xi32>
      %add3A_1690 = arith.addi %add3A_1662, %add3A_1689 : vector<16xi32>
      %swap3A_1691 = arith.constant 7 : i32
      %swap3A_1692 = arith.index_cast %swap3A_1691 : i32 to index
      %swap3A_1693 = arith.constant 96 : index
      %swap3A_1694 = tpu.vector_load %arg6[%swap3A_1692, %swap3A_1693] {strides = array<i32>} : memref<9x128xi32, #tpu.memory_space<vmem>>, vector<16xi32>,
      tpu.vector_store %arg6[%swap3A_1692, %swap3A_1693], %add3A_1690 {strides = array<i32>} : memref<9x128xi32, #tpu.memory_space<vmem>>, vector<16xi32>,
      %add3A_1695 = arith.constant 3342336 : i32
      %add3A_1696 = arith.addi %add3A_1670, %add3A_1695 : i32
      %add3A_1697 = vector.broadcast %add3A_1696 : i32 to vector<16xi32>
      %add3A_1698 = arith.addi %add3A_1662, %add3A_1697 : vector<16xi32>
      %swap3A_1699 = arith.constant 7 : i32
      %swap3A_1700 = arith.index_cast %swap3A_1699 : i32 to index
      %swap3A_1701 = arith.constant 112 : index
      %swap3A_1702 = tpu.vector_load %arg6[%swap3A_1700, %swap3A_1701] {strides = array<i32>} : memref<9x128xi32, #tpu.memory_space<vmem>>, vector<16xi32>,
      tpu.vector_store %arg6[%swap3A_1700, %swap3A_1701], %add3A_1698 {strides = array<i32>} : memref<9x128xi32, #tpu.memory_space<vmem>>, vector<16xi32>,
      %dma_start3A_1703 = arith.constant 7 : i32
      %dma_start3A_1704 = arith.constant 7 : i32
      %dma_start3A_1705 = arith.constant 0 : i32
      %dma_start3A_1706 = tpu.memref_slice %arg7[%dma_start3A_1704, %dma_start3A_1705] : memref<9x128xf32, #tpu.memory_space<vmem>> -> memref<1x128xf32, #tpu.memory_space<vmem>>
      %dma_start3A_1707 = tpu.memref_squeeze %dma_start3A_1706 : memref<1x128xf32, #tpu.memory_space<vmem>> -> memref<128xf32, #tpu.memory_space<vmem>>
      %dma_start3A_1708 = arith.constant 0 : i32
      %dma_start3A_1709 = tpu.memref_slice %arg6[%dma_start3A_1703, %dma_start3A_1708] : memref<9x128xi32, #tpu.memory_space<vmem>> -> memref<1x128xi32, #tpu.memory_space<vmem>>
      %dma_start3A_1710 = tpu.memref_squeeze %dma_start3A_1709 : memref<1x128xi32, #tpu.memory_space<vmem>> -> memref<128xi32, #tpu.memory_space<vmem>>
      %dma_start3A_1711 = arith.constant 0 : i32
      %dma_start3A_1712 = tpu.memref_slice %arg2[%dma_start3A_1711] : memref<17825792xf32, #tpu.memory_space<hbm>> -> memref<17825792xf32, #tpu.memory_space<hbm>>
      tpu.enqueue_indirect_dma source(%dma_start3A_1712 : memref<17825792xf32, #tpu.memory_space<hbm>>) target(%dma_start3A_1707 : memref<128xf32, #tpu.memory_space<vmem>>) offsets(%dma_start3A_1710 : memref<128xi32, #tpu.memory_space<vmem>>) semaphore(%arg15 : memref<!tpu.dma_semaphore, #tpu.memory_space<semaphore_mem>>)
      %dma_wait3A = arith.constant 0 : i32
      %dma_wait3A_1713 = arith.constant 0 : i32
      %dma_wait3A_1714 = arith.constant 0 : i32
      %dma_wait3A_1715 = tpu.memref_slice %arg7[%dma_wait3A_1713, %dma_wait3A_1714] : memref<9x128xf32, #tpu.memory_space<vmem>> -> memref<1x128xf32, #tpu.memory_space<vmem>>
      %dma_wait3A_1716 = tpu.memref_squeeze %dma_wait3A_1715 : memref<1x128xf32, #tpu.memory_space<vmem>> -> memref<128xf32, #tpu.memory_space<vmem>>
      %dma_wait3A_1717 = arith.constant 0 : i32
      %dma_wait3A_1718 = tpu.memref_slice %arg6[%dma_wait3A, %dma_wait3A_1717] : memref<9x128xi32, #tpu.memory_space<vmem>> -> memref<1x128xi32, #tpu.memory_space<vmem>>
      %dma_wait3A_1719 = tpu.memref_squeeze %dma_wait3A_1718 : memref<1x128xi32, #tpu.memory_space<vmem>> -> memref<128xi32, #tpu.memory_space<vmem>>
      %dma_wait3A_1720 = arith.constant 0 : i32
      %dma_wait3A_1721 = tpu.memref_slice %arg2[%dma_wait3A_1720] : memref<17825792xf32, #tpu.memory_space<hbm>> -> memref<17825792xf32, #tpu.memory_space<hbm>>
      tpu.wait_indirect_dma semaphore(%arg15 : memref<!tpu.dma_semaphore, #tpu.memory_space<semaphore_mem>>) src(%dma_wait3A_1721 : memref<17825792xf32, #tpu.memory_space<hbm>>) dst(%dma_wait3A_1716 : memref<128xf32, #tpu.memory_space<vmem>>)
      %dma_wait3A_1722 = arith.constant 1 : i32
      %dma_wait3A_1723 = arith.constant 1 : i32
      %dma_wait3A_1724 = arith.constant 0 : i32
      %dma_wait3A_1725 = tpu.memref_slice %arg7[%dma_wait3A_1723, %dma_wait3A_1724] : memref<9x128xf32, #tpu.memory_space<vmem>> -> memref<1x128xf32, #tpu.memory_space<vmem>>
      %dma_wait3A_1726 = tpu.memref_squeeze %dma_wait3A_1725 : memref<1x128xf32, #tpu.memory_space<vmem>> -> memref<128xf32, #tpu.memory_space<vmem>>
      %dma_wait3A_1727 = arith.constant 0 : i32
      %dma_wait3A_1728 = tpu.memref_slice %arg6[%dma_wait3A_1722, %dma_wait3A_1727] : memref<9x128xi32, #tpu.memory_space<vmem>> -> memref<1x128xi32, #tpu.memory_space<vmem>>
      %dma_wait3A_1729 = tpu.memref_squeeze %dma_wait3A_1728 : memref<1x128xi32, #tpu.memory_space<vmem>> -> memref<128xi32, #tpu.memory_space<vmem>>
      %dma_wait3A_1730 = arith.constant 0 : i32
      %dma_wait3A_1731 = tpu.memref_slice %arg2[%dma_wait3A_1730] : memref<17825792xf32, #tpu.memory_space<hbm>> -> memref<17825792xf32, #tpu.memory_space<hbm>>
      tpu.wait_indirect_dma semaphore(%arg15 : memref<!tpu.dma_semaphore, #tpu.memory_space<semaphore_mem>>) src(%dma_wait3A_1731 : memref<17825792xf32, #tpu.memory_space<hbm>>) dst(%dma_wait3A_1726 : memref<128xf32, #tpu.memory_space<vmem>>)
      %dma_wait3A_1732 = arith.constant 2 : i32
      %dma_wait3A_1733 = arith.constant 2 : i32
      %dma_wait3A_1734 = arith.constant 0 : i32
      %dma_wait3A_1735 = tpu.memref_slice %arg7[%dma_wait3A_1733, %dma_wait3A_1734] : memref<9x128xf32, #tpu.memory_space<vmem>> -> memref<1x128xf32, #tpu.memory_space<vmem>>
      %dma_wait3A_1736 = tpu.memref_squeeze %dma_wait3A_1735 : memref<1x128xf32, #tpu.memory_space<vmem>> -> memref<128xf32, #tpu.memory_space<vmem>>
      %dma_wait3A_1737 = arith.constant 0 : i32
      %dma_wait3A_1738 = tpu.memref_slice %arg6[%dma_wait3A_1732, %dma_wait3A_1737] : memref<9x128xi32, #tpu.memory_space<vmem>> -> memref<1x128xi32, #tpu.memory_space<vmem>>
      %dma_wait3A_1739 = tpu.memref_squeeze %dma_wait3A_1738 : memref<1x128xi32, #tpu.memory_space<vmem>> -> memref<128xi32, #tpu.memory_space<vmem>>
      %dma_wait3A_1740 = arith.constant 0 : i32
      %dma_wait3A_1741 = tpu.memref_slice %arg2[%dma_wait3A_1740] : memref<17825792xf32, #tpu.memory_space<hbm>> -> memref<17825792xf32, #tpu.memory_space<hbm>>
      tpu.wait_indirect_dma semaphore(%arg15 : memref<!tpu.dma_semaphore, #tpu.memory_space<semaphore_mem>>) src(%dma_wait3A_1741 : memref<17825792xf32, #tpu.memory_space<hbm>>) dst(%dma_wait3A_1736 : memref<128xf32, #tpu.memory_space<vmem>>)
      %dma_wait3A_1742 = arith.constant 3 : i32
      %dma_wait3A_1743 = arith.constant 3 : i32
      %dma_wait3A_1744 = arith.constant 0 : i32
      %dma_wait3A_1745 = tpu.memref_slice %arg7[%dma_wait3A_1743, %dma_wait3A_1744] : memref<9x128xf32, #tpu.memory_space<vmem>> -> memref<1x128xf32, #tpu.memory_space<vmem>>
      %dma_wait3A_1746 = tpu.memref_squeeze %dma_wait3A_1745 : memref<1x128xf32, #tpu.memory_space<vmem>> -> memref<128xf32, #tpu.memory_space<vmem>>
      %dma_wait3A_1747 = arith.constant 0 : i32
      %dma_wait3A_1748 = tpu.memref_slice %arg6[%dma_wait3A_1742, %dma_wait3A_1747] : memref<9x128xi32, #tpu.memory_space<vmem>> -> memref<1x128xi32, #tpu.memory_space<vmem>>
      %dma_wait3A_1749 = tpu.memref_squeeze %dma_wait3A_1748 : memref<1x128xi32, #tpu.memory_space<vmem>> -> memref<128xi32, #tpu.memory_space<vmem>>
      %dma_wait3A_1750 = arith.constant 0 : i32
      %dma_wait3A_1751 = tpu.memref_slice %arg2[%dma_wait3A_1750] : memref<17825792xf32, #tpu.memory_space<hbm>> -> memref<17825792xf32, #tpu.memory_space<hbm>>
      tpu.wait_indirect_dma semaphore(%arg15 : memref<!tpu.dma_semaphore, #tpu.memory_space<semaphore_mem>>) src(%dma_wait3A_1751 : memref<17825792xf32, #tpu.memory_space<hbm>>) dst(%dma_wait3A_1746 : memref<128xf32, #tpu.memory_space<vmem>>)
      %dma_wait3A_1752 = arith.constant 4 : i32
      %dma_wait3A_1753 = arith.constant 4 : i32
      %dma_wait3A_1754 = arith.constant 0 : i32
      %dma_wait3A_1755 = tpu.memref_slice %arg7[%dma_wait3A_1753, %dma_wait3A_1754] : memref<9x128xf32, #tpu.memory_space<vmem>> -> memref<1x128xf32, #tpu.memory_space<vmem>>
      %dma_wait3A_1756 = tpu.memref_squeeze %dma_wait3A_1755 : memref<1x128xf32, #tpu.memory_space<vmem>> -> memref<128xf32, #tpu.memory_space<vmem>>
      %dma_wait3A_1757 = arith.constant 0 : i32
      %dma_wait3A_1758 = tpu.memref_slice %arg6[%dma_wait3A_1752, %dma_wait3A_1757] : memref<9x128xi32, #tpu.memory_space<vmem>> -> memref<1x128xi32, #tpu.memory_space<vmem>>
      %dma_wait3A_1759 = tpu.memref_squeeze %dma_wait3A_1758 : memref<1x128xi32, #tpu.memory_space<vmem>> -> memref<128xi32, #tpu.memory_space<vmem>>
      %dma_wait3A_1760 = arith.constant 0 : i32
      %dma_wait3A_1761 = tpu.memref_slice %arg2[%dma_wait3A_1760] : memref<17825792xf32, #tpu.memory_space<hbm>> -> memref<17825792xf32, #tpu.memory_space<hbm>>
      tpu.wait_indirect_dma semaphore(%arg15 : memref<!tpu.dma_semaphore, #tpu.memory_space<semaphore_mem>>) src(%dma_wait3A_1761 : memref<17825792xf32, #tpu.memory_space<hbm>>) dst(%dma_wait3A_1756 : memref<128xf32, #tpu.memory_space<vmem>>)
      %dma_wait3A_1762 = arith.constant 5 : i32
      %dma_wait3A_1763 = arith.constant 5 : i32
      %dma_wait3A_1764 = arith.constant 0 : i32
      %dma_wait3A_1765 = tpu.memref_slice %arg7[%dma_wait3A_1763, %dma_wait3A_1764] : memref<9x128xf32, #tpu.memory_space<vmem>> -> memref<1x128xf32, #tpu.memory_space<vmem>>
      %dma_wait3A_1766 = tpu.memref_squeeze %dma_wait3A_1765 : memref<1x128xf32, #tpu.memory_space<vmem>> -> memref<128xf32, #tpu.memory_space<vmem>>
      %dma_wait3A_1767 = arith.constant 0 : i32
      %dma_wait3A_1768 = tpu.memref_slice %arg6[%dma_wait3A_1762, %dma_wait3A_1767] : memref<9x128xi32, #tpu.memory_space<vmem>> -> memref<1x128xi32, #tpu.memory_space<vmem>>
      %dma_wait3A_1769 = tpu.memref_squeeze %dma_wait3A_1768 : memref<1x128xi32, #tpu.memory_space<vmem>> -> memref<128xi32, #tpu.memory_space<vmem>>
      %dma_wait3A_1770 = arith.constant 0 : i32
      %dma_wait3A_1771 = tpu.memref_slice %arg2[%dma_wait3A_1770] : memref<17825792xf32, #tpu.memory_space<hbm>> -> memref<17825792xf32, #tpu.memory_space<hbm>>
      tpu.wait_indirect_dma semaphore(%arg15 : memref<!tpu.dma_semaphore, #tpu.memory_space<semaphore_mem>>) src(%dma_wait3A_1771 : memref<17825792xf32, #tpu.memory_space<hbm>>) dst(%dma_wait3A_1766 : memref<128xf32, #tpu.memory_space<vmem>>)
      %dma_wait3A_1772 = arith.constant 6 : i32
      %dma_wait3A_1773 = arith.constant 6 : i32
      %dma_wait3A_1774 = arith.constant 0 : i32
      %dma_wait3A_1775 = tpu.memref_slice %arg7[%dma_wait3A_1773, %dma_wait3A_1774] : memref<9x128xf32, #tpu.memory_space<vmem>> -> memref<1x128xf32, #tpu.memory_space<vmem>>
      %dma_wait3A_1776 = tpu.memref_squeeze %dma_wait3A_1775 : memref<1x128xf32, #tpu.memory_space<vmem>> -> memref<128xf32, #tpu.memory_space<vmem>>
      %dma_wait3A_1777 = arith.constant 0 : i32
      %dma_wait3A_1778 = tpu.memref_slice %arg6[%dma_wait3A_1772, %dma_wait3A_1777] : memref<9x128xi32, #tpu.memory_space<vmem>> -> memref<1x128xi32, #tpu.memory_space<vmem>>
      %dma_wait3A_1779 = tpu.memref_squeeze %dma_wait3A_1778 : memref<1x128xi32, #tpu.memory_space<vmem>> -> memref<128xi32, #tpu.memory_space<vmem>>
      %dma_wait3A_1780 = arith.constant 0 : i32
      %dma_wait3A_1781 = tpu.memref_slice %arg2[%dma_wait3A_1780] : memref<17825792xf32, #tpu.memory_space<hbm>> -> memref<17825792xf32, #tpu.memory_space<hbm>>
      tpu.wait_indirect_dma semaphore(%arg15 : memref<!tpu.dma_semaphore, #tpu.memory_space<semaphore_mem>>) src(%dma_wait3A_1781 : memref<17825792xf32, #tpu.memory_space<hbm>>) dst(%dma_wait3A_1776 : memref<128xf32, #tpu.memory_space<vmem>>)
      %dma_wait3A_1782 = arith.constant 7 : i32
      %dma_wait3A_1783 = arith.constant 7 : i32
      %dma_wait3A_1784 = arith.constant 0 : i32
      %dma_wait3A_1785 = tpu.memref_slice %arg7[%dma_wait3A_1783, %dma_wait3A_1784] : memref<9x128xf32, #tpu.memory_space<vmem>> -> memref<1x128xf32, #tpu.memory_space<vmem>>
      %dma_wait3A_1786 = tpu.memref_squeeze %dma_wait3A_1785 : memref<1x128xf32, #tpu.memory_space<vmem>> -> memref<128xf32, #tpu.memory_space<vmem>>
      %dma_wait3A_1787 = arith.constant 0 : i32
      %dma_wait3A_1788 = tpu.memref_slice %arg6[%dma_wait3A_1782, %dma_wait3A_1787] : memref<9x128xi32, #tpu.memory_space<vmem>> -> memref<1x128xi32, #tpu.memory_space<vmem>>
      %dma_wait3A_1789 = tpu.memref_squeeze %dma_wait3A_1788 : memref<1x128xi32, #tpu.memory_space<vmem>> -> memref<128xi32, #tpu.memory_space<vmem>>
      %dma_wait3A_1790 = arith.constant 0 : i32
      %dma_wait3A_1791 = tpu.memref_slice %arg2[%dma_wait3A_1790] : memref<17825792xf32, #tpu.memory_space<hbm>> -> memref<17825792xf32, #tpu.memory_space<hbm>>
      tpu.wait_indirect_dma semaphore(%arg15 : memref<!tpu.dma_semaphore, #tpu.memory_space<semaphore_mem>>) src(%dma_wait3A_1791 : memref<17825792xf32, #tpu.memory_space<hbm>>) dst(%dma_wait3A_1786 : memref<128xf32, #tpu.memory_space<vmem>>)
      %dma_wait3A_1792 = arith.constant 8 : i32
      %dma_wait3A_1793 = arith.constant 8 : i32
      %dma_wait3A_1794 = arith.constant 0 : i32
      %dma_wait3A_1795 = tpu.memref_slice %arg7[%dma_wait3A_1793, %dma_wait3A_1794] : memref<9x128xf32, #tpu.memory_space<vmem>> -> memref<1x128xf32, #tpu.memory_space<vmem>>
      %dma_wait3A_1796 = tpu.memref_squeeze %dma_wait3A_1795 : memref<1x128xf32, #tpu.memory_space<vmem>> -> memref<128xf32, #tpu.memory_space<vmem>>
      %dma_wait3A_1797 = arith.constant 0 : i32
      %dma_wait3A_1798 = tpu.memref_slice %arg6[%dma_wait3A_1792, %dma_wait3A_1797] : memref<9x128xi32, #tpu.memory_space<vmem>> -> memref<1x128xi32, #tpu.memory_space<vmem>>
      %dma_wait3A_1799 = tpu.memref_squeeze %dma_wait3A_1798 : memref<1x128xi32, #tpu.memory_space<vmem>> -> memref<128xi32, #tpu.memory_space<vmem>>
      %dma_wait3A_1800 = arith.constant 0 : i32
      %dma_wait3A_1801 = tpu.memref_slice %arg2[%dma_wait3A_1800] : memref<17825792xf32, #tpu.memory_space<hbm>> -> memref<17825792xf32, #tpu.memory_space<hbm>>
      tpu.wait_indirect_dma semaphore(%arg15 : memref<!tpu.dma_semaphore, #tpu.memory_space<semaphore_mem>>) src(%dma_wait3A_1801 : memref<17825792xf32, #tpu.memory_space<hbm>>) dst(%dma_wait3A_1796 : memref<128xf32, #tpu.memory_space<vmem>>)
      %scan3A = arith.constant 0 : i32
      %scan3A_1802 = arith.constant 17 : i32
      %scan3A_1803 = arith.addi %scan3A, %scan3A_1802 : i32
      %scan3A_1804 = arith.constant 1 : i32
      %scan3A_1805:5 = scf.for %scan3A_1855 = %scan3A to %scan3A_1803 step %scan3A_1804 iter_args(%scan3A_1856 = %broadcast_in_dim3A_0, %scan3A_1857 = %broadcast_in_dim3A_0, %scan3A_1858 = %broadcast_in_dim3A_0, %scan3A_1859 = %broadcast_in_dim3A_0, %scan3A_1860 = %broadcast_in_dim3A_0) -> (vector<16xf32>, vector<16xf32>, vector<16xf32>, vector<16xf32>, vector<16xf32>)  : i32 {
        %get3A = arith.index_cast %scan3A_1855 : i32 to index
        %get3A_1861 = arith.constant 0 : index
        %get3A_1862 = tpu.vector_load %arg8[%get3A, %get3A_1861] {strides = array<i32>} : memref<17x16xf32, #tpu.memory_space<vmem>>, vector<16xf32>,
        %add3A_1863 = arith.addf %scan3A_1856, %get3A_1862 : vector<16xf32>
        %mul3A_1864 = arith.constant 4 : i32
        %mul3A_1865 = arith.muli %mul3A_1864, %scan3A_1855 : i32
        %add3A_1866 = arith.constant 0 : i32
        %add3A_1867 = arith.addi %mul3A_1865, %add3A_1866 : i32
        %shift_right_arithmetic3A_1868 = arith.constant 3 : i32
        %shift_right_arithmetic3A_1869 = arith.shrsi %add3A_1867, %shift_right_arithmetic3A_1868 : i32
        %and3A_1870 = arith.constant 7 : i32
        %and3A_1871 = arith.andi %add3A_1867, %and3A_1870 : i32
        %mul3A_1872 = arith.constant 16 : i32
        %mul3A_1873 = arith.muli %and3A_1871, %mul3A_1872 : i32
        %get3A_1874 = arith.index_cast %shift_right_arithmetic3A_1869 : i32 to index
        %get3A_1875 = arith.index_cast %mul3A_1873 : i32 to index
        %get3A_1876 = tpu.vector_load %arg7[%get3A_1874, %get3A_1875] {strides = array<i32>} : memref<9x128xf32, #tpu.memory_space<vmem>>, vector<16xf32>,
        %mul3A_1877 = arith.mulf %get3A_1862, %get3A_1876 : vector<16xf32>
        %add3A_1878 = arith.addf %scan3A_1857, %mul3A_1877 : vector<16xf32>
        %mul3A_1879 = arith.constant 4 : i32
        %mul3A_1880 = arith.muli %mul3A_1879, %scan3A_1855 : i32
        %add3A_1881 = arith.constant 1 : i32
        %add3A_1882 = arith.addi %mul3A_1880, %add3A_1881 : i32
        %shift_right_arithmetic3A_1883 = arith.constant 3 : i32
        %shift_right_arithmetic3A_1884 = arith.shrsi %add3A_1882, %shift_right_arithmetic3A_1883 : i32
        %and3A_1885 = arith.constant 7 : i32
        %and3A_1886 = arith.andi %add3A_1882, %and3A_1885 : i32
        %mul3A_1887 = arith.constant 16 : i32
        %mul3A_1888 = arith.muli %and3A_1886, %mul3A_1887 : i32
        %get3A_1889 = arith.index_cast %shift_right_arithmetic3A_1884 : i32 to index
        %get3A_1890 = arith.index_cast %mul3A_1888 : i32 to index
        %get3A_1891 = tpu.vector_load %arg7[%get3A_1889, %get3A_1890] {strides = array<i32>} : memref<9x128xf32, #tpu.memory_space<vmem>>, vector<16xf32>,
        %mul3A_1892 = arith.mulf %get3A_1862, %get3A_1891 : vector<16xf32>
        %add3A_1893 = arith.addf %scan3A_1858, %mul3A_1892 : vector<16xf32>
        %mul3A_1894 = arith.constant 4 : i32
        %mul3A_1895 = arith.muli %mul3A_1894, %scan3A_1855 : i32
        %add3A_1896 = arith.constant 2 : i32
        %add3A_1897 = arith.addi %mul3A_1895, %add3A_1896 : i32
        %shift_right_arithmetic3A_1898 = arith.constant 3 : i32
        %shift_right_arithmetic3A_1899 = arith.shrsi %add3A_1897, %shift_right_arithmetic3A_1898 : i32
        %and3A_1900 = arith.constant 7 : i32
        %and3A_1901 = arith.andi %add3A_1897, %and3A_1900 : i32
        %mul3A_1902 = arith.constant 16 : i32
        %mul3A_1903 = arith.muli %and3A_1901, %mul3A_1902 : i32
        %get3A_1904 = arith.index_cast %shift_right_arithmetic3A_1899 : i32 to index
        %get3A_1905 = arith.index_cast %mul3A_1903 : i32 to index
        %get3A_1906 = tpu.vector_load %arg7[%get3A_1904, %get3A_1905] {strides = array<i32>} : memref<9x128xf32, #tpu.memory_space<vmem>>, vector<16xf32>,
        %mul3A_1907 = arith.mulf %get3A_1862, %get3A_1906 : vector<16xf32>
        %add3A_1908 = arith.addf %scan3A_1859, %mul3A_1907 : vector<16xf32>
        %mul3A_1909 = arith.constant 4 : i32
        %mul3A_1910 = arith.muli %mul3A_1909, %scan3A_1855 : i32
        %add3A_1911 = arith.constant 3 : i32
        %add3A_1912 = arith.addi %mul3A_1910, %add3A_1911 : i32
        %shift_right_arithmetic3A_1913 = arith.constant 3 : i32
        %shift_right_arithmetic3A_1914 = arith.shrsi %add3A_1912, %shift_right_arithmetic3A_1913 : i32
        %and3A_1915 = arith.constant 7 : i32
        %and3A_1916 = arith.andi %add3A_1912, %and3A_1915 : i32
        %mul3A_1917 = arith.constant 16 : i32
        %mul3A_1918 = arith.muli %and3A_1916, %mul3A_1917 : i32
        %get3A_1919 = arith.index_cast %shift_right_arithmetic3A_1914 : i32 to index
        %get3A_1920 = arith.index_cast %mul3A_1918 : i32 to index
        %get3A_1921 = tpu.vector_load %arg7[%get3A_1919, %get3A_1920] {strides = array<i32>} : memref<9x128xf32, #tpu.memory_space<vmem>>, vector<16xf32>,
        %mul3A_1922 = arith.mulf %get3A_1862, %get3A_1921 : vector<16xf32>
        %add3A_1923 = arith.addf %scan3A_1860, %mul3A_1922 : vector<16xf32>
        scf.yield %add3A_1863, %add3A_1878, %add3A_1893, %add3A_1908, %add3A_1923 : vector<16xf32>, vector<16xf32>, vector<16xf32>, vector<16xf32>, vector<16xf32>
      }
      %scan3A_1806 = arith.constant 17 : i32
      %max3A = arith.constant 1.000000e+00 : f32
      %max3A_1807 = vector.broadcast %max3A : f32 to vector<16xf32>
      %max3A_1808 = arith.maximumf %scan3A_1805#0, %max3A_1807 : vector<16xf32>
      %div3A_1809 = arith.divf %scan3A_1805#1, %max3A_1808 : vector<16xf32>
      %div3A_1810 = arith.divf %scan3A_1805#2, %max3A_1808 : vector<16xf32>
      %div3A_1811 = arith.divf %scan3A_1805#3, %max3A_1808 : vector<16xf32>
      %div3A_1812 = arith.divf %scan3A_1805#4, %max3A_1808 : vector<16xf32>
      %gt3A = arith.constant 0.000000e+00 : f32
      %gt3A_1813 = vector.broadcast %gt3A : f32 to vector<16xf32>
      %gt3A_1814 = arith.cmpf ogt, %scan3A_1805#0, %gt3A_1813 : vector<16xf32>
      %jit3A_1815 = arith.constant 1.000000e+00 : f32
      %jit3A_1816 = arith.constant 0.000000e+00 : f32
      %broadcast_in_dim3A_1817 = vector.broadcast %jit3A_1815 : f32 to vector<16xf32>
      %broadcast_in_dim3A_1818 = vector.broadcast %jit3A_1816 : f32 to vector<16xf32>
      %select_n3A_1819 = arith.select %gt3A_1814, %broadcast_in_dim3A_1817, %broadcast_in_dim3A_1818 : vector<16xi1>, vector<16xf32>
      %swap3A_1820 = arith.constant 0 : index
      %swap3A_1821 = tpu.vector_load %arg9[%swap3A_1820] {strides = array<i32>} : memref<128xf32, #tpu.memory_space<vmem>>, vector<16xf32>,
      tpu.vector_store %arg9[%swap3A_1820], %div3A_1809 {strides = array<i32>} : memref<128xf32, #tpu.memory_space<vmem>>, vector<16xf32>,
      %swap3A_1822 = arith.constant 16 : index
      %swap3A_1823 = tpu.vector_load %arg9[%swap3A_1822] {strides = array<i32>} : memref<128xf32, #tpu.memory_space<vmem>>, vector<16xf32>,
      tpu.vector_store %arg9[%swap3A_1822], %div3A_1810 {strides = array<i32>} : memref<128xf32, #tpu.memory_space<vmem>>, vector<16xf32>,
      %swap3A_1824 = arith.constant 32 : index
      %swap3A_1825 = tpu.vector_load %arg9[%swap3A_1824] {strides = array<i32>} : memref<128xf32, #tpu.memory_space<vmem>>, vector<16xf32>,
      tpu.vector_store %arg9[%swap3A_1824], %div3A_1811 {strides = array<i32>} : memref<128xf32, #tpu.memory_space<vmem>>, vector<16xf32>,
      %swap3A_1826 = arith.constant 48 : index
      %swap3A_1827 = tpu.vector_load %arg9[%swap3A_1826] {strides = array<i32>} : memref<128xf32, #tpu.memory_space<vmem>>, vector<16xf32>,
      tpu.vector_store %arg9[%swap3A_1826], %div3A_1812 {strides = array<i32>} : memref<128xf32, #tpu.memory_space<vmem>>, vector<16xf32>,
      %swap3A_1828 = arith.constant 64 : index
      %swap3A_1829 = tpu.vector_load %arg9[%swap3A_1828] {strides = array<i32>} : memref<128xf32, #tpu.memory_space<vmem>>, vector<16xf32>,
      tpu.vector_store %arg9[%swap3A_1828], %select_n3A_1819 {strides = array<i32>} : memref<128xf32, #tpu.memory_space<vmem>>, vector<16xf32>,
      %dma_start3A_1830 = arith.constant 0 : i32
      %dma_start3A_1831 = tpu.memref_slice %arg14[%arg1, %dma_start3A_1830] : memref<16x128xf32, #tpu.memory_space<vmem_shared>> -> memref<1x128xf32, #tpu.memory_space<vmem_shared>>
      %dma_start3A_1832 = tpu.memref_squeeze %dma_start3A_1831 : memref<1x128xf32, #tpu.memory_space<vmem_shared>> -> memref<128xf32, #tpu.memory_space<vmem_shared>>
      %dma_start3A_1833 = arith.constant 0 : i32
      %dma_start3A_1834 = tpu.memref_slice %arg14[%arg1, %dma_start3A_1833] : memref<16x128xf32, #tpu.memory_space<vmem_shared>> -> memref<1x128xf32, #tpu.memory_space<vmem_shared>>
      %dma_start3A_1835 = tpu.memref_squeeze %dma_start3A_1834 : memref<1x128xf32, #tpu.memory_space<vmem_shared>> -> memref<128xf32, #tpu.memory_space<vmem_shared>>
      tpu.enqueue_dma source(%arg9 : memref<128xf32, #tpu.memory_space<vmem>>) target(%dma_start3A_1835 : memref<128xf32, #tpu.memory_space<vmem_shared>>) target_semaphore(%arg15 : memref<!tpu.dma_semaphore, #tpu.memory_space<semaphore_mem>>)
      %scan3A_1836 = arith.constant 0 : i32
      %scan3A_1837 = arith.constant 17 : i32
      %scan3A_1838 = arith.addi %scan3A_1836, %scan3A_1837 : i32
      %scan3A_1839 = arith.constant 1 : i32
      %scan3A_1840 = scf.for %scan3A_1855 = %scan3A_1836 to %scan3A_1838 step %scan3A_1839 iter_args(%scan3A_1856 = %broadcast_in_dim3A_0) -> (vector<16xf32>)  : i32 {
        %get3A = arith.index_cast %scan3A_1855 : i32 to index
        %get3A_1857 = arith.constant 0 : index
        %get3A_1858 = tpu.vector_load %arg8[%get3A, %get3A_1857] {strides = array<i32>} : memref<17x16xf32, #tpu.memory_space<vmem>>, vector<16xf32>,
        %mul3A_1859 = arith.constant 4 : i32
        %mul3A_1860 = arith.muli %mul3A_1859, %scan3A_1855 : i32
        %add3A_1861 = arith.constant 0 : i32
        %add3A_1862 = arith.addi %mul3A_1860, %add3A_1861 : i32
        %shift_right_arithmetic3A_1863 = arith.constant 3 : i32
        %shift_right_arithmetic3A_1864 = arith.shrsi %add3A_1862, %shift_right_arithmetic3A_1863 : i32
        %and3A_1865 = arith.constant 7 : i32
        %and3A_1866 = arith.andi %add3A_1862, %and3A_1865 : i32
        %mul3A_1867 = arith.constant 16 : i32
        %mul3A_1868 = arith.muli %and3A_1866, %mul3A_1867 : i32
        %get3A_1869 = arith.index_cast %shift_right_arithmetic3A_1864 : i32 to index
        %get3A_1870 = arith.index_cast %mul3A_1868 : i32 to index
        %get3A_1871 = tpu.vector_load %arg7[%get3A_1869, %get3A_1870] {strides = array<i32>} : memref<9x128xf32, #tpu.memory_space<vmem>>, vector<16xf32>,
        %sub3A_1872 = arith.subf %get3A_1871, %div3A_1809 : vector<16xf32>
        %mul3A_1873 = arith.mulf %sub3A_1872, %sub3A_1872 : vector<16xf32>
        %add3A_1874 = arith.addf %broadcast_in_dim3A_0, %mul3A_1873 : vector<16xf32>
        %mul3A_1875 = arith.constant 4 : i32
        %mul3A_1876 = arith.muli %mul3A_1875, %scan3A_1855 : i32
        %add3A_1877 = arith.constant 1 : i32
        %add3A_1878 = arith.addi %mul3A_1876, %add3A_1877 : i32
        %shift_right_arithmetic3A_1879 = arith.constant 3 : i32
        %shift_right_arithmetic3A_1880 = arith.shrsi %add3A_1878, %shift_right_arithmetic3A_1879 : i32
        %and3A_1881 = arith.constant 7 : i32
        %and3A_1882 = arith.andi %add3A_1878, %and3A_1881 : i32
        %mul3A_1883 = arith.constant 16 : i32
        %mul3A_1884 = arith.muli %and3A_1882, %mul3A_1883 : i32
        %get3A_1885 = arith.index_cast %shift_right_arithmetic3A_1880 : i32 to index
        %get3A_1886 = arith.index_cast %mul3A_1884 : i32 to index
        %get3A_1887 = tpu.vector_load %arg7[%get3A_1885, %get3A_1886] {strides = array<i32>} : memref<9x128xf32, #tpu.memory_space<vmem>>, vector<16xf32>,
        %sub3A_1888 = arith.subf %get3A_1887, %div3A_1810 : vector<16xf32>
        %mul3A_1889 = arith.mulf %sub3A_1888, %sub3A_1888 : vector<16xf32>
        %add3A_1890 = arith.addf %add3A_1874, %mul3A_1889 : vector<16xf32>
        %mul3A_1891 = arith.constant 4 : i32
        %mul3A_1892 = arith.muli %mul3A_1891, %scan3A_1855 : i32
        %add3A_1893 = arith.constant 2 : i32
        %add3A_1894 = arith.addi %mul3A_1892, %add3A_1893 : i32
        %shift_right_arithmetic3A_1895 = arith.constant 3 : i32
        %shift_right_arithmetic3A_1896 = arith.shrsi %add3A_1894, %shift_right_arithmetic3A_1895 : i32
        %and3A_1897 = arith.constant 7 : i32
        %and3A_1898 = arith.andi %add3A_1894, %and3A_1897 : i32
        %mul3A_1899 = arith.constant 16 : i32
        %mul3A_1900 = arith.muli %and3A_1898, %mul3A_1899 : i32
        %get3A_1901 = arith.index_cast %shift_right_arithmetic3A_1896 : i32 to index
        %get3A_1902 = arith.index_cast %mul3A_1900 : i32 to index
        %get3A_1903 = tpu.vector_load %arg7[%get3A_1901, %get3A_1902] {strides = array<i32>} : memref<9x128xf32, #tpu.memory_space<vmem>>, vector<16xf32>,
        %sub3A_1904 = arith.subf %get3A_1903, %div3A_1811 : vector<16xf32>
        %mul3A_1905 = arith.mulf %sub3A_1904, %sub3A_1904 : vector<16xf32>
        %add3A_1906 = arith.addf %add3A_1890, %mul3A_1905 : vector<16xf32>
        %mul3A_1907 = arith.constant 4 : i32
        %mul3A_1908 = arith.muli %mul3A_1907, %scan3A_1855 : i32
        %add3A_1909 = arith.constant 3 : i32
        %add3A_1910 = arith.addi %mul3A_1908, %add3A_1909 : i32
        %shift_right_arithmetic3A_1911 = arith.constant 3 : i32
        %shift_right_arithmetic3A_1912 = arith.shrsi %add3A_1910, %shift_right_arithmetic3A_1911 : i32
        %and3A_1913 = arith.constant 7 : i32
        %and3A_1914 = arith.andi %add3A_1910, %and3A_1913 : i32
        %mul3A_1915 = arith.constant 16 : i32
        %mul3A_1916 = arith.muli %and3A_1914, %mul3A_1915 : i32
        %get3A_1917 = arith.index_cast %shift_right_arithmetic3A_1912 : i32 to index
        %get3A_1918 = arith.index_cast %mul3A_1916 : i32 to index
        %get3A_1919 = tpu.vector_load %arg7[%get3A_1917, %get3A_1918] {strides = array<i32>} : memref<9x128xf32, #tpu.memory_space<vmem>>, vector<16xf32>,
        %sub3A_1920 = arith.subf %get3A_1919, %div3A_1812 : vector<16xf32>
        %mul3A_1921 = arith.mulf %sub3A_1920, %sub3A_1920 : vector<16xf32>
        %add3A_1922 = arith.addf %add3A_1906, %mul3A_1921 : vector<16xf32>
        %mul3A_1923 = arith.mulf %get3A_1858, %add3A_1922 : vector<16xf32>
        %add3A_1924 = arith.addf %scan3A_1856, %mul3A_1923 : vector<16xf32>
        scf.yield %add3A_1924 : vector<16xf32>
      }
      %scan3A_1841 = arith.constant 17 : i32
      %mul3A_1842 = arith.mulf %select_n3A_1819, %scan3A_1840 : vector<16xf32>
      %mul3A_1843 = arith.constant 4.000000e+00 : f32
      %mul3A_1844 = vector.broadcast %mul3A_1843 : f32 to vector<16xf32>
      %mul3A_1845 = arith.mulf %max3A_1808, %mul3A_1844 : vector<16xf32>
      %div3A_1846 = arith.divf %mul3A_1842, %mul3A_1845 : vector<16xf32>
      %swap3A_1847 = arith.constant 16 : index
      %swap3A_1848 = tpu.vector_load %arg11[%swap3A_1847] {strides = array<i32>} : memref<128xf32, #tpu.memory_space<vmem>>, vector<16xf32>,
      tpu.vector_store %arg11[%swap3A_1847], %div3A_1846 {strides = array<i32>} : memref<128xf32, #tpu.memory_space<vmem>>, vector<16xf32>,
      %dma_wait3A_1849 = arith.constant 0 : i32
      %dma_wait3A_1850 = tpu.memref_slice %arg14[%arg1, %dma_wait3A_1849] : memref<16x128xf32, #tpu.memory_space<vmem_shared>> -> memref<1x128xf32, #tpu.memory_space<vmem_shared>>
      %dma_wait3A_1851 = tpu.memref_squeeze %dma_wait3A_1850 : memref<1x128xf32, #tpu.memory_space<vmem_shared>> -> memref<128xf32, #tpu.memory_space<vmem_shared>>
      %dma_wait3A_1852 = arith.constant 0 : i32
      %dma_wait3A_1853 = tpu.memref_slice %arg14[%arg1, %dma_wait3A_1852] : memref<16x128xf32, #tpu.memory_space<vmem_shared>> -> memref<1x128xf32, #tpu.memory_space<vmem_shared>>
      %dma_wait3A_1854 = tpu.memref_squeeze %dma_wait3A_1853 : memref<1x128xf32, #tpu.memory_space<vmem_shared>> -> memref<128xf32, #tpu.memory_space<vmem_shared>>
      tpu.wait_dma2 semaphore(%arg15 : memref<!tpu.dma_semaphore, #tpu.memory_space<semaphore_mem>>) src(%arg9 : memref<128xf32, #tpu.memory_space<vmem>>) dst(%dma_wait3A_1854 : memref<128xf32, #tpu.memory_space<vmem_shared>>)
    } else {
    }
    %barrier3A = arith.constant 0 : index
    tpu.barrier barrier_id(%barrier3A)
    %lt3A_5 = arith.constant 8 : i32
    %lt3A_6 = arith.cmpi slt, %arg1, %lt3A_5 : i32
    %convert_element_type3A_7 = arith.extui %lt3A_6 : i1 to i32
    %cond3A_8 = arith.constant 0 : i32
    %cond3A_9 = arith.cmpi ne, %convert_element_type3A_7, %cond3A_8 : i32
    scf.if %cond3A_9 {
      %xor3A = arith.constant 1 : i32
      %xor3A_15 = arith.xori %arg1, %xor3A : i32
      "tpu.region"() ({
        %run_scoped3A = tpu.sem_alloc : memref<!tpu.dma_semaphore, #tpu.memory_space<semaphore_mem>>
        %dma_start3A = arith.constant 0 : i32
        %dma_start3A_42 = tpu.memref_slice %arg14[%xor3A_15, %dma_start3A] : memref<16x128xf32, #tpu.memory_space<vmem_shared>> -> memref<1x128xf32, #tpu.memory_space<vmem_shared>>
        %dma_start3A_43 = tpu.memref_squeeze %dma_start3A_42 : memref<1x128xf32, #tpu.memory_space<vmem_shared>> -> memref<128xf32, #tpu.memory_space<vmem_shared>>
        %dma_start3A_44 = arith.constant 0 : i32
        %dma_start3A_45 = tpu.memref_slice %arg14[%xor3A_15, %dma_start3A_44] : memref<16x128xf32, #tpu.memory_space<vmem_shared>> -> memref<1x128xf32, #tpu.memory_space<vmem_shared>>
        %dma_start3A_46 = tpu.memref_squeeze %dma_start3A_45 : memref<1x128xf32, #tpu.memory_space<vmem_shared>> -> memref<128xf32, #tpu.memory_space<vmem_shared>>
        tpu.enqueue_dma source(%dma_start3A_46 : memref<128xf32, #tpu.memory_space<vmem_shared>>) target(%arg10 : memref<128xf32, #tpu.memory_space<vmem>>) target_semaphore(%run_scoped3A : memref<!tpu.dma_semaphore, #tpu.memory_space<semaphore_mem>>)
        %dma_wait3A = arith.constant 0 : i32
        %dma_wait3A_47 = tpu.memref_slice %arg14[%xor3A_15, %dma_wait3A] : memref<16x128xf32, #tpu.memory_space<vmem_shared>> -> memref<1x128xf32, #tpu.memory_space<vmem_shared>>
        %dma_wait3A_48 = tpu.memref_squeeze %dma_wait3A_47 : memref<1x128xf32, #tpu.memory_space<vmem_shared>> -> memref<128xf32, #tpu.memory_space<vmem_shared>>
        %dma_wait3A_49 = arith.constant 0 : i32
        %dma_wait3A_50 = tpu.memref_slice %arg14[%xor3A_15, %dma_wait3A_49] : memref<16x128xf32, #tpu.memory_space<vmem_shared>> -> memref<1x128xf32, #tpu.memory_space<vmem_shared>>
        %dma_wait3A_51 = tpu.memref_squeeze %dma_wait3A_50 : memref<1x128xf32, #tpu.memory_space<vmem_shared>> -> memref<128xf32, #tpu.memory_space<vmem_shared>>
        tpu.wait_dma2 semaphore(%run_scoped3A : memref<!tpu.dma_semaphore, #tpu.memory_space<semaphore_mem>>) src(%dma_wait3A_51 : memref<128xf32, #tpu.memory_space<vmem_shared>>) dst(%arg10 : memref<128xf32, #tpu.memory_space<vmem>>)
        tpu.yield
      }) : () -> ()
      %get3A = arith.constant 64 : index
      %get3A_16 = tpu.vector_load %arg9[%get3A] {strides = array<i32>} : memref<128xf32, #tpu.memory_space<vmem>>, vector<16xf32>,
      %get3A_17 = arith.constant 64 : index
      %get3A_18 = tpu.vector_load %arg10[%get3A_17] {strides = array<i32>} : memref<128xf32, #tpu.memory_space<vmem>>, vector<16xf32>,
      %get3A_19 = arith.constant 0 : index
      %get3A_20 = tpu.vector_load %arg9[%get3A_19] {strides = array<i32>} : memref<128xf32, #tpu.memory_space<vmem>>, vector<16xf32>,
      %get3A_21 = arith.constant 16 : index
      %get3A_22 = tpu.vector_load %arg9[%get3A_21] {strides = array<i32>} : memref<128xf32, #tpu.memory_space<vmem>>, vector<16xf32>,
      %get3A_23 = arith.constant 32 : index
      %get3A_24 = tpu.vector_load %arg9[%get3A_23] {strides = array<i32>} : memref<128xf32, #tpu.memory_space<vmem>>, vector<16xf32>,
      %get3A_25 = arith.constant 48 : index
      %get3A_26 = tpu.vector_load %arg9[%get3A_25] {strides = array<i32>} : memref<128xf32, #tpu.memory_space<vmem>>, vector<16xf32>,
      %get3A_27 = arith.constant 0 : index
      %get3A_28 = tpu.vector_load %arg10[%get3A_27] {strides = array<i32>} : memref<128xf32, #tpu.memory_space<vmem>>, vector<16xf32>,
      %get3A_29 = arith.constant 16 : index
      %get3A_30 = tpu.vector_load %arg10[%get3A_29] {strides = array<i32>} : memref<128xf32, #tpu.memory_space<vmem>>, vector<16xf32>,
      %get3A_31 = arith.constant 32 : index
      %get3A_32 = tpu.vector_load %arg10[%get3A_31] {strides = array<i32>} : memref<128xf32, #tpu.memory_space<vmem>>, vector<16xf32>,
      %get3A_33 = arith.constant 48 : index
      %get3A_34 = tpu.vector_load %arg10[%get3A_33] {strides = array<i32>} : memref<128xf32, #tpu.memory_space<vmem>>, vector<16xf32>,
      %scan3A = arith.constant 0 : i32
      %scan3A_35 = arith.constant 16 : i32
      %scan3A_36 = arith.addi %scan3A, %scan3A_35 : i32
      %scan3A_37 = arith.constant 1 : i32
      %scan3A_38 = scf.for %scan3A_42 = %scan3A to %scan3A_36 step %scan3A_37 iter_args(%scan3A_43 = %broadcast_in_dim3A_0) -> (vector<16xf32>)  : i32 {
        %add3A_44 = vector.broadcast %scan3A_42 : i32 to vector<16xi32>
        %add3A_45 = arith.addi %broadcast_in_dim3A_2, %add3A_44 : vector<16xi32>
        %add3A_46 = arith.constant 64 : i32
        %add3A_47 = vector.broadcast %add3A_46 : i32 to vector<16xi32>
        %add3A_48 = arith.addi %add3A_45, %add3A_47 : vector<16xi32>
        %gather3A = tpu.vector_load_idx %arg9[%add3A_48] : memref<128xf32, #tpu.memory_space<vmem>>[vector<16xi32>], vector<16xf32>,
        %add3A_49 = arith.constant 0 : i32
        %add3A_50 = vector.broadcast %add3A_49 : i32 to vector<16xi32>
        %add3A_51 = arith.addi %add3A_45, %add3A_50 : vector<16xi32>
        %gather3A_52 = tpu.vector_load_idx %arg9[%add3A_51] : memref<128xf32, #tpu.memory_space<vmem>>[vector<16xi32>], vector<16xf32>,
        %sub3A = arith.subf %get3A_20, %gather3A_52 : vector<16xf32>
        %sub3A_53 = arith.subf %get3A_28, %gather3A_52 : vector<16xf32>
        %mul3A = arith.mulf %sub3A, %sub3A : vector<16xf32>
        %neg3A = arith.constant 0.000000e+00 : f32
        %neg3A_54 = vector.broadcast %neg3A : f32 to vector<16xf32>
        %neg3A_55 = arith.subf %neg3A_54, %mul3A : vector<16xf32>
        %exp3A = math.exp %neg3A_55 : vector<16xf32>
        %add3A_56 = arith.addf %broadcast_in_dim3A_0, %exp3A : vector<16xf32>
        %mul3A_57 = arith.mulf %sub3A_53, %sub3A_53 : vector<16xf32>
        %neg3A_58 = arith.constant 0.000000e+00 : f32
        %neg3A_59 = vector.broadcast %neg3A_58 : f32 to vector<16xf32>
        %neg3A_60 = arith.subf %neg3A_59, %mul3A_57 : vector<16xf32>
        %exp3A_61 = math.exp %neg3A_60 : vector<16xf32>
        %add3A_62 = arith.addf %broadcast_in_dim3A_0, %exp3A_61 : vector<16xf32>
        %add3A_63 = arith.constant 16 : i32
        %add3A_64 = vector.broadcast %add3A_63 : i32 to vector<16xi32>
        %add3A_65 = arith.addi %add3A_45, %add3A_64 : vector<16xi32>
        %gather3A_66 = tpu.vector_load_idx %arg9[%add3A_65] : memref<128xf32, #tpu.memory_space<vmem>>[vector<16xi32>], vector<16xf32>,
        %sub3A_67 = arith.subf %get3A_22, %gather3A_66 : vector<16xf32>
        %sub3A_68 = arith.subf %get3A_30, %gather3A_66 : vector<16xf32>
        %mul3A_69 = arith.mulf %sub3A_67, %sub3A_67 : vector<16xf32>
        %neg3A_70 = arith.constant 0.000000e+00 : f32
        %neg3A_71 = vector.broadcast %neg3A_70 : f32 to vector<16xf32>
        %neg3A_72 = arith.subf %neg3A_71, %mul3A_69 : vector<16xf32>
        %exp3A_73 = math.exp %neg3A_72 : vector<16xf32>
        %add3A_74 = arith.addf %add3A_56, %exp3A_73 : vector<16xf32>
        %mul3A_75 = arith.mulf %sub3A_68, %sub3A_68 : vector<16xf32>
        %neg3A_76 = arith.constant 0.000000e+00 : f32
        %neg3A_77 = vector.broadcast %neg3A_76 : f32 to vector<16xf32>
        %neg3A_78 = arith.subf %neg3A_77, %mul3A_75 : vector<16xf32>
        %exp3A_79 = math.exp %neg3A_78 : vector<16xf32>
        %add3A_80 = arith.addf %add3A_62, %exp3A_79 : vector<16xf32>
        %add3A_81 = arith.constant 32 : i32
        %add3A_82 = vector.broadcast %add3A_81 : i32 to vector<16xi32>
        %add3A_83 = arith.addi %add3A_45, %add3A_82 : vector<16xi32>
        %gather3A_84 = tpu.vector_load_idx %arg9[%add3A_83] : memref<128xf32, #tpu.memory_space<vmem>>[vector<16xi32>], vector<16xf32>,
        %sub3A_85 = arith.subf %get3A_24, %gather3A_84 : vector<16xf32>
        %sub3A_86 = arith.subf %get3A_32, %gather3A_84 : vector<16xf32>
        %mul3A_87 = arith.mulf %sub3A_85, %sub3A_85 : vector<16xf32>
        %neg3A_88 = arith.constant 0.000000e+00 : f32
        %neg3A_89 = vector.broadcast %neg3A_88 : f32 to vector<16xf32>
        %neg3A_90 = arith.subf %neg3A_89, %mul3A_87 : vector<16xf32>
        %exp3A_91 = math.exp %neg3A_90 : vector<16xf32>
        %add3A_92 = arith.addf %add3A_74, %exp3A_91 : vector<16xf32>
        %mul3A_93 = arith.mulf %sub3A_86, %sub3A_86 : vector<16xf32>
        %neg3A_94 = arith.constant 0.000000e+00 : f32
        %neg3A_95 = vector.broadcast %neg3A_94 : f32 to vector<16xf32>
        %neg3A_96 = arith.subf %neg3A_95, %mul3A_93 : vector<16xf32>
        %exp3A_97 = math.exp %neg3A_96 : vector<16xf32>
        %add3A_98 = arith.addf %add3A_80, %exp3A_97 : vector<16xf32>
        %add3A_99 = arith.constant 48 : i32
        %add3A_100 = vector.broadcast %add3A_99 : i32 to vector<16xi32>
        %add3A_101 = arith.addi %add3A_45, %add3A_100 : vector<16xi32>
        %gather3A_102 = tpu.vector_load_idx %arg9[%add3A_101] : memref<128xf32, #tpu.memory_space<vmem>>[vector<16xi32>], vector<16xf32>,
        %sub3A_103 = arith.subf %get3A_26, %gather3A_102 : vector<16xf32>
        %sub3A_104 = arith.subf %get3A_34, %gather3A_102 : vector<16xf32>
        %mul3A_105 = arith.mulf %sub3A_103, %sub3A_103 : vector<16xf32>
        %neg3A_106 = arith.constant 0.000000e+00 : f32
        %neg3A_107 = vector.broadcast %neg3A_106 : f32 to vector<16xf32>
        %neg3A_108 = arith.subf %neg3A_107, %mul3A_105 : vector<16xf32>
        %exp3A_109 = math.exp %neg3A_108 : vector<16xf32>
        %add3A_110 = arith.addf %add3A_92, %exp3A_109 : vector<16xf32>
        %mul3A_111 = arith.mulf %sub3A_104, %sub3A_104 : vector<16xf32>
        %neg3A_112 = arith.constant 0.000000e+00 : f32
        %neg3A_113 = vector.broadcast %neg3A_112 : f32 to vector<16xf32>
        %neg3A_114 = arith.subf %neg3A_113, %mul3A_111 : vector<16xf32>
        %exp3A_115 = math.exp %neg3A_114 : vector<16xf32>
        %add3A_116 = arith.addf %add3A_98, %exp3A_115 : vector<16xf32>
        %mul3A_117 = arith.mulf %get3A_16, %add3A_110 : vector<16xf32>
        %mul3A_118 = arith.mulf %get3A_18, %add3A_116 : vector<16xf32>
        %add3A_119 = arith.addf %mul3A_117, %mul3A_118 : vector<16xf32>
        %mul3A_120 = arith.mulf %gather3A, %add3A_119 : vector<16xf32>
        %add3A_121 = arith.addf %scan3A_43, %mul3A_120 : vector<16xf32>
        scf.yield %add3A_121 : vector<16xf32>
      }
      %scan3A_39 = arith.constant 16 : i32
      %swap3A = arith.constant 0 : index
      %swap3A_40 = tpu.vector_load %arg11[%swap3A] {strides = array<i32>} : memref<128xf32, #tpu.memory_space<vmem>>, vector<16xf32>,
      tpu.vector_store %arg11[%swap3A], %scan3A_38 {strides = array<i32>} : memref<128xf32, #tpu.memory_space<vmem>>, vector<16xf32>,
      %add3A = arith.constant 8 : i32
      %add3A_41 = arith.addi %arg1, %add3A : i32
      "tpu.region"() ({
        %run_scoped3A = tpu.sem_alloc : memref<!tpu.dma_semaphore, #tpu.memory_space<semaphore_mem>>
        %dma_start3A = arith.constant 0 : i32
        %dma_start3A_42 = tpu.memref_slice %arg14[%add3A_41, %dma_start3A] : memref<16x128xf32, #tpu.memory_space<vmem_shared>> -> memref<1x128xf32, #tpu.memory_space<vmem_shared>>
        %dma_start3A_43 = tpu.memref_squeeze %dma_start3A_42 : memref<1x128xf32, #tpu.memory_space<vmem_shared>> -> memref<128xf32, #tpu.memory_space<vmem_shared>>
        %dma_start3A_44 = arith.constant 0 : i32
        %dma_start3A_45 = tpu.memref_slice %arg14[%add3A_41, %dma_start3A_44] : memref<16x128xf32, #tpu.memory_space<vmem_shared>> -> memref<1x128xf32, #tpu.memory_space<vmem_shared>>
        %dma_start3A_46 = tpu.memref_squeeze %dma_start3A_45 : memref<1x128xf32, #tpu.memory_space<vmem_shared>> -> memref<128xf32, #tpu.memory_space<vmem_shared>>
        tpu.enqueue_dma source(%arg11 : memref<128xf32, #tpu.memory_space<vmem>>) target(%dma_start3A_46 : memref<128xf32, #tpu.memory_space<vmem_shared>>) target_semaphore(%run_scoped3A : memref<!tpu.dma_semaphore, #tpu.memory_space<semaphore_mem>>)
        %dma_wait3A = arith.constant 0 : i32
        %dma_wait3A_47 = tpu.memref_slice %arg14[%add3A_41, %dma_wait3A] : memref<16x128xf32, #tpu.memory_space<vmem_shared>> -> memref<1x128xf32, #tpu.memory_space<vmem_shared>>
        %dma_wait3A_48 = tpu.memref_squeeze %dma_wait3A_47 : memref<1x128xf32, #tpu.memory_space<vmem_shared>> -> memref<128xf32, #tpu.memory_space<vmem_shared>>
        %dma_wait3A_49 = arith.constant 0 : i32
        %dma_wait3A_50 = tpu.memref_slice %arg14[%add3A_41, %dma_wait3A_49] : memref<16x128xf32, #tpu.memory_space<vmem_shared>> -> memref<1x128xf32, #tpu.memory_space<vmem_shared>>
        %dma_wait3A_51 = tpu.memref_squeeze %dma_wait3A_50 : memref<1x128xf32, #tpu.memory_space<vmem_shared>> -> memref<128xf32, #tpu.memory_space<vmem_shared>>
        tpu.wait_dma2 semaphore(%run_scoped3A : memref<!tpu.dma_semaphore, #tpu.memory_space<semaphore_mem>>) src(%arg11 : memref<128xf32, #tpu.memory_space<vmem>>) dst(%dma_wait3A_51 : memref<128xf32, #tpu.memory_space<vmem_shared>>)
        tpu.yield
      }) : () -> ()
    } else {
    }
    %barrier3A_10 = arith.constant 0 : index
    tpu.barrier barrier_id(%barrier3A_10)
    %eq3A = arith.constant 0 : i32
    %eq3A_11 = arith.cmpi eq, %arg1, %eq3A : i32
    %convert_element_type3A_12 = arith.extui %eq3A_11 : i1 to i32
    %cond3A_13 = arith.constant 0 : i32
    %cond3A_14 = arith.cmpi ne, %convert_element_type3A_12, %cond3A_13 : i32
    scf.if %cond3A_14 {
      "tpu.region"() ({
        %run_scoped3A = tpu.sem_alloc : memref<!tpu.dma_semaphore, #tpu.memory_space<semaphore_mem>>
        tpu.enqueue_dma source(%arg14 : memref<16x128xf32, #tpu.memory_space<vmem_shared>>) target(%arg12 : memref<16x128xf32, #tpu.memory_space<vmem>>) target_semaphore(%run_scoped3A : memref<!tpu.dma_semaphore, #tpu.memory_space<semaphore_mem>>)
        tpu.wait_dma2 semaphore(%run_scoped3A : memref<!tpu.dma_semaphore, #tpu.memory_space<semaphore_mem>>) src(%arg14 : memref<16x128xf32, #tpu.memory_space<vmem_shared>>) dst(%arg12 : memref<16x128xf32, #tpu.memory_space<vmem>>)
        tpu.yield
      }) : () -> ()
      %get3A = arith.constant 0 : i32
      %get3A_15 = arith.index_cast %get3A : i32 to index
      %get3A_16 = arith.constant 64 : index
      %get3A_17 = tpu.vector_load %arg12[%get3A_15, %get3A_16] {strides = array<i32>} : memref<16x128xf32, #tpu.memory_space<vmem>>, vector<16xf32>,
      %get3A_18 = arith.constant 1 : i32
      %get3A_19 = arith.index_cast %get3A_18 : i32 to index
      %get3A_20 = arith.constant 64 : index
      %get3A_21 = tpu.vector_load %arg12[%get3A_19, %get3A_20] {strides = array<i32>} : memref<16x128xf32, #tpu.memory_space<vmem>>, vector<16xf32>,
      %reduce_sum3A = arith.constant true
      %reduce_sum3A_22 = vector.broadcast %reduce_sum3A : i1 to vector<16xi1>
      %reduce_sum3A_23 = tpu.scan <sum>, %get3A_17 masked %reduce_sum3A_22 : vector<16xf32>, vector<16xi1> -> vector<16xf32>
      %reduce_sum3A_24 = vector.extract %reduce_sum3A_23[15] : f32 from vector<16xf32>
      %reduce_sum3A_25 = arith.constant true
      %reduce_sum3A_26 = vector.broadcast %reduce_sum3A_25 : i1 to vector<16xi1>
      %reduce_sum3A_27 = tpu.scan <sum>, %get3A_21 masked %reduce_sum3A_26 : vector<16xf32>, vector<16xi1> -> vector<16xf32>
      %reduce_sum3A_28 = vector.extract %reduce_sum3A_27[15] : f32 from vector<16xf32>
      %add3A = arith.addf %reduce_sum3A_24, %reduce_sum3A_28 : f32
      %add3A_29 = vector.broadcast %add3A : f32 to vector<16xf32>
      %add3A_30 = arith.addf %broadcast_in_dim3A_0, %add3A_29 : vector<16xf32>
      %get3A_31 = arith.constant 8 : i32
      %get3A_32 = arith.index_cast %get3A_31 : i32 to index
      %get3A_33 = arith.constant 16 : index
      %get3A_34 = tpu.vector_load %arg12[%get3A_32, %get3A_33] {strides = array<i32>} : memref<16x128xf32, #tpu.memory_space<vmem>>, vector<16xf32>,
      %reduce_sum3A_35 = arith.constant true
      %reduce_sum3A_36 = vector.broadcast %reduce_sum3A_35 : i1 to vector<16xi1>
      %reduce_sum3A_37 = tpu.scan <sum>, %get3A_34 masked %reduce_sum3A_36 : vector<16xf32>, vector<16xi1> -> vector<16xf32>
      %reduce_sum3A_38 = vector.extract %reduce_sum3A_37[15] : f32 from vector<16xf32>
      %get3A_39 = arith.constant 9 : i32
      %get3A_40 = arith.index_cast %get3A_39 : i32 to index
      %get3A_41 = arith.constant 16 : index
      %get3A_42 = tpu.vector_load %arg12[%get3A_40, %get3A_41] {strides = array<i32>} : memref<16x128xf32, #tpu.memory_space<vmem>>, vector<16xf32>,
      %reduce_sum3A_43 = arith.constant true
      %reduce_sum3A_44 = vector.broadcast %reduce_sum3A_43 : i1 to vector<16xi1>
      %reduce_sum3A_45 = tpu.scan <sum>, %get3A_42 masked %reduce_sum3A_44 : vector<16xf32>, vector<16xi1> -> vector<16xf32>
      %reduce_sum3A_46 = vector.extract %reduce_sum3A_45[15] : f32 from vector<16xf32>
      %add3A_47 = arith.addf %reduce_sum3A_38, %reduce_sum3A_46 : f32
      %add3A_48 = vector.broadcast %add3A_47 : f32 to vector<16xf32>
      %add3A_49 = arith.addf %broadcast_in_dim3A_0, %add3A_48 : vector<16xf32>
      %add3A_50 = arith.constant 9.99999997E-7 : f32
      %add3A_51 = vector.broadcast %add3A_50 : f32 to vector<16xf32>
      %add3A_52 = arith.addf %add3A_30, %add3A_51 : vector<16xf32>
      %div3A = arith.divf %add3A_49, %add3A_52 : vector<16xf32>
      %get3A_53 = arith.constant 8 : i32
      %get3A_54 = arith.index_cast %get3A_53 : i32 to index
      %get3A_55 = arith.constant 0 : index
      %get3A_56 = tpu.vector_load %arg12[%get3A_54, %get3A_55] {strides = array<i32>} : memref<16x128xf32, #tpu.memory_space<vmem>>, vector<16xf32>,
      %reduce_sum3A_57 = arith.constant true
      %reduce_sum3A_58 = vector.broadcast %reduce_sum3A_57 : i1 to vector<16xi1>
      %reduce_sum3A_59 = tpu.scan <sum>, %get3A_56 masked %reduce_sum3A_58 : vector<16xf32>, vector<16xi1> -> vector<16xf32>
      %reduce_sum3A_60 = vector.extract %reduce_sum3A_59[15] : f32 from vector<16xf32>
      %get3A_61 = arith.constant 9 : i32
      %get3A_62 = arith.index_cast %get3A_61 : i32 to index
      %get3A_63 = arith.constant 0 : index
      %get3A_64 = tpu.vector_load %arg12[%get3A_62, %get3A_63] {strides = array<i32>} : memref<16x128xf32, #tpu.memory_space<vmem>>, vector<16xf32>,
      %reduce_sum3A_65 = arith.constant true
      %reduce_sum3A_66 = vector.broadcast %reduce_sum3A_65 : i1 to vector<16xi1>
      %reduce_sum3A_67 = tpu.scan <sum>, %get3A_64 masked %reduce_sum3A_66 : vector<16xf32>, vector<16xi1> -> vector<16xf32>
      %reduce_sum3A_68 = vector.extract %reduce_sum3A_67[15] : f32 from vector<16xf32>
      %add3A_69 = arith.addf %reduce_sum3A_60, %reduce_sum3A_68 : f32
      %add3A_70 = vector.broadcast %add3A_69 : f32 to vector<16xf32>
      %add3A_71 = arith.addf %broadcast_in_dim3A_0, %add3A_70 : vector<16xf32>
      %gt3A = arith.constant 1.000000e+00 : f32
      %gt3A_72 = vector.broadcast %gt3A : f32 to vector<16xf32>
      %gt3A_73 = arith.cmpf ogt, %add3A_30, %gt3A_72 : vector<16xf32>
      %sub3A = arith.constant 1.000000e+00 : f32
      %sub3A_74 = vector.broadcast %sub3A : f32 to vector<16xf32>
      %sub3A_75 = arith.subf %add3A_30, %sub3A_74 : vector<16xf32>
      %mul3A = arith.mulf %sub3A_75, %add3A_30 : vector<16xf32>
      %add3A_76 = arith.constant 9.99999997E-7 : f32
      %add3A_77 = vector.broadcast %add3A_76 : f32 to vector<16xf32>
      %add3A_78 = arith.addf %mul3A, %add3A_77 : vector<16xf32>
      %div3A_79 = arith.divf %add3A_71, %add3A_78 : vector<16xf32>
      %select_n3A = arith.select %gt3A_73, %div3A_79, %broadcast_in_dim3A_0 : vector<16xi1>, vector<16xf32>
      %add3A_80 = arith.addf %broadcast_in_dim3A_0, %div3A : vector<16xf32>
      %add3A_81 = arith.addf %broadcast_in_dim3A_0, %select_n3A : vector<16xf32>
      %get3A_82 = arith.constant 2 : i32
      %get3A_83 = arith.index_cast %get3A_82 : i32 to index
      %get3A_84 = arith.constant 64 : index
      %get3A_85 = tpu.vector_load %arg12[%get3A_83, %get3A_84] {strides = array<i32>} : memref<16x128xf32, #tpu.memory_space<vmem>>, vector<16xf32>,
      %get3A_86 = arith.constant 3 : i32
      %get3A_87 = arith.index_cast %get3A_86 : i32 to index
      %get3A_88 = arith.constant 64 : index
      %get3A_89 = tpu.vector_load %arg12[%get3A_87, %get3A_88] {strides = array<i32>} : memref<16x128xf32, #tpu.memory_space<vmem>>, vector<16xf32>,
      %reduce_sum3A_90 = arith.constant true
      %reduce_sum3A_91 = vector.broadcast %reduce_sum3A_90 : i1 to vector<16xi1>
      %reduce_sum3A_92 = tpu.scan <sum>, %get3A_85 masked %reduce_sum3A_91 : vector<16xf32>, vector<16xi1> -> vector<16xf32>
      %reduce_sum3A_93 = vector.extract %reduce_sum3A_92[15] : f32 from vector<16xf32>
      %reduce_sum3A_94 = arith.constant true
      %reduce_sum3A_95 = vector.broadcast %reduce_sum3A_94 : i1 to vector<16xi1>
      %reduce_sum3A_96 = tpu.scan <sum>, %get3A_89 masked %reduce_sum3A_95 : vector<16xf32>, vector<16xi1> -> vector<16xf32>
      %reduce_sum3A_97 = vector.extract %reduce_sum3A_96[15] : f32 from vector<16xf32>
      %add3A_98 = arith.addf %reduce_sum3A_93, %reduce_sum3A_97 : f32
      %add3A_99 = vector.broadcast %add3A_98 : f32 to vector<16xf32>
      %add3A_100 = arith.addf %broadcast_in_dim3A_0, %add3A_99 : vector<16xf32>
      %get3A_101 = arith.constant 10 : i32
      %get3A_102 = arith.index_cast %get3A_101 : i32 to index
      %get3A_103 = arith.constant 16 : index
      %get3A_104 = tpu.vector_load %arg12[%get3A_102, %get3A_103] {strides = array<i32>} : memref<16x128xf32, #tpu.memory_space<vmem>>, vector<16xf32>,
      %reduce_sum3A_105 = arith.constant true
      %reduce_sum3A_106 = vector.broadcast %reduce_sum3A_105 : i1 to vector<16xi1>
      %reduce_sum3A_107 = tpu.scan <sum>, %get3A_104 masked %reduce_sum3A_106 : vector<16xf32>, vector<16xi1> -> vector<16xf32>
      %reduce_sum3A_108 = vector.extract %reduce_sum3A_107[15] : f32 from vector<16xf32>
      %get3A_109 = arith.constant 11 : i32
      %get3A_110 = arith.index_cast %get3A_109 : i32 to index
      %get3A_111 = arith.constant 16 : index
      %get3A_112 = tpu.vector_load %arg12[%get3A_110, %get3A_111] {strides = array<i32>} : memref<16x128xf32, #tpu.memory_space<vmem>>, vector<16xf32>,
      %reduce_sum3A_113 = arith.constant true
      %reduce_sum3A_114 = vector.broadcast %reduce_sum3A_113 : i1 to vector<16xi1>
      %reduce_sum3A_115 = tpu.scan <sum>, %get3A_112 masked %reduce_sum3A_114 : vector<16xf32>, vector<16xi1> -> vector<16xf32>
      %reduce_sum3A_116 = vector.extract %reduce_sum3A_115[15] : f32 from vector<16xf32>
      %add3A_117 = arith.addf %reduce_sum3A_108, %reduce_sum3A_116 : f32
      %add3A_118 = vector.broadcast %add3A_117 : f32 to vector<16xf32>
      %add3A_119 = arith.addf %broadcast_in_dim3A_0, %add3A_118 : vector<16xf32>
      %add3A_120 = arith.constant 9.99999997E-7 : f32
      %add3A_121 = vector.broadcast %add3A_120 : f32 to vector<16xf32>
      %add3A_122 = arith.addf %add3A_100, %add3A_121 : vector<16xf32>
      %div3A_123 = arith.divf %add3A_119, %add3A_122 : vector<16xf32>
      %get3A_124 = arith.constant 10 : i32
      %get3A_125 = arith.index_cast %get3A_124 : i32 to index
      %get3A_126 = arith.constant 0 : index
      %get3A_127 = tpu.vector_load %arg12[%get3A_125, %get3A_126] {strides = array<i32>} : memref<16x128xf32, #tpu.memory_space<vmem>>, vector<16xf32>,
      %reduce_sum3A_128 = arith.constant true
      %reduce_sum3A_129 = vector.broadcast %reduce_sum3A_128 : i1 to vector<16xi1>
      %reduce_sum3A_130 = tpu.scan <sum>, %get3A_127 masked %reduce_sum3A_129 : vector<16xf32>, vector<16xi1> -> vector<16xf32>
      %reduce_sum3A_131 = vector.extract %reduce_sum3A_130[15] : f32 from vector<16xf32>
      %get3A_132 = arith.constant 11 : i32
      %get3A_133 = arith.index_cast %get3A_132 : i32 to index
      %get3A_134 = arith.constant 0 : index
      %get3A_135 = tpu.vector_load %arg12[%get3A_133, %get3A_134] {strides = array<i32>} : memref<16x128xf32, #tpu.memory_space<vmem>>, vector<16xf32>,
      %reduce_sum3A_136 = arith.constant true
      %reduce_sum3A_137 = vector.broadcast %reduce_sum3A_136 : i1 to vector<16xi1>
      %reduce_sum3A_138 = tpu.scan <sum>, %get3A_135 masked %reduce_sum3A_137 : vector<16xf32>, vector<16xi1> -> vector<16xf32>
      %reduce_sum3A_139 = vector.extract %reduce_sum3A_138[15] : f32 from vector<16xf32>
      %add3A_140 = arith.addf %reduce_sum3A_131, %reduce_sum3A_139 : f32
      %add3A_141 = vector.broadcast %add3A_140 : f32 to vector<16xf32>
      %add3A_142 = arith.addf %broadcast_in_dim3A_0, %add3A_141 : vector<16xf32>
      %gt3A_143 = arith.constant 1.000000e+00 : f32
      %gt3A_144 = vector.broadcast %gt3A_143 : f32 to vector<16xf32>
      %gt3A_145 = arith.cmpf ogt, %add3A_100, %gt3A_144 : vector<16xf32>
      %sub3A_146 = arith.constant 1.000000e+00 : f32
      %sub3A_147 = vector.broadcast %sub3A_146 : f32 to vector<16xf32>
      %sub3A_148 = arith.subf %add3A_100, %sub3A_147 : vector<16xf32>
      %mul3A_149 = arith.mulf %sub3A_148, %add3A_100 : vector<16xf32>
      %add3A_150 = arith.constant 9.99999997E-7 : f32
      %add3A_151 = vector.broadcast %add3A_150 : f32 to vector<16xf32>
      %add3A_152 = arith.addf %mul3A_149, %add3A_151 : vector<16xf32>
      %div3A_153 = arith.divf %add3A_142, %add3A_152 : vector<16xf32>
      %select_n3A_154 = arith.select %gt3A_145, %div3A_153, %broadcast_in_dim3A_0 : vector<16xi1>, vector<16xf32>
      %add3A_155 = arith.addf %add3A_80, %div3A_123 : vector<16xf32>
      %add3A_156 = arith.addf %add3A_81, %select_n3A_154 : vector<16xf32>
      %get3A_157 = arith.constant 4 : i32
      %get3A_158 = arith.index_cast %get3A_157 : i32 to index
      %get3A_159 = arith.constant 64 : index
      %get3A_160 = tpu.vector_load %arg12[%get3A_158, %get3A_159] {strides = array<i32>} : memref<16x128xf32, #tpu.memory_space<vmem>>, vector<16xf32>,
      %get3A_161 = arith.constant 5 : i32
      %get3A_162 = arith.index_cast %get3A_161 : i32 to index
      %get3A_163 = arith.constant 64 : index
      %get3A_164 = tpu.vector_load %arg12[%get3A_162, %get3A_163] {strides = array<i32>} : memref<16x128xf32, #tpu.memory_space<vmem>>, vector<16xf32>,
      %reduce_sum3A_165 = arith.constant true
      %reduce_sum3A_166 = vector.broadcast %reduce_sum3A_165 : i1 to vector<16xi1>
      %reduce_sum3A_167 = tpu.scan <sum>, %get3A_160 masked %reduce_sum3A_166 : vector<16xf32>, vector<16xi1> -> vector<16xf32>
      %reduce_sum3A_168 = vector.extract %reduce_sum3A_167[15] : f32 from vector<16xf32>
      %reduce_sum3A_169 = arith.constant true
      %reduce_sum3A_170 = vector.broadcast %reduce_sum3A_169 : i1 to vector<16xi1>
      %reduce_sum3A_171 = tpu.scan <sum>, %get3A_164 masked %reduce_sum3A_170 : vector<16xf32>, vector<16xi1> -> vector<16xf32>
      %reduce_sum3A_172 = vector.extract %reduce_sum3A_171[15] : f32 from vector<16xf32>
      %add3A_173 = arith.addf %reduce_sum3A_168, %reduce_sum3A_172 : f32
      %add3A_174 = vector.broadcast %add3A_173 : f32 to vector<16xf32>
      %add3A_175 = arith.addf %broadcast_in_dim3A_0, %add3A_174 : vector<16xf32>
      %get3A_176 = arith.constant 12 : i32
      %get3A_177 = arith.index_cast %get3A_176 : i32 to index
      %get3A_178 = arith.constant 16 : index
      %get3A_179 = tpu.vector_load %arg12[%get3A_177, %get3A_178] {strides = array<i32>} : memref<16x128xf32, #tpu.memory_space<vmem>>, vector<16xf32>,
      %reduce_sum3A_180 = arith.constant true
      %reduce_sum3A_181 = vector.broadcast %reduce_sum3A_180 : i1 to vector<16xi1>
      %reduce_sum3A_182 = tpu.scan <sum>, %get3A_179 masked %reduce_sum3A_181 : vector<16xf32>, vector<16xi1> -> vector<16xf32>
      %reduce_sum3A_183 = vector.extract %reduce_sum3A_182[15] : f32 from vector<16xf32>
      %get3A_184 = arith.constant 13 : i32
      %get3A_185 = arith.index_cast %get3A_184 : i32 to index
      %get3A_186 = arith.constant 16 : index
      %get3A_187 = tpu.vector_load %arg12[%get3A_185, %get3A_186] {strides = array<i32>} : memref<16x128xf32, #tpu.memory_space<vmem>>, vector<16xf32>,
      %reduce_sum3A_188 = arith.constant true
      %reduce_sum3A_189 = vector.broadcast %reduce_sum3A_188 : i1 to vector<16xi1>
      %reduce_sum3A_190 = tpu.scan <sum>, %get3A_187 masked %reduce_sum3A_189 : vector<16xf32>, vector<16xi1> -> vector<16xf32>
      %reduce_sum3A_191 = vector.extract %reduce_sum3A_190[15] : f32 from vector<16xf32>
      %add3A_192 = arith.addf %reduce_sum3A_183, %reduce_sum3A_191 : f32
      %add3A_193 = vector.broadcast %add3A_192 : f32 to vector<16xf32>
      %add3A_194 = arith.addf %broadcast_in_dim3A_0, %add3A_193 : vector<16xf32>
      %add3A_195 = arith.constant 9.99999997E-7 : f32
      %add3A_196 = vector.broadcast %add3A_195 : f32 to vector<16xf32>
      %add3A_197 = arith.addf %add3A_175, %add3A_196 : vector<16xf32>
      %div3A_198 = arith.divf %add3A_194, %add3A_197 : vector<16xf32>
      %get3A_199 = arith.constant 12 : i32
      %get3A_200 = arith.index_cast %get3A_199 : i32 to index
      %get3A_201 = arith.constant 0 : index
      %get3A_202 = tpu.vector_load %arg12[%get3A_200, %get3A_201] {strides = array<i32>} : memref<16x128xf32, #tpu.memory_space<vmem>>, vector<16xf32>,
      %reduce_sum3A_203 = arith.constant true
      %reduce_sum3A_204 = vector.broadcast %reduce_sum3A_203 : i1 to vector<16xi1>
      %reduce_sum3A_205 = tpu.scan <sum>, %get3A_202 masked %reduce_sum3A_204 : vector<16xf32>, vector<16xi1> -> vector<16xf32>
      %reduce_sum3A_206 = vector.extract %reduce_sum3A_205[15] : f32 from vector<16xf32>
      %get3A_207 = arith.constant 13 : i32
      %get3A_208 = arith.index_cast %get3A_207 : i32 to index
      %get3A_209 = arith.constant 0 : index
      %get3A_210 = tpu.vector_load %arg12[%get3A_208, %get3A_209] {strides = array<i32>} : memref<16x128xf32, #tpu.memory_space<vmem>>, vector<16xf32>,
      %reduce_sum3A_211 = arith.constant true
      %reduce_sum3A_212 = vector.broadcast %reduce_sum3A_211 : i1 to vector<16xi1>
      %reduce_sum3A_213 = tpu.scan <sum>, %get3A_210 masked %reduce_sum3A_212 : vector<16xf32>, vector<16xi1> -> vector<16xf32>
      %reduce_sum3A_214 = vector.extract %reduce_sum3A_213[15] : f32 from vector<16xf32>
      %add3A_215 = arith.addf %reduce_sum3A_206, %reduce_sum3A_214 : f32
      %add3A_216 = vector.broadcast %add3A_215 : f32 to vector<16xf32>
      %add3A_217 = arith.addf %broadcast_in_dim3A_0, %add3A_216 : vector<16xf32>
      %gt3A_218 = arith.constant 1.000000e+00 : f32
      %gt3A_219 = vector.broadcast %gt3A_218 : f32 to vector<16xf32>
      %gt3A_220 = arith.cmpf ogt, %add3A_175, %gt3A_219 : vector<16xf32>
      %sub3A_221 = arith.constant 1.000000e+00 : f32
      %sub3A_222 = vector.broadcast %sub3A_221 : f32 to vector<16xf32>
      %sub3A_223 = arith.subf %add3A_175, %sub3A_222 : vector<16xf32>
      %mul3A_224 = arith.mulf %sub3A_223, %add3A_175 : vector<16xf32>
      %add3A_225 = arith.constant 9.99999997E-7 : f32
      %add3A_226 = vector.broadcast %add3A_225 : f32 to vector<16xf32>
      %add3A_227 = arith.addf %mul3A_224, %add3A_226 : vector<16xf32>
      %div3A_228 = arith.divf %add3A_217, %add3A_227 : vector<16xf32>
      %select_n3A_229 = arith.select %gt3A_220, %div3A_228, %broadcast_in_dim3A_0 : vector<16xi1>, vector<16xf32>
      %add3A_230 = arith.addf %add3A_155, %div3A_198 : vector<16xf32>
      %add3A_231 = arith.addf %add3A_156, %select_n3A_229 : vector<16xf32>
      %get3A_232 = arith.constant 6 : i32
      %get3A_233 = arith.index_cast %get3A_232 : i32 to index
      %get3A_234 = arith.constant 64 : index
      %get3A_235 = tpu.vector_load %arg12[%get3A_233, %get3A_234] {strides = array<i32>} : memref<16x128xf32, #tpu.memory_space<vmem>>, vector<16xf32>,
      %get3A_236 = arith.constant 7 : i32
      %get3A_237 = arith.index_cast %get3A_236 : i32 to index
      %get3A_238 = arith.constant 64 : index
      %get3A_239 = tpu.vector_load %arg12[%get3A_237, %get3A_238] {strides = array<i32>} : memref<16x128xf32, #tpu.memory_space<vmem>>, vector<16xf32>,
      %reduce_sum3A_240 = arith.constant true
      %reduce_sum3A_241 = vector.broadcast %reduce_sum3A_240 : i1 to vector<16xi1>
      %reduce_sum3A_242 = tpu.scan <sum>, %get3A_235 masked %reduce_sum3A_241 : vector<16xf32>, vector<16xi1> -> vector<16xf32>
      %reduce_sum3A_243 = vector.extract %reduce_sum3A_242[15] : f32 from vector<16xf32>
      %reduce_sum3A_244 = arith.constant true
      %reduce_sum3A_245 = vector.broadcast %reduce_sum3A_244 : i1 to vector<16xi1>
      %reduce_sum3A_246 = tpu.scan <sum>, %get3A_239 masked %reduce_sum3A_245 : vector<16xf32>, vector<16xi1> -> vector<16xf32>
      %reduce_sum3A_247 = vector.extract %reduce_sum3A_246[15] : f32 from vector<16xf32>
      %add3A_248 = arith.addf %reduce_sum3A_243, %reduce_sum3A_247 : f32
      %add3A_249 = vector.broadcast %add3A_248 : f32 to vector<16xf32>
      %add3A_250 = arith.addf %broadcast_in_dim3A_0, %add3A_249 : vector<16xf32>
      %get3A_251 = arith.constant 14 : i32
      %get3A_252 = arith.index_cast %get3A_251 : i32 to index
      %get3A_253 = arith.constant 16 : index
      %get3A_254 = tpu.vector_load %arg12[%get3A_252, %get3A_253] {strides = array<i32>} : memref<16x128xf32, #tpu.memory_space<vmem>>, vector<16xf32>,
      %reduce_sum3A_255 = arith.constant true
      %reduce_sum3A_256 = vector.broadcast %reduce_sum3A_255 : i1 to vector<16xi1>
      %reduce_sum3A_257 = tpu.scan <sum>, %get3A_254 masked %reduce_sum3A_256 : vector<16xf32>, vector<16xi1> -> vector<16xf32>
      %reduce_sum3A_258 = vector.extract %reduce_sum3A_257[15] : f32 from vector<16xf32>
      %get3A_259 = arith.constant 15 : i32
      %get3A_260 = arith.index_cast %get3A_259 : i32 to index
      %get3A_261 = arith.constant 16 : index
      %get3A_262 = tpu.vector_load %arg12[%get3A_260, %get3A_261] {strides = array<i32>} : memref<16x128xf32, #tpu.memory_space<vmem>>, vector<16xf32>,
      %reduce_sum3A_263 = arith.constant true
      %reduce_sum3A_264 = vector.broadcast %reduce_sum3A_263 : i1 to vector<16xi1>
      %reduce_sum3A_265 = tpu.scan <sum>, %get3A_262 masked %reduce_sum3A_264 : vector<16xf32>, vector<16xi1> -> vector<16xf32>
      %reduce_sum3A_266 = vector.extract %reduce_sum3A_265[15] : f32 from vector<16xf32>
      %add3A_267 = arith.addf %reduce_sum3A_258, %reduce_sum3A_266 : f32
      %add3A_268 = vector.broadcast %add3A_267 : f32 to vector<16xf32>
      %add3A_269 = arith.addf %broadcast_in_dim3A_0, %add3A_268 : vector<16xf32>
      %add3A_270 = arith.constant 9.99999997E-7 : f32
      %add3A_271 = vector.broadcast %add3A_270 : f32 to vector<16xf32>
      %add3A_272 = arith.addf %add3A_250, %add3A_271 : vector<16xf32>
      %div3A_273 = arith.divf %add3A_269, %add3A_272 : vector<16xf32>
      %get3A_274 = arith.constant 14 : i32
      %get3A_275 = arith.index_cast %get3A_274 : i32 to index
      %get3A_276 = arith.constant 0 : index
      %get3A_277 = tpu.vector_load %arg12[%get3A_275, %get3A_276] {strides = array<i32>} : memref<16x128xf32, #tpu.memory_space<vmem>>, vector<16xf32>,
      %reduce_sum3A_278 = arith.constant true
      %reduce_sum3A_279 = vector.broadcast %reduce_sum3A_278 : i1 to vector<16xi1>
      %reduce_sum3A_280 = tpu.scan <sum>, %get3A_277 masked %reduce_sum3A_279 : vector<16xf32>, vector<16xi1> -> vector<16xf32>
      %reduce_sum3A_281 = vector.extract %reduce_sum3A_280[15] : f32 from vector<16xf32>
      %get3A_282 = arith.constant 15 : i32
      %get3A_283 = arith.index_cast %get3A_282 : i32 to index
      %get3A_284 = arith.constant 0 : index
      %get3A_285 = tpu.vector_load %arg12[%get3A_283, %get3A_284] {strides = array<i32>} : memref<16x128xf32, #tpu.memory_space<vmem>>, vector<16xf32>,
      %reduce_sum3A_286 = arith.constant true
      %reduce_sum3A_287 = vector.broadcast %reduce_sum3A_286 : i1 to vector<16xi1>
      %reduce_sum3A_288 = tpu.scan <sum>, %get3A_285 masked %reduce_sum3A_287 : vector<16xf32>, vector<16xi1> -> vector<16xf32>
      %reduce_sum3A_289 = vector.extract %reduce_sum3A_288[15] : f32 from vector<16xf32>
      %add3A_290 = arith.addf %reduce_sum3A_281, %reduce_sum3A_289 : f32
      %add3A_291 = vector.broadcast %add3A_290 : f32 to vector<16xf32>
      %add3A_292 = arith.addf %broadcast_in_dim3A_0, %add3A_291 : vector<16xf32>
      %gt3A_293 = arith.constant 1.000000e+00 : f32
      %gt3A_294 = vector.broadcast %gt3A_293 : f32 to vector<16xf32>
      %gt3A_295 = arith.cmpf ogt, %add3A_250, %gt3A_294 : vector<16xf32>
      %sub3A_296 = arith.constant 1.000000e+00 : f32
      %sub3A_297 = vector.broadcast %sub3A_296 : f32 to vector<16xf32>
      %sub3A_298 = arith.subf %add3A_250, %sub3A_297 : vector<16xf32>
      %mul3A_299 = arith.mulf %sub3A_298, %add3A_250 : vector<16xf32>
      %add3A_300 = arith.constant 9.99999997E-7 : f32
      %add3A_301 = vector.broadcast %add3A_300 : f32 to vector<16xf32>
      %add3A_302 = arith.addf %mul3A_299, %add3A_301 : vector<16xf32>
      %div3A_303 = arith.divf %add3A_292, %add3A_302 : vector<16xf32>
      %select_n3A_304 = arith.select %gt3A_295, %div3A_303, %broadcast_in_dim3A_0 : vector<16xi1>, vector<16xf32>
      %add3A_305 = arith.addf %add3A_230, %div3A_273 : vector<16xf32>
      %add3A_306 = arith.addf %add3A_231, %select_n3A_304 : vector<16xf32>
      %eq3A_307 = arith.constant 0 : i32
      %eq3A_308 = vector.broadcast %eq3A_307 : i32 to vector<16xi32>
      %eq3A_309 = arith.cmpi eq, %iota3A, %eq3A_308 : vector<16xi32>
      %select_n3A_310 = arith.select %eq3A_309, %add3A_305, %broadcast_in_dim3A_0 : vector<16xi1>, vector<16xf32>
      %eq3A_311 = arith.constant 1 : i32
      %eq3A_312 = vector.broadcast %eq3A_311 : i32 to vector<16xi32>
      %eq3A_313 = arith.cmpi eq, %iota3A, %eq3A_312 : vector<16xi32>
      %select_n3A_314 = arith.select %eq3A_313, %add3A_306, %broadcast_in_dim3A_0 : vector<16xi1>, vector<16xf32>
      %add3A_315 = arith.addf %select_n3A_310, %select_n3A_314 : vector<16xf32>
      %swap3A = arith.constant 0 : index
      %swap3A_316 = tpu.vector_load %arg13[%swap3A] {strides = array<i32>} : memref<16xf32, #tpu.memory_space<vmem>>, vector<16xf32>,
      tpu.vector_store %arg13[%swap3A], %add3A_315 {strides = array<i32>} : memref<16xf32, #tpu.memory_space<vmem>>, vector<16xf32>,
      "tpu.region"() ({
        %run_scoped3A = tpu.sem_alloc : memref<!tpu.dma_semaphore, #tpu.memory_space<semaphore_mem>>
        tpu.enqueue_dma source(%arg13 : memref<16xf32, #tpu.memory_space<vmem>>) target(%arg4 : memref<16xf32, #tpu.memory_space<hbm>>) target_semaphore(%run_scoped3A : memref<!tpu.dma_semaphore, #tpu.memory_space<semaphore_mem>>)
        tpu.wait_dma2 semaphore(%run_scoped3A : memref<!tpu.dma_semaphore, #tpu.memory_space<semaphore_mem>>) src(%arg13 : memref<16xf32, #tpu.memory_space<vmem>>) dst(%arg4 : memref<16xf32, #tpu.memory_space<hbm>>)
        tpu.yield
      }) : () -> ()
    } else {
    }
    return
  }
}

</mosaic_0001>

<sc_bundles>
// kernel: kernel.3.cloned.1.call-start
scs
__scs_entry_jumppad:
0x0: {  	(pc) =	sbr.rel $0x88, $3  }
0x1: {  	(tag) =	ssettag $0x0;
	lr =	simm.s32 $0x1  }
0x2: {  	[smem:$0x3F9F] =	sst lr;
	_ =	strace $0xD0000000  }
0x3: {  	_ = 	snop  }
0x4: {  	_ = 	snop  }
0x5: {  	_ = 	snop  }
0x6: {  	_ = 	snop  }
0x7: {  	_ = 	snop  }
__scs_overlays_trampoline_lowered:
0x8: {  	[smem:$0x3FAE] =	sst s0  }
0x9: {  	[smem:$0x3FAF] =	sst s1  }
0xa: {  	[smem:$0x3FB0] =	sst s2  }
0xb: {  	[smem:$0x3FB1] =	sst s3  }
0xc: {  	[smem:$0x3FB2] =	sst s4  }
0xd: {  	[smem:$0x3FB3] =	sst s5  }
0xe: {  	[smem:$0x3FB4] =	sst s6  }
0xf: {  	[smem:$0x3FB5] =	sst s7  }
0x10: {  	[smem:$0x3FB6] =	sst s8  }
0x11: {  	[smem:$0x3FB7] =	sst s9;
	s0 =	simm.s32 @!p0 $0x0  }
0x12: {  	s1 =	sld [smem:$0x3F9D];
	s0 =	simm.s32 @p0 $0x1  }
0x13: {  	[smem:$0x3FB8] =	sst s0;
	s0 =	simm.s32 @!p1 $0x0  }
0x14: {  	s2 =	sld [smem:$0x3F9C];
	s0 =	simm.s32 @p1 $0x1  }
0x15: {  	[smem:$0x3FB9] =	sst s0;
	s0 =	simm.s32 @!p2 $0x0  }
0x16: {  	s3 =	sld [smem:$0x3FDB];
	s0 =	simm.s32 @p2 $0x1  }
0x17: {  	s4 =	simm.s32 $0x1BF5;
	[smem:$0x3FBB] =	sst s0  }
0x18: {  	s0 =	sld [smem:$0x3F9E];
	_ =	swait.ge [sflag:s4], $0x0  }
0x19: {  	s7 =	sld [smem:$0x3F9F]  }
0x1a: {  	s8 =	sadd.s32 $0xFFFFE003, lr  }
0x1b: {  	s9 =	sadd.s32 $0xFFFFFEF7, lr;
	s5 =	simm.s32 $0xFFFFFFFF;
	p2 =	slt.u32 s8, $0xFFFFF086  }
0x1c: {  	p1 =	slt.u32 s9, $0xF7A;
	s5 =	simm.s32 @!p2 $0x0  }
0x1d: {  	s5 =	simm.s32 @p1 $0x1;
	p0 =	seq.s32 s7, s2  }
0x1e: {  	s7 =	smul.u32 @!p0 $0xF7A, s2;
	p2 =	seq.s32 @!p0 s5, $0x0  }
0x1f: {  	s9 =	smul.u32 $0xF7A, s1;
	s8 =	simm.s32 @!p0 $0x1BF5;
	p2 =	por !p2, p0  }
0x20: {  	[sflag:s8] =	ssyncset.s32 @!p0 $0xFFFFF086;
	s6 =	sadd.s32 @!p0 s3, s7;
	s7 =	simm.s32 @!p0 $0x108  }
0x21: {  	s3 =	sadd.s32 s3, s9;
	s6 =	sadd.s32 @!p0 $0x88, s6;
	s7 =	simm.s32 @p2 $0x1082  }
0x22: {  	[simem:s7], [sflag:s8] =	dma.local @!p0 [hbm:s6], $0xF7A  }
0x23: {  	s9 =	sor.u32 $0xD0000000, s2;
	s6 =	simm.s32 $0x108;
	_ =	swait.ge @!p0 [sflag:s8], $0x0  }
0x24: {  	s3 =	sadd.s32 $0x88, s3;
	s6 =	simm.s32 @!p1 $0x1082;
	[sflag:s4] =	ssyncset.s32 $0xFFFFF086  }
0x25: {  	[simem:s6], [sflag:s4] =	dma.local [hbm:s3], $0xF7A  }
0x26: {  	[smem:$0x3F9F] =	sst s1;
	(tag) =	ssettag s2;
	_ =	strace s9  }
0x27: {  	s1 =	sld [smem:$0x3FAF]  }
0x28: {  	s2 =	sld [smem:$0x3FB0]  }
0x29: {  	s4 =	sld [smem:$0x3FB2]  }
0x2a: {  	p0 =	seq.s32 s5, $0x0;
	s5 =	sld [smem:$0x3FB3]  }
0x2b: {  	s6 =	sld [smem:$0x3FB4]  }
0x2c: {  	s7 =	sld [smem:$0x3FB5]  }
0x2d: {  	s3 =	simm.s32 $0x108;
	s8 =	sld [smem:$0x3FB6]  }
0x2e: {  	s3 =	simm.s32 @!p0 $0x1082;
	s9 =	sld [smem:$0x3FB7]  }
0x2f: {  	lr =	sadd.s32 s0, s3;
	s0 =	sld [smem:$0x3FAE]  }
0x30: {  	s3 =	sld [smem:$0x3FB1]  }
0x31: {  	[smem:$0x3FBA] =	sst s10  }
0x32: {  	s10 =	sld [smem:$0x3FB8];
	_ =	sdelay $0x3  }
0x33: {  	p0 =	seq.s32 s10, $0x1;
	s10 =	sld [smem:$0x3FBA];
	_ =	sdelay $0x3  }
0x34: {  	[smem:$0x3FBA] =	sst s10  }
0x35: {  	s10 =	sld [smem:$0x3FB9];
	_ =	sdelay $0x3  }
0x36: {  	p1 =	seq.s32 s10, $0x1;
	s10 =	sld [smem:$0x3FBA];
	_ =	sdelay $0x3  }
0x37: {  	[smem:$0x3FBA] =	sst s10  }
0x38: {  	s10 =	sld [smem:$0x3FBB]  }
0x39: {  	_ = 	snop;
	(pc) =	sbr.ind lr, $3  }
0x3a: {  	_ = 	snop  }
0x3b: {  	_ = 	snop  }
0x3c: {  	p2 =	seq.s32 s10, $0x1;
	s10 =	sld [smem:$0x3FBA]  }
0x3d: {  	_ =	shalt  }
0x3e: {  	_ =	shalt  }
0x3f: {  	_ =	shalt  }
0x40: {  	_ =	shalt  }
0x41: {  	_ =	shalt  }
0x42: {  	_ =	shalt  }
0x43: {  	_ =	shalt  }
0x44: {  	_ =	shalt  }
0x45: {  	_ =	shalt  }
0x46: {  	_ =	shalt  }
0x47: {  	_ =	shalt  }
0x48: {  	_ =	shalt  }
0x49: {  	_ =	shalt  }
0x4a: {  	_ =	shalt  }
0x4b: {  	_ =	shalt  }
0x4c: {  	_ =	shalt  }
0x4d: {  	_ =	shalt  }
0x4e: {  	_ =	shalt  }
0x4f: {  	_ =	shalt  }
0x50: {  	_ =	shalt  }
0x51: {  	_ =	shalt  }
0x52: {  	_ =	shalt  }
0x53: {  	_ =	shalt  }
0x54: {  	_ =	shalt  }
0x55: {  	_ =	shalt  }
0x56: {  	_ =	shalt  }
0x57: {  	_ =	shalt  }
0x58: {  	_ =	shalt  }
0x59: {  	_ =	shalt  }
0x5a: {  	_ =	shalt  }
0x5b: {  	_ =	shalt  }
0x5c: {  	_ =	shalt  }
0x5d: {  	_ =	shalt  }
0x5e: {  	_ =	shalt  }
0x5f: {  	_ =	shalt  }
0x60: {  	_ =	shalt  }
0x61: {  	_ =	shalt  }
0x62: {  	_ =	shalt  }
0x63: {  	_ =	shalt  }
0x64: {  	_ =	shalt  }
0x65: {  	_ =	shalt  }
0x66: {  	_ =	shalt  }
0x67: {  	_ =	shalt  }
0x68: {  	_ =	shalt  }
0x69: {  	_ =	shalt  }
0x6a: {  	_ =	shalt  }
0x6b: {  	_ =	shalt  }
0x6c: {  	_ =	shalt  }
0x6d: {  	_ =	shalt  }
0x6e: {  	_ =	shalt  }
0x6f: {  	_ =	shalt  }
0x70: {  	_ =	shalt  }
0x71: {  	_ =	shalt  }
0x72: {  	_ =	shalt  }
0x73: {  	_ =	shalt  }
0x74: {  	_ =	shalt  }
0x75: {  	_ =	shalt  }
0x76: {  	_ =	shalt  }
0x77: {  	_ =	shalt  }
0x78: {  	_ =	shalt  }
0x79: {  	_ =	shalt  }
0x7a: {  	_ =	shalt  }
0x7b: {  	_ =	shalt  }
0x7c: {  	_ =	shalt  }
0x7d: {  	_ =	shalt  }
0x7e: {  	_ =	shalt  }
0x7f: {  	_ =	shalt  }
0x80: {  	_ =	shalt  }
0x81: {  	_ =	shalt  }
0x82: {  	_ =	shalt  }
0x83: {  	_ =	shalt  }
0x84: {  	_ =	shalt  }
0x85: {  	_ =	shalt  }
0x86: {  	_ =	shalt  }
0x87: {  	_ =	shalt  }
.Lfunc_end0:
.L_simem_size_0:
called_computation_lowered:
.L_overlay_start_0:
0x88: {  	s0 =	sld [smem:$0x3FD9]  }
0x89: {  	s1 =	sld [smem:$0x3FFE];
	_ =	sdelay $0x3  }
0x8a: {  	s0 =	sadd.s32 s1, s0  }
0x8b: {  	[smem:$0x3FC6] =	sst s0  }
0x8c: {  	_ = 	snop  }
0x8d: {  	s0 =	sld [smem:$0x3FC9];
	(tm) =	ssettm $0x1  }
0x8e: {  	s16 =	sld [smem:$0x3FFB];
	_ =	sdelay $0x3  }
0x8f: {  	_ =	strace s16  }
0x90: {  	s1 =	sld [smem:$0x3FFC];
	_ =	sdelay $0x3  }
0x91: {  	_ =	strace s1  }
0x92: {  	s1 =	sld [smem:$0x3FFD];
	_ =	sdelay $0x3  }
0x93: {  	_ =	strace s1  }
0x94: {  	_ =	strace $0x8FFFFFFF  }
0x95: {  	s17 =	sld [smem:$0x3FDB];
	_ =	sdelay $0x1  }
0x96: {  	s2 =	simm.s32 $_scs_section_size  }
0x97: {  	s3 =	simm.s32 $_size__tile_overlayer_lowered;
	s4 =	simm.s32 $_tile_overlayer_lowered  }
0x98: {  	s20 =	simm.s32 $0x1BFF;
	s19 =	sshll.u32 s4, $0x1;
	s1 =	sadd.s32 s2, s17  }
0x99: {  	s5 =	simm.s32 $0x0;
	s18 =	sshll.u32 s3, $0x1;
	s3 =	sadd.s32 s19, s1  }
0x9a: {  	[timem:s5], [sflag:s20] =	dma.local [hbm:s3], s18  }
0x9b: {  	_ =	swait.ge [sflag:s20], s18  }
0x9c: {  	s2 =	ssub.s32 $0x0, s18;
	[sflag:s20] =	ssyncset.done $0x0  }
0x9d: {  	[sflag:s20] =	ssyncadd.s32 s2;
	_ =	sdelay $0x1  }
0x9e: {  	s21 =	simm.s32 $0x1B8B  }
0x9f: {  	_ =	swait.ge [sflag:s21], $0x1  }
0xa0: {  	[sflag:s21] =	ssyncset.done $0x0  }
0xa1: {  	s23 =	simm.s32 $0x1B8E;
	s22 =	sld [smem:$0x3FFE];
	[sflag:s21] =	ssyncadd.s32 $0xFFFFFFFF  }
0xa2: {  	s24 =	simm.s32 $execute0_lowered;
	[smem:$0x3FD2] =	sst s23  }
0xa3: {  	s3 =	sshll.u32 s24, $0x1;
	_ =	strace $0x80000046;
	[dreg:$0x1] =	wrdreg $0xFFFFFFFF  }
0xa4: {  	s25 =	simm.s32 $_size_execute0_lowered;
	s1 =	sadd.s32 s1, s3;
	[dreg:$0x0] =	wrdreg $0x0  }
0xa5: {  	s3 =	sshll.u32 s25, $0x1;
	[dreg:$0x2] =	wrdreg s1  }
0xa6: {  	[dreg:$0x3] =	wrdreg s3  }
0xa7: {  	[dreg:$0x4] =	wrdreg $0xC0  }
0xa8: {  	_ =	task [dreg:s5], $0x5FFFF  }
0xa9: {  	[dreg:$0x1] =	wrdreg $0xFFFFFFFF  }
0xaa: {  	[dreg:$0x0] =	wrdreg $0x60  }
0xab: {  	[dreg:$0x2] =	wrdreg s0  }
0xac: {  	[dreg:$0x3] =	wrdreg s22  }
0xad: {  	[dreg:$0x4] =	wrdreg $0x28800  }
0xae: {  	[dreg:$0x5] =	wrdreg $0x9  }
0xaf: {  	_ =	task.clear_ibuf [dreg:s5], $0x6FFFF;
	_ =	strace $0x90000046  }
0xb0: {  	s26 =	simm.s32 $0x9;
	_ =	strace $0x80000048  }
0xb1: {  	_ =	swait.ge [sflag:s26], $0x1  }
0xb2: {  	[sflag:s26] =	ssyncadd.s32 $0xFFFFFFFF  }
0xb3: {  	_ =	strace $0x90000048  }
0xb4: {  	_ =	sfence  }
0xb5: {  	s28 =	sld [smem:$0x0];
	_ =	sdelay $0x1  }
0xb6: {  	s29 =	srdreg.scid  }
0xb7: {  	s30 =	sshll.u32 s29, $0xD;
	s31 =	sshrl.u32 s29, $0x2  }
0xb8: {  	s2 =	sand.u32 $0x4000, s30;
	s1 =	sand.u32 $0x1, s29;
	s0 =	sadd.s32 s31, s28  }
0xb9: {  	s1 =	sor.u32 s2, s1;
	s0 =	sshll.u32 s0, $0x11  }
0xba: {  	s0 =	sor.u32 s0, s1  }
0xbb: {  	s0 =	sadd.s32 $0x8F2B, s0  }
0xbc: {  	[sflag:s0] =	ssyncadd.remote.s32 $0x1  }
0xbd: {  	_ =	sfence.sel $0xFFFF  }
0xbe: {  	[dreg:$0x0] =	wrdreg $0xFFFFFFFF;
	(pc) =	sbr.abs _section_cstart, $3  }
0xbf: {  	[dreg:$0x1] =	wrdreg $0xFFFFFFFF  }
0xc0: {  	_ =	task.clear_ibuf [dreg:s5], $0x2FFFF;
	_ =	strace $0x9FFFFFFF  }
0xc1: {  	(tm) =	ssettm $0x7FFFFFFF  }
tec
execute0_lowered:
.L_overlay_start_1:
0x0: {  	(tag) =	ssettag $0x1  }
0x1: {  	s1 =	stileid.u32  }
0x2: {  	p0 =	sgt.u32 s1, $0x7  }
.Ltmp0:
0x3: {  	s5 =	rddreg [dreg:$0x0];
	(pc) =	sbr.rel @p0 .LBB2_10-.Ltmp0, $4  }
0x4: {  	s3 =	rddreg [dreg:$0x1]  }
0x5: {  	s2 =	rddreg [dreg:$0x2];
	s4 =	simm.s32 $0x0  }
0x6: {  	[smem:$0x7FF] =	sst s4  }
0x7: {  	s0 =	rddreg [dreg:$0x3];
	_ =	strace $0x80000047  }
0x8: {  	s6 =	smul.u32 $0x44, s1  }
0x9: {  	s7 =	sadd.s32 $0x600, s3  }
0xa: {  	s29 =	simm.s32 $0x2;
	s6 =	sadd.s32 s7, s6  }
0xb: {  	v0 =	vlaneseq.u32;
	[tilespmem:s4], [sflag:$0x2] =	stream.linear.gather [hbm4b:s6+s4], $0x220, $0x38;
	[tilespmem:$0x2900] =	vst v63  }
0xc: {  	v0 =	vmul.u32 $0x22, v0;
	_ =	swait.ge [sflag:s29], $0x220  }
0xd: {  	[sflag:s29] =	ssyncset.done $0x0  }
0xe: {  	v1 =	vimm.s32 $0x0;
	v2 =	vadd.s32 $0x20, v0;
	[sflag:s29] =	ssyncadd.s32 $0xFFFFFDE0  }
0xf: {  	v3 =	vadd.s32 $0x21, v0;
	[tilespmem:$0x6C0] =	vst v1  }
0x10: {  	[tilespmem:$0x6D0] =	vst v1  }
0x11: {  	[tilespmem:$0x6E0] =	vst v1  }
0x12: {  	[tilespmem:$0x6F0] =	vst v1  }
0x13: {  	v1 =	vld.idx.msk [tilespmem:v2+s4+$0x0], $0xffff  }
0x14: {  	v2 =	vld.idx.msk [tilespmem:v3+s4+$0x0], $0xffff;
	_ =	sdelay $0x4  }
0x15: {  	s30 =	sshrl.u32 s1, $0x1;
	vm0 =	veq.s32 v2, $0x0;
	v2 =	vshll.u32 v1, $0x3  }
0x16: {  	s6 =	smul.u32 $0x440000, s30;
	v3 =	vshrl.u32 v1, $0x1;
	v4 =	vand.u32 $0xFFFFF87F, v1;
	v2 =	vand.u32 $0x400, v2  }
0x17: {  	v1 =	vimm.f32 $1.000000000e+00;
	v3 =	vand.u32 $0x380, v3;
	v2 =	vor.u32 v2, v4  }
0x18: {  	s31 =	sadd.s32 $0x100000, s6;
	v4 =	vsel vm0, $0x0, v1;
	v2 =	vor.u32 v3, v2  }
0x19: {  	s8 =	sadd.s32 $0x210000, s6;
	[tilespmem:$0x1A80] =	vst v4;
	v3 =	vadd.s32 s31, v2  }
0x1a: {  	s9 =	sadd.s32 $0x320000, s6;
	[tilespmem:$0x680] =	vst v3;
	v3 =	vadd.s32 s8, v2  }
0x1b: {  	s10 =	sadd.s32 $0x430000, s6;
	[tilespmem:$0x690] =	vst v3;
	v3 =	vadd.s32 s9, v2  }
0x1c: {  	v2 =	vadd.s32 s10, v2;
	[tilespmem:$0x6A0] =	vst v3;
	v3 =	vor.u32 $0x1, v0  }
0x1d: {  	s11 =	simm.s32 $0x680;
	s7 =	simm.s32 $0x80;
	s9 =	simm.s32 $0xE80;
	[tilespmem:$0x6B0] =	vst v2  }
0x1e: {  	[tilespmem:s9], [sflag:$0x1] =	stream.indirect.gather [hbm4b:s5+s7], $0x1, s11, s7, $0xb8;
	[tilespmem:$0x2900] =	vst v63  }
0x1f: {  	v2 =	vld.idx.msk [tilespmem:v0+s4+$0x0], $0xffff;
	_ =	sdelay $0x1  }
0x20: {  	v3 =	vld.idx.msk [tilespmem:v3+s4+$0x0], $0xffff;
	_ =	sdelay $0x2  }
0x21: {  	v4 =	vshll.u32 v2, $0x3  }
0x22: {  	v5 =	vshrl.u32 v2, $0x1;
	v2 =	vand.u32 $0xFFFFF87F, v2;
	v4 =	vand.u32 $0x400, v4  }
0x23: {  	v2 =	vor.u32 v4, v2;
	vm12 =	veq.s32 v3, $0x0;
	v3 =	vand.u32 $0x380, v5  }
0x24: {  	v4 =	vsel vm12, $0x0, v1;
	v2 =	vor.u32 v3, v2  }
0x25: {  	s12 =	sadd.s32 $0x110000, s6;
	[tilespmem:$0x1280] =	vst v4;
	v3 =	vadd.s32 s6, v2;
	v4 =	vadd.s32 $0x2, v0  }
0x26: {  	s13 =	sadd.s32 $0x220000, s6;
	[tilespmem:$0x280] =	vst v3;
	v3 =	vadd.s32 s12, v2  }
0x27: {  	s14 =	sadd.s32 $0x330000, s6;
	v5 =	vadd.s32 $0x3, v0;
	[tilespmem:$0x290] =	vst v3;
	v3 =	vadd.s32 s13, v2  }
0x28: {  	v2 =	vadd.s32 s14, v2;
	[tilespmem:$0x2A0] =	vst v3  }
0x29: {  	[tilespmem:$0x2B0] =	vst v2  }
0x2a: {  	v2 =	vld.idx.msk [tilespmem:v4+s4+$0x0], $0xffff;
	_ =	sdelay $0x1  }
0x2b: {  	v3 =	vld.idx.msk [tilespmem:v5+s4+$0x0], $0xffff;
	_ =	sdelay $0x2  }
0x2c: {  	v4 =	vshll.u32 v2, $0x3  }
0x2d: {  	v5 =	vshrl.u32 v2, $0x1;
	v2 =	vand.u32 $0xFFFFF87F, v2;
	v4 =	vand.u32 $0x400, v4  }
0x2e: {  	vm13 =	veq.s32 v3, $0x0;
	v3 =	vand.u32 $0x380, v5;
	v2 =	vor.u32 v4, v2  }
0x2f: {  	s15 =	sor.u32 $0x10000, s6;
	v4 =	vsel vm13, $0x0, v1;
	v2 =	vor.u32 v3, v2  }
0x30: {  	s16 =	sadd.s32 $0x120000, s6;
	[tilespmem:$0x1300] =	vst v4;
	v3 =	vadd.s32 s15, v2  }
0x31: {  	s17 =	sadd.s32 $0x230000, s6;
	v4 =	vadd.s32 $0x4, v0;
	[tilespmem:$0x2C0] =	vst v3;
	v3 =	vadd.s32 s16, v2  }
0x32: {  	s18 =	sadd.s32 $0x340000, s6;
	[tilespmem:$0x2D0] =	vst v3;
	v3 =	vadd.s32 s17, v2  }
0x33: {  	v2 =	vadd.s32 s18, v2;
	[tilespmem:$0x2E0] =	vst v3;
	v3 =	vadd.s32 $0x5, v0  }
0x34: {  	s19 =	simm.s32 $0x280;
	s20 =	simm.s32 $0xA80;
	[tilespmem:$0x2F0] =	vst v2  }
0x35: {  	[tilespmem:s20], [sflag:$0x1] =	stream.indirect.gather [hbm4b:s5+s7], $0x1, s19, s7, $0xb8;
	[tilespmem:$0x2900] =	vst v63  }
0x36: {  	v2 =	vld.idx.msk [tilespmem:v4+s4+$0x0], $0xffff;
	_ =	sdelay $0x1  }
0x37: {  	v3 =	vld.idx.msk [tilespmem:v3+s4+$0x0], $0xffff;
	_ =	sdelay $0x2  }
0x38: {  	v4 =	vshll.u32 v2, $0x3  }
0x39: {  	v5 =	vshrl.u32 v2, $0x1;
	v2 =	vand.u32 $0xFFFFF87F, v2;
	v4 =	vand.u32 $0x400, v4  }
0x3a: {  	v2 =	vor.u32 v4, v2;
	vm14 =	veq.s32 v3, $0x0;
	v3 =	vand.u32 $0x380, v5  }
0x3b: {  	s21 =	sor.u32 $0x20000, s6;
	v4 =	vsel vm14, $0x0, v1;
	v2 =	vor.u32 v3, v2  }
0x3c: {  	s22 =	sadd.s32 $0x130000, s6;
	[tilespmem:$0x1380] =	vst v4;
	v3 =	vadd.s32 s21, v2;
	v4 =	vadd.s32 $0x6, v0  }
0x3d: {  	s23 =	sadd.s32 $0x240000, s6;
	[tilespmem:$0x300] =	vst v3;
	v3 =	vadd.s32 s22, v2  }
0x3e: {  	s24 =	sadd.s32 $0x350000, s6;
	v5 =	vadd.s32 $0x7, v0;
	[tilespmem:$0x310] =	vst v3;
	v3 =	vadd.s32 s23, v2  }
0x3f: {  	v2 =	vadd.s32 s24, v2;
	[tilespmem:$0x320] =	vst v3  }
0x40: {  	[tilespmem:$0x330] =	vst v2  }
0x41: {  	v2 =	vld.idx.msk [tilespmem:v4+s4+$0x0], $0xffff;
	_ =	sdelay $0x1  }
0x42: {  	v3 =	vld.idx.msk [tilespmem:v5+s4+$0x0], $0xffff;
	_ =	sdelay $0x2  }
0x43: {  	v4 =	vshll.u32 v2, $0x3  }
0x44: {  	v5 =	vshrl.u32 v2, $0x1;
	v2 =	vand.u32 $0xFFFFF87F, v2;
	v4 =	vand.u32 $0x400, v4  }
0x45: {  	vm15 =	veq.s32 v3, $0x0;
	v3 =	vand.u32 $0x380, v5;
	v2 =	vor.u32 v4, v2  }
0x46: {  	s25 =	sor.u32 $0x30000, s6;
	v4 =	vsel vm15, $0x0, v1;
	v2 =	vor.u32 v3, v2  }
0x47: {  	s26 =	sadd.s32 $0x140000, s6;
	[tilespmem:$0x1400] =	vst v4;
	v3 =	vadd.s32 s25, v2  }
0x48: {  	s28 =	sadd.s32 $0x250000, s6;
	v4 =	vadd.s32 $0x8, v0;
	[tilespmem:$0x340] =	vst v3;
	v3 =	vadd.s32 s26, v2  }
0x49: {  	s29 =	sadd.s32 $0x360000, s6;
	[tilespmem:$0x350] =	vst v3;
	v3 =	vadd.s32 s28, v2  }
0x4a: {  	v2 =	vadd.s32 s29, v2;
	[tilespmem:$0x360] =	vst v3;
	v3 =	vadd.s32 $0x9, v0  }
0x4b: {  	s30 =	simm.s32 $0x300;
	s31 =	simm.s32 $0xB00;
	[tilespmem:$0x370] =	vst v2  }
0x4c: {  	[tilespmem:s31], [sflag:$0x1] =	stream.indirect.gather [hbm4b:s5+s7], $0x1, s30, s7, $0xb8;
	[tilespmem:$0x2900] =	vst v63  }
0x4d: {  	v2 =	vld.idx.msk [tilespmem:v4+s4+$0x0], $0xffff;
	_ =	sdelay $0x1  }
0x4e: {  	v3 =	vld.idx.msk [tilespmem:v3+s4+$0x0], $0xffff;
	_ =	sdelay $0x2  }
0x4f: {  	v4 =	vshll.u32 v2, $0x3  }
0x50: {  	v5 =	vshrl.u32 v2, $0x1;
	v2 =	vand.u32 $0xFFFFF87F, v2;
	v4 =	vand.u32 $0x400, v4  }
0x51: {  	v2 =	vor.u32 v4, v2;
	vm4 =	veq.s32 v3, $0x0;
	v3 =	vand.u32 $0x380, v5  }
0x52: {  	s9 =	sadd.s32 $0x40000, s6;
	v4 =	vsel vm4, $0x0, v1;
	v2 =	vor.u32 v3, v2  }
0x53: {  	s10 =	sadd.s32 $0x150000, s6;
	[tilespmem:$0x1480] =	vst v4;
	v3 =	vadd.s32 s9, v2;
	v4 =	vadd.s32 $0xA, v0  }
0x54: {  	s11 =	sadd.s32 $0x260000, s6;
	[tilespmem:$0x380] =	vst v3;
	v3 =	vadd.s32 s10, v2  }
0x55: {  	s12 =	sadd.s32 $0x370000, s6;
	v5 =	vadd.s32 $0xB, v0;
	[tilespmem:$0x390] =	vst v3;
	v3 =	vadd.s32 s11, v2  }
0x56: {  	v2 =	vadd.s32 s12, v2;
	[tilespmem:$0x3A0] =	vst v3  }
0x57: {  	[tilespmem:$0x3B0] =	vst v2  }
0x58: {  	v2 =	vld.idx.msk [tilespmem:v4+s4+$0x0], $0xffff;
	_ =	sdelay $0x1  }
0x59: {  	v3 =	vld.idx.msk [tilespmem:v5+s4+$0x0], $0xffff;
	_ =	sdelay $0x2  }
0x5a: {  	v4 =	vshll.u32 v2, $0x3  }
0x5b: {  	v5 =	vshrl.u32 v2, $0x1;
	v2 =	vand.u32 $0xFFFFF87F, v2;
	v4 =	vand.u32 $0x400, v4  }
0x5c: {  	vm5 =	veq.s32 v3, $0x0;
	v3 =	vand.u32 $0x380, v5;
	v2 =	vor.u32 v4, v2  }
0x5d: {  	s13 =	sadd.s32 $0x50000, s6;
	v4 =	vsel vm5, $0x0, v1;
	v2 =	vor.u32 v3, v2  }
0x5e: {  	s14 =	sadd.s32 $0x160000, s6;
	[tilespmem:$0x1500] =	vst v4;
	v3 =	vadd.s32 s13, v2  }
0x5f: {  	s15 =	sadd.s32 $0x270000, s6;
	v4 =	vadd.s32 $0xC, v0;
	[tilespmem:$0x3C0] =	vst v3;
	v3 =	vadd.s32 s14, v2  }
0x60: {  	s16 =	sadd.s32 $0x380000, s6;
	[tilespmem:$0x3D0] =	vst v3;
	v3 =	vadd.s32 s15, v2  }
0x61: {  	v2 =	vadd.s32 s16, v2;
	[tilespmem:$0x3E0] =	vst v3;
	v3 =	vadd.s32 $0xD, v0  }
0x62: {  	s17 =	simm.s32 $0x380;
	s18 =	simm.s32 $0xB80;
	[tilespmem:$0x3F0] =	vst v2  }
0x63: {  	[tilespmem:s18], [sflag:$0x1] =	stream.indirect.gather [hbm4b:s5+s7], $0x1, s17, s7, $0xb8;
	[tilespmem:$0x2900] =	vst v63  }
0x64: {  	v2 =	vld.idx.msk [tilespmem:v4+s4+$0x0], $0xffff;
	_ =	sdelay $0x1  }
0x65: {  	v3 =	vld.idx.msk [tilespmem:v3+s4+$0x0], $0xffff;
	_ =	sdelay $0x2  }
0x66: {  	v4 =	vshll.u32 v2, $0x3  }
0x67: {  	v5 =	vshrl.u32 v2, $0x1;
	v2 =	vand.u32 $0xFFFFF87F, v2;
	v4 =	vand.u32 $0x400, v4  }
0x68: {  	v2 =	vor.u32 v4, v2;
	vm6 =	veq.s32 v3, $0x0;
	v3 =	vand.u32 $0x380, v5  }
0x69: {  	s19 =	sadd.s32 $0x60000, s6;
	v4 =	vsel vm6, $0x0, v1;
	v2 =	vor.u32 v3, v2  }
0x6a: {  	s20 =	sadd.s32 $0x170000, s6;
	[tilespmem:$0x1580] =	vst v4;
	v3 =	vadd.s32 s19, v2;
	v4 =	vadd.s32 $0xE, v0  }
0x6b: {  	s21 =	sadd.s32 $0x280000, s6;
	[tilespmem:$0x400] =	vst v3;
	v3 =	vadd.s32 s20, v2  }
0x6c: {  	s22 =	sadd.s32 $0x390000, s6;
	v5 =	vadd.s32 $0xF, v0;
	[tilespmem:$0x410] =	vst v3;
	v3 =	vadd.s32 s21, v2  }
0x6d: {  	v2 =	vadd.s32 s22, v2;
	[tilespmem:$0x420] =	vst v3  }
0x6e: {  	[tilespmem:$0x430] =	vst v2  }
0x6f: {  	v2 =	vld.idx.msk [tilespmem:v4+s4+$0x0], $0xffff;
	_ =	sdelay $0x1  }
0x70: {  	v3 =	vld.idx.msk [tilespmem:v5+s4+$0x0], $0xffff;
	_ =	sdelay $0x2  }
0x71: {  	v4 =	vshll.u32 v2, $0x3  }
0x72: {  	v5 =	vshrl.u32 v2, $0x1;
	v2 =	vand.u32 $0xFFFFF87F, v2;
	v4 =	vand.u32 $0x400, v4  }
0x73: {  	vm7 =	veq.s32 v3, $0x0;
	v3 =	vand.u32 $0x380, v5;
	v2 =	vor.u32 v4, v2  }
0x74: {  	s23 =	sadd.s32 $0x70000, s6;
	v4 =	vsel vm7, $0x0, v1;
	v2 =	vor.u32 v3, v2  }
0x75: {  	s24 =	sadd.s32 $0x180000, s6;
	[tilespmem:$0x1600] =	vst v4;
	v3 =	vadd.s32 s23, v2  }
0x76: {  	s25 =	sadd.s32 $0x290000, s6;
	v4 =	vadd.s32 $0x10, v0;
	[tilespmem:$0x440] =	vst v3;
	v3 =	vadd.s32 s24, v2  }
0x77: {  	s26 =	sadd.s32 $0x3A0000, s6;
	[tilespmem:$0x450] =	vst v3;
	v3 =	vadd.s32 s25, v2  }
0x78: {  	v2 =	vadd.s32 s26, v2;
	[tilespmem:$0x460] =	vst v3;
	v3 =	vadd.s32 $0x11, v0  }
0x79: {  	s28 =	simm.s32 $0x400;
	s29 =	simm.s32 $0xC00;
	[tilespmem:$0x470] =	vst v2  }
0x7a: {  	[tilespmem:s29], [sflag:$0x1] =	stream.indirect.gather [hbm4b:s5+s7], $0x1, s28, s7, $0xb8;
	[tilespmem:$0x2900] =	vst v63  }
0x7b: {  	v2 =	vld.idx.msk [tilespmem:v4+s4+$0x0], $0xffff;
	_ =	sdelay $0x1  }
0x7c: {  	v3 =	vld.idx.msk [tilespmem:v3+s4+$0x0], $0xffff;
	_ =	sdelay $0x2  }
0x7d: {  	v4 =	vshll.u32 v2, $0x3  }
0x7e: {  	v5 =	vshrl.u32 v2, $0x1;
	v2 =	vand.u32 $0xFFFFF87F, v2;
	v4 =	vand.u32 $0x400, v4  }
0x7f: {  	v2 =	vor.u32 v4, v2;
	vm8 =	veq.s32 v3, $0x0;
	v3 =	vand.u32 $0x380, v5  }
0x80: {  	s30 =	sadd.s32 $0x80000, s6;
	v4 =	vsel vm8, $0x0, v1;
	v2 =	vor.u32 v3, v2  }
0x81: {  	s31 =	sadd.s32 $0x190000, s6;
	[tilespmem:$0x1680] =	vst v4;
	v3 =	vadd.s32 s30, v2;
	v4 =	vadd.s32 $0x12, v0  }
0x82: {  	s10 =	sadd.s32 $0x2A0000, s6;
	[tilespmem:$0x480] =	vst v3;
	v3 =	vadd.s32 s31, v2  }
0x83: {  	s11 =	sadd.s32 $0x3B0000, s6;
	v5 =	vadd.s32 $0x13, v0;
	[tilespmem:$0x490] =	vst v3;
	v3 =	vadd.s32 s10, v2  }
0x84: {  	v2 =	vadd.s32 s11, v2;
	[tilespmem:$0x4A0] =	vst v3  }
0x85: {  	[tilespmem:$0x4B0] =	vst v2  }
0x86: {  	v2 =	vld.idx.msk [tilespmem:v4+s4+$0x0], $0xffff;
	_ =	sdelay $0x1  }
0x87: {  	v3 =	vld.idx.msk [tilespmem:v5+s4+$0x0], $0xffff;
	_ =	sdelay $0x2  }
0x88: {  	v4 =	vshll.u32 v2, $0x3  }
0x89: {  	v5 =	vshrl.u32 v2, $0x1;
	v2 =	vand.u32 $0xFFFFF87F, v2;
	v4 =	vand.u32 $0x400, v4  }
0x8a: {  	vm9 =	veq.s32 v3, $0x0;
	v3 =	vand.u32 $0x380, v5;
	v2 =	vor.u32 v4, v2  }
0x8b: {  	s12 =	sadd.s32 $0x90000, s6;
	v4 =	vsel vm9, $0x0, v1;
	v2 =	vor.u32 v3, v2  }
0x8c: {  	s13 =	sadd.s32 $0x1A0000, s6;
	[tilespmem:$0x1700] =	vst v4;
	v3 =	vadd.s32 s12, v2  }
0x8d: {  	s14 =	sadd.s32 $0x2B0000, s6;
	v4 =	vadd.s32 $0x14, v0;
	[tilespmem:$0x4C0] =	vst v3;
	v3 =	vadd.s32 s13, v2  }
0x8e: {  	s15 =	sadd.s32 $0x3C0000, s6;
	[tilespmem:$0x4D0] =	vst v3;
	v3 =	vadd.s32 s14, v2  }
0x8f: {  	v2 =	vadd.s32 s15, v2;
	[tilespmem:$0x4E0] =	vst v3;
	v3 =	vadd.s32 $0x15, v0  }
0x90: {  	s16 =	simm.s32 $0x480;
	s17 =	simm.s32 $0xC80;
	[tilespmem:$0x4F0] =	vst v2  }
0x91: {  	[tilespmem:s17], [sflag:$0x1] =	stream.indirect.gather [hbm4b:s5+s7], $0x1, s16, s7, $0xb8;
	[tilespmem:$0x2900] =	vst v63  }
0x92: {  	v2 =	vld.idx.msk [tilespmem:v4+s4+$0x0], $0xffff;
	_ =	sdelay $0x1  }
0x93: {  	v3 =	vld.idx.msk [tilespmem:v3+s4+$0x0], $0xffff;
	_ =	sdelay $0x2  }
0x94: {  	v4 =	vshll.u32 v2, $0x3  }
0x95: {  	v5 =	vshrl.u32 v2, $0x1;
	v2 =	vand.u32 $0xFFFFF87F, v2;
	v4 =	vand.u32 $0x400, v4  }
0x96: {  	v2 =	vor.u32 v4, v2;
	vm10 =	veq.s32 v3, $0x0;
	v3 =	vand.u32 $0x380, v5  }
0x97: {  	s18 =	sadd.s32 $0xA0000, s6;
	v4 =	vsel vm10, $0x0, v1;
	v2 =	vor.u32 v3, v2  }
0x98: {  	s19 =	sadd.s32 $0x1B0000, s6;
	[tilespmem:$0x1780] =	vst v4;
	v3 =	vadd.s32 s18, v2;
	v4 =	vadd.s32 $0x16, v0  }
0x99: {  	s20 =	sadd.s32 $0x2C0000, s6;
	[tilespmem:$0x500] =	vst v3;
	v3 =	vadd.s32 s19, v2  }
0x9a: {  	s21 =	sadd.s32 $0x3D0000, s6;
	v5 =	vadd.s32 $0x17, v0;
	[tilespmem:$0x510] =	vst v3;
	v3 =	vadd.s32 s20, v2  }
0x9b: {  	v2 =	vadd.s32 s21, v2;
	[tilespmem:$0x520] =	vst v3  }
0x9c: {  	[tilespmem:$0x530] =	vst v2  }
0x9d: {  	v2 =	vld.idx.msk [tilespmem:v4+s4+$0x0], $0xffff;
	_ =	sdelay $0x1  }
0x9e: {  	v3 =	vld.idx.msk [tilespmem:v5+s4+$0x0], $0xffff;
	_ =	sdelay $0x2  }
0x9f: {  	v4 =	vshll.u32 v2, $0x3  }
0xa0: {  	v5 =	vshrl.u32 v2, $0x1;
	v2 =	vand.u32 $0xFFFFF87F, v2;
	v4 =	vand.u32 $0x400, v4  }
0xa1: {  	vm11 =	veq.s32 v3, $0x0;
	v3 =	vand.u32 $0x380, v5;
	v2 =	vor.u32 v4, v2  }
0xa2: {  	s22 =	sadd.s32 $0xB0000, s6;
	v4 =	vsel vm11, $0x0, v1;
	v2 =	vor.u32 v3, v2  }
0xa3: {  	s23 =	sadd.s32 $0x1C0000, s6;
	[tilespmem:$0x1800] =	vst v4;
	v3 =	vadd.s32 s22, v2  }
0xa4: {  	s24 =	sadd.s32 $0x2D0000, s6;
	v4 =	vadd.s32 $0x18, v0;
	[tilespmem:$0x540] =	vst v3;
	v3 =	vadd.s32 s23, v2  }
0xa5: {  	s25 =	sadd.s32 $0x3E0000, s6;
	[tilespmem:$0x550] =	vst v3;
	v3 =	vadd.s32 s24, v2  }
0xa6: {  	v2 =	vadd.s32 s25, v2;
	[tilespmem:$0x560] =	vst v3;
	v3 =	vadd.s32 $0x19, v0  }
0xa7: {  	s26 =	simm.s32 $0x500;
	s28 =	simm.s32 $0xD00;
	[tilespmem:$0x570] =	vst v2  }
0xa8: {  	[tilespmem:s28], [sflag:$0x1] =	stream.indirect.gather [hbm4b:s5+s7], $0x1, s26, s7, $0xb8;
	[tilespmem:$0x2900] =	vst v63  }
0xa9: {  	v2 =	vld.idx.msk [tilespmem:v4+s4+$0x0], $0xffff;
	_ =	sdelay $0x1  }
0xaa: {  	v3 =	vld.idx.msk [tilespmem:v3+s4+$0x0], $0xffff;
	_ =	sdelay $0x2  }
0xab: {  	v4 =	vshll.u32 v2, $0x3  }
0xac: {  	v5 =	vshrl.u32 v2, $0x1;
	v2 =	vand.u32 $0xFFFFF87F, v2;
	v4 =	vand.u32 $0x400, v4  }
0xad: {  	v2 =	vor.u32 v4, v2;
	vm12 =	veq.s32 v3, $0x0;
	v3 =	vand.u32 $0x380, v5  }
0xae: {  	s29 =	sadd.s32 $0xC0000, s6;
	v4 =	vsel vm12, $0x0, v1;
	v2 =	vor.u32 v3, v2  }
0xaf: {  	s30 =	sadd.s32 $0x1D0000, s6;
	[tilespmem:$0x1880] =	vst v4;
	v3 =	vadd.s32 s29, v2;
	v4 =	vadd.s32 $0x1A, v0  }
0xb0: {  	s31 =	sadd.s32 $0x2E0000, s6;
	[tilespmem:$0x580] =	vst v3;
	v3 =	vadd.s32 s30, v2  }
0xb1: {  	s10 =	sadd.s32 $0x3F0000, s6;
	v5 =	vadd.s32 $0x1B, v0;
	[tilespmem:$0x590] =	vst v3;
	v3 =	vadd.s32 s31, v2  }
0xb2: {  	v2 =	vadd.s32 s10, v2;
	[tilespmem:$0x5A0] =	vst v3  }
0xb3: {  	[tilespmem:$0x5B0] =	vst v2  }
0xb4: {  	v2 =	vld.idx.msk [tilespmem:v4+s4+$0x0], $0xffff;
	_ =	sdelay $0x1  }
0xb5: {  	v3 =	vld.idx.msk [tilespmem:v5+s4+$0x0], $0xffff;
	_ =	sdelay $0x2  }
0xb6: {  	v4 =	vshll.u32 v2, $0x3  }
0xb7: {  	v5 =	vshrl.u32 v2, $0x1;
	v2 =	vand.u32 $0xFFFFF87F, v2;
	v4 =	vand.u32 $0x400, v4  }
0xb8: {  	vm13 =	veq.s32 v3, $0x0;
	v3 =	vand.u32 $0x380, v5;
	v2 =	vor.u32 v4, v2  }
0xb9: {  	s11 =	sadd.s32 $0xD0000, s6;
	v4 =	vsel vm13, $0x0, v1;
	v2 =	vor.u32 v3, v2  }
0xba: {  	s12 =	sadd.s32 $0x1E0000, s6;
	[tilespmem:$0x1900] =	vst v4;
	v3 =	vadd.s32 s11, v2  }
0xbb: {  	s13 =	sadd.s32 $0x2F0000, s6;
	v4 =	vadd.s32 $0x1C, v0;
	[tilespmem:$0x5C0] =	vst v3;
	v3 =	vadd.s32 s12, v2  }
0xbc: {  	s14 =	sadd.s32 $0x400000, s6;
	[tilespmem:$0x5D0] =	vst v3;
	v3 =	vadd.s32 s13, v2  }
0xbd: {  	v2 =	vadd.s32 s14, v2;
	[tilespmem:$0x5E0] =	vst v3;
	v3 =	vadd.s32 $0x1D, v0  }
0xbe: {  	s15 =	simm.s32 $0x580;
	s16 =	simm.s32 $0xD80;
	[tilespmem:$0x5F0] =	vst v2  }
0xbf: {  	[tilespmem:s16], [sflag:$0x1] =	stream.indirect.gather [hbm4b:s5+s7], $0x1, s15, s7, $0xb8;
	[tilespmem:$0x2900] =	vst v63  }
0xc0: {  	v2 =	vld.idx.msk [tilespmem:v4+s4+$0x0], $0xffff;
	_ =	sdelay $0x1  }
0xc1: {  	v3 =	vld.idx.msk [tilespmem:v3+s4+$0x0], $0xffff;
	_ =	sdelay $0x2  }
0xc2: {  	v4 =	vshll.u32 v2, $0x3  }
0xc3: {  	v5 =	vshrl.u32 v2, $0x1;
	v2 =	vand.u32 $0xFFFFF87F, v2;
	v4 =	vand.u32 $0x400, v4  }
0xc4: {  	v2 =	vor.u32 v4, v2;
	vm14 =	veq.s32 v3, $0x0;
	v3 =	vand.u32 $0x380, v5  }
0xc5: {  	s17 =	sadd.s32 $0xE0000, s6;
	v4 =	vsel vm14, $0x0, v1;
	v2 =	vor.u32 v3, v2  }
0xc6: {  	s18 =	sadd.s32 $0x1F0000, s6;
	v3 =	vadd.s32 s17, v2;
	[tilespmem:$0x1980] =	vst v4;
	v4 =	vadd.s32 $0x1E, v0  }
0xc7: {  	s19 =	sadd.s32 $0x300000, s6;
	v5 =	vadd.s32 s18, v2;
	[tilespmem:$0x600] =	vst v3  }
0xc8: {  	s20 =	sadd.s32 $0x410000, s6;
	v0 =	vadd.s32 $0x1F, v0;
	v3 =	vadd.s32 s19, v2;
	[tilespmem:$0x610] =	vst v5  }
0xc9: {  	v2 =	vadd.s32 s20, v2;
	[tilespmem:$0x620] =	vst v3  }
0xca: {  	[tilespmem:$0x630] =	vst v2  }
0xcb: {  	v2 =	vld.idx.msk [tilespmem:v4+s4+$0x0], $0xffff;
	_ =	sdelay $0x1  }
0xcc: {  	v0 =	vld.idx.msk [tilespmem:v0+s4+$0x0], $0xffff;
	_ =	sdelay $0x2  }
0xcd: {  	v3 =	vshll.u32 v2, $0x3  }
0xce: {  	v4 =	vshrl.u32 v2, $0x1;
	v2 =	vand.u32 $0xFFFFF87F, v2;
	v3 =	vand.u32 $0x400, v3  }
0xcf: {  	vm15 =	veq.s32 v0, $0x0;
	v0 =	vand.u32 $0x380, v4;
	v2 =	vor.u32 v3, v2  }
0xd0: {  	s21 =	sadd.s32 $0xF0000, s6;
	v1 =	vsel vm15, $0x0, v1;
	v0 =	vor.u32 v0, v2  }
0xd1: {  	s22 =	sadd.s32 $0x200000, s6;
	[tilespmem:$0x1A00] =	vst v1;
	v2 =	vadd.s32 s21, v0  }
0xd2: {  	s23 =	sadd.s32 $0x310000, s6;
	v1 =	vadd.s32 s22, v0;
	[tilespmem:$0x640] =	vst v2  }
0xd3: {  	s6 =	sadd.s32 $0x420000, s6;
	[tilespmem:$0x650] =	vst v1;
	v1 =	vadd.s32 s23, v0  }
0xd4: {  	v0 =	vadd.s32 s6, v0;
	[tilespmem:$0x660] =	vst v1  }
0xd5: {  	s24 =	simm.s32 $0x600;
	s25 =	simm.s32 $0xE00;
	s26 =	simm.s32 $0x1;
	[tilespmem:$0x670] =	vst v0  }
0xd6: {  	[tilespmem:s25], [sflag:$0x1] =	stream.indirect.gather [hbm4b:s5+s7], $0x1, s24, s7, $0xb8;
	[tilespmem:$0x2900] =	vst v63  }
0xd7: {  	_ =	swait.ge [sflag:s26], $0x80  }
0xd8: {  	[sflag:s26] =	ssyncset.done $0x0  }
0xd9: {  	[sflag:s26] =	ssyncadd.s32 $0xFFFFFF80  }
0xda: {  	_ =	swait.ge [sflag:s26], $0x80  }
0xdb: {  	[sflag:s26] =	ssyncset.done $0x0  }
0xdc: {  	[sflag:s26] =	ssyncadd.s32 $0xFFFFFF80  }
0xdd: {  	_ =	swait.ge [sflag:s26], $0x80  }
0xde: {  	[sflag:s26] =	ssyncset.done $0x0  }
0xdf: {  	[sflag:s26] =	ssyncadd.s32 $0xFFFFFF80  }
0xe0: {  	_ =	swait.ge [sflag:s26], $0x80  }
0xe1: {  	[sflag:s26] =	ssyncset.done $0x0  }
0xe2: {  	[sflag:s26] =	ssyncadd.s32 $0xFFFFFF80  }
0xe3: {  	_ =	swait.ge [sflag:s26], $0x80  }
0xe4: {  	[sflag:s26] =	ssyncset.done $0x0  }
0xe5: {  	[sflag:s26] =	ssyncadd.s32 $0xFFFFFF80  }
0xe6: {  	_ =	swait.ge [sflag:s26], $0x80  }
0xe7: {  	[sflag:s26] =	ssyncset.done $0x0  }
0xe8: {  	[sflag:s26] =	ssyncadd.s32 $0xFFFFFF80  }
0xe9: {  	_ =	swait.ge [sflag:s26], $0x80  }
0xea: {  	[sflag:s26] =	ssyncset.done $0x0  }
0xeb: {  	[sflag:s26] =	ssyncadd.s32 $0xFFFFFF80  }
0xec: {  	_ =	swait.ge [sflag:s26], $0x80  }
0xed: {  	[sflag:s26] =	ssyncset.done $0x0  }
0xee: {  	[sflag:s26] =	ssyncadd.s32 $0xFFFFFF80  }
0xef: {  	_ =	swait.ge [sflag:s26], $0x80  }
0xf0: {  	[sflag:s26] =	ssyncset.done $0x0  }
0xf1: {  	s28 =	simm.s32 $0x1280;
	[sflag:s26] =	ssyncadd.s32 $0xFFFFFF80  }
0xf2: {  	s29 =	sand.u32 $0x7C0, s4;
	v4 =	vld [tilespmem:s28+$0x0]  }
0xf3: {  	v3 =	vld [tilespmem:s29+$0xAB0]  }
0xf4: {  	v5 =	vld [tilespmem:s29+$0xA80]  }
0xf5: {  	s3 =	sadd.s32 $0xA00, s3;
	s30 =	sshll.u32 s1, $0x7;
	v7 =	vld [tilespmem:s29+$0xA90]  }
0xf6: {  	v10 =	vimm.f32 $0.0e+00;
	s8 =	simm.s32 $0x1300;
	s31 =	sxor.u32 $0x80, s30;
	s6 =	sadd.s32 s30, s2;
	v1 =	vimm.f32 $0.0e+00;
	v9 =	vld [tilespmem:s29+$0xAA0]  }
0xf7: {  	v8 =	vimm.f32 $0.0e+00;
	v6 =	vimm.f32 $0.0e+00;
	s4 =	sadd.s32 $0x400, s6;
	s5 =	sadd.s32 s31, s2;
	s7 =	simm.s32 $0x40;
	v2 =	vadd.f32 v4, v1  }
.LBB2_2:
0xf8: {  	v0 =	vld [tilespmem:s8+$0x0];
	s9 =	sand.u32 $0x7C0, s7;
	p0 =	sne.s32 s7, $0x400;
	s7 =	sadd.s32 $0x40, s7;
	v11 =	vmul.f32 v3, v4  }
.Ltmp1:
0xf9: {  	v3 =	vld [tilespmem:s9+$0xAB0];
	v12 =	vmul.f32 v5, v4;
	(pc) =	sbr.rel @p0 .LBB2_2-.Ltmp1, $4  }
0xfa: {  	v5 =	vld [tilespmem:s9+$0xA80];
	v13 =	vmul.f32 v7, v4;
	v1 =	vadd.f32 v11, v1  }
0xfb: {  	v7 =	vld [tilespmem:s9+$0xA90];
	v10 =	vadd.f32 v12, v10;
	v11 =	vmul.f32 v9, v4  }
0xfc: {  	v9 =	vld [tilespmem:s9+$0xAA0];
	v8 =	vadd.f32 v13, v8  }
0xfd: {  	s8 =	sadd.s32 $0x80, s8;
	v2 =	vadd.f32 v0, v2;
	v6 =	vadd.f32 v11, v6;
	v4 =	vmov v0  }
0xfe: {  	_ = 	snop  }
0xff: {  	v0 =	vmax.f32 v2, $1.000000000e+00  }
0x100: {  	(erf) = vrcp.f32 v0;
	_ =	sdelay $0x4  }
0x101: {  	v7 =	vmul.f32 v7, v4  }
0x102: {  	v3 =	vmul.f32 v3, v4;
	v5 =	vmul.f32 v5, v4  }
0x103: {  	v9 =	vmul.f32 v9, v4  }
0x104: {  	vm0 =	vgt.f32 v2, $0.0e+00;
	v1 =	vadd.f32 v3, v1;
	v5 =	vadd.f32 v5, v10  }
0x105: {  	v2 =	vimm.f32 $0.0e+00;
	v4 =	vadd.f32 v7, v8;
	v8 =	vadd.f32 v9, v6;
	v7 =	vpop (erf)  }
0x106: {  	v5 =	vmul.f32 v7, v5;
	v3 =	vmul.f32 v1, v7;
	v1 =	vsel vm0, $0x3F800000, v2  }
0x107: {  	v6 =	vmul.f32 v7, v4;
	[tilespmem:$0x1EC0] =	vst v1  }
0x108: {  	v4 =	vmul.f32 v8, v7;
	[tilespmem:$0x1E80] =	vst v5  }
0x109: {  	[tilespmem:$0x1E90] =	vst v6  }
0x10a: {  	[tilespmem:$0x1EA0] =	vst v4  }
0x10b: {  	s7 =	simm.s32 $0x1E80;
	s29 =	simm.s32 $0x0;
	[tilespmem:$0x1EB0] =	vst v3  }
0x10c: {  	[spmem:s6] =	stream.linear.scatter [tilespmem:s7], [sflag:$0x1], $0x80, $0x38;
	[tilespmem:$0x2900] =	vst v63  }
0x10d: {  	s6 =	sand.u32 $0x7C0, s29  }
0x10e: {  	v7 =	vld [tilespmem:s6+$0xA80]  }
0x10f: {  	v8 =	vld [tilespmem:s6+$0xA90];
	_ =	sdelay $0x1  }
0x110: {  	v9 =	vld [tilespmem:s6+$0xAA0]  }
0x111: {  	s30 =	simm.s32 $0x40  }
0x112: {  	s7 =	sand.u32 $0x7C0, s30;
	v10 =	vld [tilespmem:s6+$0xAB0]  }
0x113: {  	v11 =	vld [tilespmem:s7+$0xA80];
	v7 =	vsub.f32 v7, v5;
	v8 =	vsub.f32 v8, v6  }
0x114: {  	v12 =	vld [tilespmem:s7+$0xA90]  }
0x115: {  	s8 =	simm.s32 $0x80;
	v13 =	vld [tilespmem:s7+$0xAA0];
	v9 =	vsub.f32 v9, v4;
	v7 =	vmul.f32 v7, v7;
	v14 =	vmul.f32 v8, v8  }
0x116: {  	v17 =	vld [tilespmem:s7+$0xAB0];
	s6 =	sand.u32 $0x7C0, s8  }
0x117: {  	s31 =	simm.s32 $0x1280;
	v15 =	vsub.f32 v10, v3;
	v10 =	vld [tilespmem:s6+$0xA90];
	v7 =	vadd.f32 v14, v7;
	v14 =	vmul.f32 v9, v9  }
0x118: {  	v16 =	vsub.f32 v11, v5;
	v8 =	vld [tilespmem:s31+$0x0]  }
0x119: {  	v12 =	vsub.f32 v12, v6;
	v9 =	vld [tilespmem:s6+$0xA80];
	v7 =	vadd.f32 v14, v7;
	v14 =	vmul.f32 v15, v15  }
0x11a: {  	v13 =	vsub.f32 v13, v4  }
0x11b: {  	s7 =	simm.s32 $0x1300;
	v11 =	vld [tilespmem:s6+$0xAA0];
	v15 =	vmul.f32 v16, v16;
	v16 =	vmul.f32 v12, v12;
	v12 =	vadd.f32 v14, v7  }
0x11c: {  	s8 =	simm.s32 $0xC0;
	v7 =	vld [tilespmem:s7+$0x0];
	v14 =	vsub.f32 v17, v3  }
.LBB2_4:
0x11d: {  	v17 =	vld [tilespmem:s6+$0xAB0];
	s6 =	sand.u32 $0x7C0, s8;
	v15 =	vadd.f32 v16, v15;
	v13 =	vmul.f32 v13, v13;
	v8 =	vmul.f32 v12, v8;
	p0 =	sne.s32 s8, $0x400  }
.Ltmp2:
0x11e: {  	v12 =	vsub.f32 v9, v5;
	v9 =	vld [tilespmem:s6+$0xA80];
	v16 =	vsub.f32 v10, v6;
	(pc) =	sbr.rel @p0 .LBB2_4-.Ltmp2, $4  }
0x11f: {  	s8 =	sadd.s32 $0x40, s8;
	v14 =	vmul.f32 v14, v14;
	v10 =	vld [tilespmem:s6+$0xA90];
	v18 =	vadd.f32 v13, v15;
	v2 =	vadd.f32 v8, v2  }
0x120: {  	v13 =	vsub.f32 v11, v4  }
0x121: {  	s7 =	sadd.s32 $0x80, s7;
	v15 =	vmul.f32 v12, v12;
	v16 =	vmul.f32 v16, v16;
	v11 =	vld [tilespmem:s6+$0xAA0];
	v12 =	vadd.f32 v14, v18;
	v8 =	vmovc v7  }
0x122: {  	v7 =	vld [tilespmem:s7+$0x0];
	v14 =	vsub.f32 v17, v3  }
0x123: {  	v17 =	vld [tilespmem:s6+$0xAB0]  }
0x124: {  	v5 =	vsub.f32 v9, v5;
	v6 =	vsub.f32 v10, v6  }
0x125: {  	v9 =	vadd.f32 v16, v15;
	v10 =	vmul.f32 v13, v13  }
0x126: {  	v5 =	vmul.f32 v5, v5;
	v4 =	vsub.f32 v11, v4;
	v6 =	vmul.f32 v6, v6  }
0x127: {  	v0 =	vmul.f32 $4.000000000e+00, v0;
	v9 =	vadd.f32 v10, v9;
	v10 =	vmul.f32 v14, v14  }
0x128: {  	s24 =	sadd.s32 $0x80, s7;
	v3 =	vsub.f32 v17, v3;
	v5 =	vadd.f32 v6, v5;
	v4 =	vmul.f32 v4, v4  }
0x129: {  	v6 =	vmul.f32 v12, v8;
	v8 =	vadd.f32 v10, v9;
	v9 =	vld [tilespmem:s24+$0x0]  }
0x12a: {  	(erf) = vrcp.f32 v0;
	v4 =	vadd.f32 v4, v5;
	v3 =	vmul.f32 v3, v3;
	_ =	sdelay $0x1  }
0x12b: {  	v0 =	vadd.f32 v6, v2;
	v2 =	vmul.f32 v8, v7;
	v3 =	vadd.f32 v3, v4;
	_ =	sdelay $0x1  }
0x12c: {  	v0 =	vadd.f32 v2, v0;
	v2 =	vmul.f32 v3, v9;
	_ =	sdelay $0x1  }
0x12d: {  	v0 =	vadd.f32 v2, v0;
	_ =	sdelay $0x1  }
0x12e: {  	v0 =	vmul.f32 v0, v1  }
0x12f: {  	v1 =	vpop (erf)  }
0x130: {  	v0 =	vmul.f32 v0, v1;
	_ =	sdelay $0x1  }
0x131: {  	s25 =	simm.s32 $0x1;
	[tilespmem:$0x1F90] =	vst v0  }
0x132: {  	_ =	swait.ge [sflag:s25], $0x80  }
0x133: {  	[sflag:s25] =	ssyncset.done $0x0  }
0x134: {  	[sflag:s25] =	ssyncadd.s32 $0xFFFFFF80  }
0x135: {  	s26 =	simm.s32 $0x1F00;
	s28 =	simm.s32 $0x2;
	[bflag:$0x0] =	sbarrier.arrive $0xFFFF  }
0x136: {  	[tilespmem:s26], [sflag:$0x2] =	stream.linear.gather [spmem:s5], $0x80, $0x38;
	[tilespmem:$0x2900] =	vst v63  }
0x137: {  	_ =	swait.ge [sflag:s28], $0x80  }
0x138: {  	[sflag:s28] =	ssyncset.done $0x0  }
0x139: {  	[sflag:s28] =	ssyncadd.s32 $0xFFFFFF80  }
0x13a: {  	s29 =	simm.s32 $0x0;
	v5 =	vld [tilespmem:$0x1E80]  }
0x13b: {  	v11 =	vmov s29;
	v2 =	vld [tilespmem:$0x1E90]  }
0x13c: {  	v0 =	vor.u32 $0x30, v11;
	v3 =	vld [tilespmem:$0x1EA0]  }
0x13d: {  	v1 =	vor.u32 $0x20, v11;
	v6 =	vld [tilespmem:$0x1EB0]  }
0x13e: {  	v7 =	vor.u32 $0x10, v11;
	v8 =	vld [tilespmem:$0x1F00]  }
0x13f: {  	s5 =	simm.s32 $0x1E80;
	v9 =	vld [tilespmem:$0x1F30]  }
0x140: {  	v12 =	vld.idx.msk [tilespmem:v11+s5+$0x0], $0xffff  }
0x141: {  	v13 =	vld.idx.msk [tilespmem:v0+s5+$0x0], $0xffff  }
0x142: {  	v1 =	vld.idx.msk [tilespmem:v1+s5+$0x0], $0xffff  }
0x143: {  	v7 =	vld.idx.msk [tilespmem:v7+s5+$0x0], $0xffff  }
0x144: {  	s30 =	simm.s32 $0x1;
	v4 =	vld [tilespmem:$0x1F10]  }
0x145: {  	v10 =	vld [tilespmem:$0x1F20];
	v0 =	vmov s30;
	v14 =	vsub.f32 v5, v12  }
0x146: {  	v15 =	vor.u32 $0x30, v0;
	v17 =	vor.u32 $0x20, v0;
	v12 =	vsub.f32 v8, v12  }
0x147: {  	v16 =	vsub.f32 v6, v13;
	v18 =	vsub.f32 v3, v1;
	v14 =	vmul.f32 v14, v14  }
0x148: {  	v19 =	vor.u32 $0x10, v0;
	v13 =	vsub.f32 v9, v13;
	v20 =	vsub.f32 v2, v7  }
0x149: {  	v7 =	vsub.f32 v4, v7;
	v12 =	vmul.f32 v12, v12;
	v14 =	vsub.f32 $0.0e+00, v14  }
0x14a: {  	v1 =	vsub.f32 v10, v1;
	v16 =	vmul.f32 v16, v16;
	v20 =	vmul.f32 v20, v20  }
0x14b: {  	v7 =	vmul.f32 v7, v7;
	v12 =	vsub.f32 $0.0e+00, v12;
	v14 =	vmul.f32 $1.442695020e+00, v14  }
0x14c: {  	v18 =	vmul.f32 v18, v18;
	v1 =	vmul.f32 v1, v1;
	v20 =	vsub.f32 $0.0e+00, v20  }
0x14d: {  	v17 =	vld.idx.msk [tilespmem:v17+s5+$0x0], $0xffff;
	v7 =	vsub.f32 $0.0e+00, v7;
	v12 =	vmul.f32 $1.442695020e+00, v12;
	(erf) = vpow2.f32 v14  }
0x14e: {  	v13 =	vmul.f32 v13, v13;
	v18 =	vsub.f32 $0.0e+00, v18;
	v20 =	vmul.f32 $1.442695020e+00, v20  }
0x14f: {  	v1 =	vsub.f32 $0.0e+00, v1;
	v7 =	vmul.f32 $1.442695020e+00, v7;
	(erf) = vpow2.f32 v12  }
0x150: {  	v15 =	vld.idx.msk [tilespmem:v15+s5+$0x0], $0xffff;
	v16 =	vsub.f32 $0.0e+00, v16;
	v12 =	vmul.f32 $1.442695020e+00, v18;
	(erf) = vpow2.f32 v20  }
0x151: {  	v13 =	vsub.f32 $0.0e+00, v13;
	v1 =	vmul.f32 $1.442695020e+00, v1;
	v14 =	vld.idx.msk [tilespmem:v0+s5+$0x0], $0xffff;
	(erf) = vpow2.f32 v7  }
0x152: {  	v16 =	vmul.f32 $1.442695020e+00, v16;
	v24 =	vsub.f32 v10, v17;
	(erf) = vpow2.f32 v12  }
0x153: {  	v13 =	vmul.f32 $1.442695020e+00, v13;
	(erf) = vpow2.f32 v1  }
0x154: {  	v24 =	vmul.f32 v24, v24;
	v20 =	vsub.f32 v3, v17;
	v12 =	vld.idx.msk [tilespmem:v19+s5+$0x0], $0xffff;
	(erf) = vpow2.f32 v16  }
0x155: {  	v21 =	vsub.f32 v9, v15;
	v18 =	vor.u32 $0x40, v11;
	(erf) = vpow2.f32 v13  }
0x156: {  	v24 =	vsub.f32 $0.0e+00, v24;
	v20 =	vmul.f32 v20, v20;
	v11 =	vsub.f32 v8, v14;
	v22 =	vpop (erf)  }
0x157: {  	s31 =	simm.s32 $0x2;
	v16 =	vsub.f32 v5, v14;
	v22 =	vadd.f32 $0.0e+00, v22  }
0x158: {  	v7 =	vmov s31;
	v20 =	vsub.f32 $0.0e+00, v20;
	v13 =	vsub.f32 v6, v15;
	v17 =	vpop (erf)  }
0x159: {  	v19 =	vor.u32 $0x30, v7;
	v23 =	vsub.f32 v2, v12;
	v25 =	vadd.f32 $0.0e+00, v17;
	v26 =	vpop (erf)  }
0x15a: {  	v28 =	vsub.f32 v4, v12;
	v29 =	vmul.f32 v13, v13;
	v12 =	vpop (erf);
	v13 =	vadd.f32 v26, v22  }
0x15b: {  	v27 =	vmul.f32 v11, v11;
	v11 =	vld [tilespmem:$0x1EC0];
	v17 =	vmul.f32 v21, v21;
	v21 =	vadd.f32 v12, v25;
	v22 =	vpop (erf)  }
0x15c: {  	v14 =	vor.u32 $0x20, v7;
	v16 =	vmul.f32 v16, v16;
	v12 =	vld [tilespmem:$0x1F40];
	v58 =	vpop (erf);
	v13 =	vadd.f32 v22, v13  }
0x15d: {  	v15 =	vor.u32 $0x10, v7;
	v20 =	vmul.f32 $1.442695020e+00, v20;
	v21 =	vadd.f32 v58, v21;
	v22 =	vpop (erf)  }
0x15e: {  	v16 =	vsub.f32 $0.0e+00, v16;
	v23 =	vmul.f32 v23, v23;
	v61 =	vpop (erf);
	v13 =	vadd.f32 v22, v13  }
0x15f: {  	v59 =	vsub.f32 $0.0e+00, v27;
	v60 =	vmul.f32 v28, v28;
	v21 =	vadd.f32 v61, v21  }
0x160: {  	v16 =	vmul.f32 $1.442695020e+00, v16;
	v22 =	vsub.f32 $0.0e+00, v23;
	v62 =	vmul.f32 v13, v11;
	v13 =	vld.idx.msk [tilespmem:v18+s5+$0x0], $0xffff  }
0x161: {  	v25 =	vmul.f32 $1.442695020e+00, v59;
	v23 =	vsub.f32 $0.0e+00, v60;
	v21 =	vmul.f32 v21, v12  }
0x162: {  	v1 =	vimm.f32 $0.0e+00;
	(erf) = vpow2.f32 v16;
	v63 =	vmul.f32 $1.442695020e+00, v22  }
0x163: {  	v19 =	vld.idx.msk [tilespmem:v19+s5+$0x0], $0xffff;
	(erf) = vpow2.f32 v25;
	v22 =	vmul.f32 $1.442695020e+00, v23;
	v16 =	vadd.f32 v21, v62  }
0x164: {  	s6 =	simm.s32 $0x3;
	v18 =	vld.idx.msk [tilespmem:v7+s5+$0x0], $0xffff;
	v23 =	vsub.f32 $0.0e+00, v29;
	(erf) = vpow2.f32 v63;
	v21 =	vmul.f32 $1.442695020e+00, v24  }
.LBB2_6:
0x165: {  	p0 =	seq.s32 s6, $0xF;
	v24 =	vld.idx.msk [tilespmem:v14+s5+$0x0], $0xffff;
	v14 =	vsub.f32 $0.0e+00, v17;
	(erf) = vpow2.f32 v22;
	v13 =	vmul.f32 v16, v13  }
0x166: {  	v16 =	vld.idx.msk [tilespmem:v15+s5+$0x0], $0xffff;
	v15 =	vmul.f32 $1.442695020e+00, v23;
	(erf) = vpow2.f32 v20  }
0x167: {  	v14 =	vmul.f32 $1.442695020e+00, v14;
	(erf) = vpow2.f32 v21;
	v1 =	vadd.f32 v13, v1  }
0x168: {  	v13 =	vmov s6;
	(erf) = vpow2.f32 v15  }
0x169: {  	v20 =	vor.u32 $0x40, v0;
	v0 =	vmovc v7;
	v17 =	vsub.f32 v5, v18;
	v7 =	vmovc v13;
	(erf) = vpow2.f32 v14  }
0x16a: {  	v13 =	vsub.f32 v8, v18;
	v21 =	vor.u32 $0x30, v7;
	v18 =	vsub.f32 v6, v19  }
0x16b: {  	v14 =	vor.u32 $0x20, v7;
	v19 =	vsub.f32 v9, v19;
	v22 =	vsub.f32 v3, v24;
	v23 =	vpop (erf)  }
0x16c: {  	v15 =	vor.u32 $0x10, v7;
	v24 =	vsub.f32 v10, v24;
	v25 =	vsub.f32 v2, v16;
	v26 =	vpop (erf)  }
0x16d: {  	v31 =	vmul.f32 v17, v17;
	v30 =	vadd.f32 $0.0e+00, v23;
	v26 =	vadd.f32 $0.0e+00, v26;
	v28 =	vpop (erf)  }
0x16e: {  	v13 =	vmul.f32 v13, v13;
	v16 =	vsub.f32 v4, v16;
	v29 =	vmul.f32 v18, v18;
	v18 =	vpop (erf)  }
0x16f: {  	v17 =	vmul.f32 v19, v19;
	v19 =	vadd.f32 v28, v30;
	v18 =	vadd.f32 v18, v26;
	v23 =	vpop (erf)  }
0x170: {  	v22 =	vmul.f32 v22, v22;
	v24 =	vmul.f32 v24, v24;
	v26 =	vsub.f32 $0.0e+00, v31;
	v27 =	vpop (erf)  }
0x171: {  	v25 =	vmul.f32 v25, v25;
	v19 =	vadd.f32 v23, v19;
	v18 =	vadd.f32 v27, v18;
	v23 =	vpop (erf)  }
0x172: {  	v16 =	vmul.f32 v16, v16;
	v22 =	vsub.f32 $0.0e+00, v22;
	v27 =	vsub.f32 $0.0e+00, v13;
	v28 =	vpop (erf)  }
0x173: {  	v26 =	vmul.f32 $1.442695020e+00, v26;
	v19 =	vadd.f32 v23, v19;
	v13 =	vld.idx.msk [tilespmem:v20+s5+$0x0], $0xffff;
	v18 =	vadd.f32 v28, v18  }
.Ltmp3:
0x174: {  	v25 =	vsub.f32 $0.0e+00, v25;
	v23 =	vmul.f32 $1.442695020e+00, v27;
	v20 =	vmul.f32 $1.442695020e+00, v22;
	(pc) =	sbr.rel @!p0 .LBB2_6-.Ltmp3, $4  }
0x175: {  	v16 =	vsub.f32 $0.0e+00, v16;
	v19 =	vmul.f32 v19, v11;
	v27 =	vmul.f32 v18, v12  }
0x176: {  	v24 =	vsub.f32 $0.0e+00, v24;
	v25 =	vmul.f32 $1.442695020e+00, v25;
	(erf) = vpow2.f32 v26  }
0x177: {  	v22 =	vmul.f32 $1.442695020e+00, v16;
	v18 =	vld.idx.msk [tilespmem:v7+s5+$0x0], $0xffff;
	(erf) = vpow2.f32 v23;
	v16 =	vadd.f32 v27, v19  }
0x178: {  	s6 =	sadd.s32 $0x1, s6;
	v23 =	vsub.f32 $0.0e+00, v29;
	v19 =	vld.idx.msk [tilespmem:v21+s5+$0x0], $0xffff;
	v21 =	vmul.f32 $1.442695020e+00, v24;
	(erf) = vpow2.f32 v25  }
0x179: {  	_ =	sdelay $0x3  }
0x17a: {  	v14 =	vld.idx.msk [tilespmem:v14+s5+$0x0], $0xffff  }
0x17b: {  	v17 =	vsub.f32 $0.0e+00, v17;
	(erf) = vpow2.f32 v22;
	v15 =	vld.idx.msk [tilespmem:v15+s5+$0x0], $0xffff  }
0x17c: {  	v41 =	vmul.f32 $1.442695020e+00, v23;
	(erf) = vpow2.f32 v20  }
0x17d: {  	v17 =	vmul.f32 $1.442695020e+00, v17;
	(erf) = vpow2.f32 v21  }
0x17e: {  	(erf) = vpow2.f32 v41;
	v5 =	vsub.f32 v5, v18;
	v8 =	vsub.f32 v8, v18  }
0x17f: {  	(erf) = vpow2.f32 v17;
	v6 =	vsub.f32 v6, v19;
	v9 =	vsub.f32 v9, v19  }
0x180: {  	v3 =	vsub.f32 v3, v14;
	v2 =	vsub.f32 v2, v15;
	v5 =	vmul.f32 v5, v5  }
0x181: {  	v10 =	vsub.f32 v10, v14;
	v8 =	vmul.f32 v8, v8;
	v4 =	vsub.f32 v4, v15  }
0x182: {  	v6 =	vmul.f32 v6, v6;
	v5 =	vsub.f32 $0.0e+00, v5;
	v2 =	vmul.f32 v2, v2  }
0x183: {  	v9 =	vmul.f32 v9, v9;
	v8 =	vsub.f32 $0.0e+00, v8;
	v4 =	vmul.f32 v4, v4  }
0x184: {  	v3 =	vmul.f32 v3, v3;
	v5 =	vmul.f32 $1.442695020e+00, v5;
	v2 =	vsub.f32 $0.0e+00, v2  }
0x185: {  	v10 =	vmul.f32 v10, v10;
	v8 =	vmul.f32 $1.442695020e+00, v8;
	v4 =	vsub.f32 $0.0e+00, v4  }
0x186: {  	v3 =	vsub.f32 $0.0e+00, v3;
	v2 =	vmul.f32 $1.442695020e+00, v2;
	(erf) = vpow2.f32 v5  }
0x187: {  	v42 =	vpop (erf);
	v10 =	vsub.f32 $0.0e+00, v10;
	v4 =	vmul.f32 $1.442695020e+00, v4;
	(erf) = vpow2.f32 v8  }
0x188: {  	v43 =	vpop (erf);
	v6 =	vsub.f32 $0.0e+00, v6;
	v3 =	vmul.f32 $1.442695020e+00, v3;
	(erf) = vpow2.f32 v2  }
0x189: {  	v44 =	vpop (erf);
	v9 =	vsub.f32 $0.0e+00, v9;
	v10 =	vmul.f32 $1.442695020e+00, v10;
	(erf) = vpow2.f32 v4  }
0x18a: {  	v45 =	vpop (erf);
	v6 =	vmul.f32 $1.442695020e+00, v6;
	(erf) = vpow2.f32 v3  }
0x18b: {  	v46 =	vpop (erf);
	v9 =	vmul.f32 $1.442695020e+00, v9;
	(erf) = vpow2.f32 v10  }
0x18c: {  	v47 =	vpop (erf);
	(erf) = vpow2.f32 v6  }
0x18d: {  	v48 =	vpop (erf);
	(erf) = vpow2.f32 v9  }
0x18e: {  	v5 =	vadd.f32 $0.0e+00, v42;
	v8 =	vadd.f32 $0.0e+00, v43;
	v49 =	vpop (erf)  }
0x18f: {  	v50 =	vpop (erf)  }
0x190: {  	v2 =	vadd.f32 v44, v5;
	v4 =	vadd.f32 v45, v8;
	v51 =	vpop (erf)  }
0x191: {  	v0 =	vor.u32 $0x40, v0;
	v52 =	vadd.f32 $0.0e+00, v50;
	v5 =	vadd.f32 $0.0e+00, v51;
	v53 =	vpop (erf)  }
0x192: {  	v2 =	vadd.f32 v46, v2;
	v54 =	vadd.f32 v47, v4;
	v55 =	vpop (erf)  }
0x193: {  	v7 =	vor.u32 $0x40, v7;
	v8 =	vadd.f32 v53, v52;
	v4 =	vadd.f32 v55, v5;
	v56 =	vpop (erf)  }
0x194: {  	v2 =	vadd.f32 v48, v2;
	v3 =	vadd.f32 v49, v54;
	v57 =	vpop (erf)  }
0x195: {  	v5 =	vadd.f32 v56, v8;
	v4 =	vadd.f32 v57, v4;
	v58 =	vpop (erf)  }
0x196: {  	v0 =	vld.idx.msk [tilespmem:v0+s5+$0x0], $0xffff;
	v2 =	vmul.f32 v2, v11;
	v59 =	vpop (erf)  }
0x197: {  	v3 =	vmul.f32 v3, v12;
	v5 =	vadd.f32 v58, v5;
	v4 =	vadd.f32 v59, v4  }
0x198: {  	v60 =	vmul.f32 v16, v13;
	v7 =	vld.idx.msk [tilespmem:v7+s5+$0x0], $0xffff  }
0x199: {  	v2 =	vadd.f32 v3, v2;
	v61 =	vmul.f32 v5, v11;
	v4 =	vmul.f32 v4, v12;
	_ =	sdelay $0x1  }
0x19a: {  	v1 =	vadd.f32 v60, v1;
	v0 =	vmul.f32 v2, v0;
	v62 =	vadd.f32 v4, v61;
	_ =	sdelay $0x1  }
0x19b: {  	v0 =	vadd.f32 v0, v1;
	v63 =	vmul.f32 v62, v7;
	_ =	sdelay $0x1  }
0x19c: {  	v0 =	vadd.f32 v63, v0;
	_ =	sdelay $0x1  }
0x19d: {  	s31 =	simm.s32 $0x1F80;
	[tilespmem:$0x1F80] =	vst v0  }
0x19e: {  	[spmem:s4] =	stream.linear.scatter [tilespmem:s31], [sflag:$0x2], $0x80, $0x38;
	[tilespmem:$0x2900] =	vst v63  }
0x19f: {  	s4 =	simm.s32 $0x2  }
0x1a0: {  	_ =	swait.ge [sflag:s4], $0x80  }
0x1a1: {  	[sflag:s4] =	ssyncset.done $0x0  }
0x1a2: {  	[sflag:s4] =	ssyncadd.s32 $0xFFFFFF80  }
0x1a3: {  	p0 =	sne.s32 s1, $0x0;
	[bflag:$0x0] =	sbarrier.arrive $0xFFFF  }
0x1a4: {  	_ =	sfence.sel @p0 $0x180000  }
0x1a5: {  	[bflag:$0x0] =	sbarrier.arrive @p0 $0xFFFF  }
0x1a6: {  	_ =	strace @p0 $0x90000047  }
0x1a7: {  	[bflag:$0x2] =	sbarrier.arrive @p0 $0xFFFF  }
0x1a8: {  	_ =	shalt @p0  }
.LBB2_8:
0x1a9: {  	s5 =	simm.s32 $0x2000  }
0x1aa: {  	[tilespmem:s5], [sflag:$0x2] =	stream.linear.gather [spmem:s2], $0x800, $0x38;
	[tilespmem:$0x2900] =	vst v63  }
0x1ab: {  	_ =	swait.ge [sflag:s4], $0x800  }
0x1ac: {  	[sflag:s4] =	ssyncset.done $0x0  }
0x1ad: {  	[sflag:s4] =	ssyncadd.s32 $0xFFFFF800  }
0x1ae: {  	v0 =	vld [tilespmem:$0x2040]  }
0x1af: {  	v1 =	vld [tilespmem:$0x20C0]  }
0x1b0: {  	v2 =	vld [tilespmem:$0x2410]  }
0x1b1: {  	v3 =	vld [tilespmem:$0x2490]  }
0x1b2: {  	v4 =	vld [tilespmem:$0x2400]  }
0x1b3: {  	v45 =	vld [tilespmem:$0x2480];
	(xrf2) =	vadd.scan.msk.f32 $0xffff, v0  }
0x1b4: {  	v46 =	vld [tilespmem:$0x2140];
	(xrf2) =	vadd.scan.msk.f32 $0xffff, v1  }
0x1b5: {  	v47 =	vld [tilespmem:$0x21C0];
	(xrf2) =	vadd.scan.msk.f32 $0xffff, v2  }
0x1b6: {  	v48 =	vld [tilespmem:$0x2510];
	(xrf2) =	vadd.scan.msk.f32 $0xffff, v3  }
0x1b7: {  	v49 =	vld [tilespmem:$0x2590];
	(xrf2) =	vadd.scan.msk.f32 $0xffff, v4  }
0x1b8: {  	v50 =	vld [tilespmem:$0x2500];
	(xrf2) =	vadd.scan.msk.f32 $0xffff, v45  }
0x1b9: {  	v51 =	vld [tilespmem:$0x2580];
	(xrf2) =	vadd.scan.msk.f32 $0xffff, v46  }
0x1ba: {  	v52 =	vld [tilespmem:$0x2240];
	(xrf2) =	vadd.scan.msk.f32 $0xffff, v47  }
0x1bb: {  	v53 =	vld [tilespmem:$0x22C0];
	(xrf2) =	vadd.scan.msk.f32 $0xffff, v48  }
0x1bc: {  	v54 =	vld [tilespmem:$0x2610];
	(xrf2) =	vadd.scan.msk.f32 $0xffff, v49  }
0x1bd: {  	v55 =	vld [tilespmem:$0x2690];
	v5, _, _ =	vpop (xrf2);
	(xrf2) =	vadd.scan.msk.f32 $0xffff, v50  }
0x1be: {  	v57 =	vld [tilespmem:$0x2600];
	(v2sf) =	vpush v5, $0xF;
	v56, _, _ =	vpop (xrf2);
	(xrf2) =	vadd.scan.msk.f32 $0xffff, v51  }
0x1bf: {  	v59 =	vld [tilespmem:$0x2680];
	(v2sf) =	vpush v56, $0xF;
	v58, _, _ =	vpop (xrf2);
	(xrf2) =	vadd.scan.msk.f32 $0xffff, v52  }
0x1c0: {  	v61 =	vld [tilespmem:$0x2340];
	(v2sf) =	vpush v58, $0xF;
	v60, _, _ =	vpop (xrf2);
	(xrf2) =	vadd.scan.msk.f32 $0xffff, v53  }
0x1c1: {  	v63 =	vld [tilespmem:$0x23C0];
	(v2sf) =	vpush v60, $0xF;
	v62, _, _ =	vpop (xrf2);
	(xrf2) =	vadd.scan.msk.f32 $0xffff, v54  }
0x1c2: {  	(v2sf) =	vpush v62, $0xF;
	v8, _, _ =	vpop (xrf2);
	(xrf2) =	vadd.scan.msk.f32 $0xffff, v55  }
0x1c3: {  	(v2sf) =	vpush v8, $0xF;
	v9, _, _ =	vpop (xrf2);
	(xrf2) =	vadd.scan.msk.f32 $0xffff, v57  }
0x1c4: {  	(v2sf) =	vpush v9, $0xF;
	v10, _, _ =	vpop (xrf2);
	(xrf2) =	vadd.scan.msk.f32 $0xffff, v59  }
0x1c5: {  	(v2sf) =	vpush v10, $0xF;
	v11, _, _ =	vpop (xrf2);
	(xrf2) =	vadd.scan.msk.f32 $0xffff, v61  }
0x1c6: {  	(v2sf) =	vpush v11, $0xF;
	v12, _, _ =	vpop (xrf2);
	(xrf2) =	vadd.scan.msk.f32 $0xffff, v63  }
0x1c7: {  	v13, _, _ =	vpop (xrf2);
	(v2sf) =	vpush v12, $0xF  }
0x1c8: {  	v14, _, _ =	vpop (xrf2);
	(v2sf) =	vpush v13, $0xF  }
0x1c9: {  	v15, _, _ =	vpop (xrf2);
	(v2sf) =	vpush v14, $0xF  }
0x1ca: {  	v16, _, _ =	vpop (xrf2);
	(v2sf) =	vpush v15, $0xF  }
0x1cb: {  	v17, _, _ =	vpop (xrf2);
	(v2sf) =	vpush v16, $0xF  }
0x1cc: {  	v18, _, _ =	vpop (xrf2);
	(v2sf) =	vpush v17, $0xF  }
0x1cd: {  	s8 =	spop (v2sf);
	(v2sf) =	vpush v18, $0xF;
	v19, _, _ =	vpop (xrf2)  }
0x1ce: {  	s11 =	spop (v2sf);
	(v2sf) =	vpush v19, $0xF;
	v20, _, _ =	vpop (xrf2)  }
0x1cf: {  	s23 =	spop (v2sf);
	(v2sf) =	vpush v20, $0xF;
	v21, _, _ =	vpop (xrf2)  }
0x1d0: {  	v23 =	vld [tilespmem:$0x2710];
	s24 =	spop (v2sf);
	(v2sf) =	vpush v21, $0xF;
	v22, _, _ =	vpop (xrf2)  }
0x1d1: {  	v24 =	vld [tilespmem:$0x2790];
	s6 =	spop (v2sf);
	(v2sf) =	vpush v22, $0xF  }
0x1d2: {  	v25 =	vld [tilespmem:$0x2700];
	s7 =	spop (v2sf)  }
0x1d3: {  	v26 =	vld [tilespmem:$0x2780];
	s12 =	spop (v2sf)  }
0x1d4: {  	s13 =	spop (v2sf)  }
0x1d5: {  	(xrf2) =	vadd.scan.msk.f32 $0xffff, v23;
	s10 =	spop (v2sf)  }
0x1d6: {  	(xrf2) =	vadd.scan.msk.f32 $0xffff, v24;
	s14 =	spop (v2sf)  }
0x1d7: {  	(xrf2) =	vadd.scan.msk.f32 $0xffff, v25;
	s9 =	spop (v2sf)  }
0x1d8: {  	(xrf2) =	vadd.scan.msk.f32 $0xffff, v26;
	s11 =	sadd.f32 s11, s8;
	s15 =	spop (v2sf)  }
0x1d9: {  	s16 =	spop (v2sf)  }
0x1da: {  	v27 =	vmov s11;
	s17 =	spop (v2sf)  }
0x1db: {  	v0 =	vadd.f32 $0.0e+00, v27;
	s25 =	spop (v2sf)  }
0x1dc: {  	s26 =	sadd.f32 s13, s12;
	s28 =	spop (v2sf)  }
0x1dd: {  	v0 =	vbroadcast v0, $0x0;
	s29 =	spop (v2sf)  }
0x1de: {  	v28 =	vmov s26;
	s30 =	spop (v2sf)  }
0x1df: {  	v29, _, _ =	vpop (xrf2);
	v30 =	vadd.f32 $-1.000000000e+00, v0;
	v1 =	vadd.f32 $0.0e+00, v28;
	s16 =	sadd.f32 s17, s16;
	s31 =	spop (v2sf)  }
0x1e0: {  	v31, _, _ =	vpop (xrf2);
	v6 =	vadd.f32 $9.999999970e-07, v0;
	(v2sf) =	vpush v29, $0xF;
	s18 =	spop (v2sf)  }
0x1e1: {  	v33, _, _ =	vpop (xrf2);
	v1 =	vbroadcast v1, $0x0;
	v32 =	vmov s16;
	(v2sf) =	vpush v31, $0xF;
	s19 =	sadd.f32 s18, s31  }
0x1e2: {  	v35, _, _ =	vpop (xrf2);
	v3 =	vmul.f32 v30, v0;
	v5 =	vadd.f32 $0.0e+00, v32;
	(v2sf) =	vpush v33, $0xF  }
0x1e3: {  	v7 =	vadd.f32 $-1.000000000e+00, v1;
	(v2sf) =	vpush v35, $0xF;
	v34 =	vmov s19  }
0x1e4: {  	v5 =	vbroadcast v5, $0x0;
	v4 =	vadd.f32 $0.0e+00, v34  }
0x1e5: {  	(erf) = vrcp.f32 v6;
	v3 =	vadd.f32 $9.999999970e-07, v3;
	v36 =	vmul.f32 v7, v1  }
0x1e6: {  	v37 =	vadd.f32 $9.999999970e-07, v1;
	v38 =	vadd.f32 $-1.000000000e+00, v5;
	v4 =	vbroadcast v4, $0x0  }
0x1e7: {  	(erf) = vrcp.f32 v3;
	v2 =	vadd.f32 $9.999999970e-07, v36  }
0x1e8: {  	(erf) = vrcp.f32 v37;
	v39 =	vmul.f32 v38, v5;
	v40 =	vadd.f32 $-1.000000000e+00, v4  }
0x1e9: {  	(erf) = vrcp.f32 v2;
	v41 =	vadd.f32 $9.999999970e-07, v5  }
0x1ea: {  	s2 =	sadd.f32 s24, s23;
	v2 =	vadd.f32 $9.999999970e-07, v39;
	v3 =	vmul.f32 v40, v4  }
0x1eb: {  	s20 =	sadd.f32 s7, s6;
	(erf) = vrcp.f32 v41;
	v42 =	vadd.f32 $9.999999970e-07, v4  }
0x1ec: {  	s22 =	sadd.f32 s15, s9;
	(erf) = vrcp.f32 v2;
	v44 =	vadd.f32 $9.999999970e-07, v3  }
0x1ed: {  	v43 =	vmov s2;
	v45 =	vmov s20;
	s21 =	sadd.f32 s14, s10;
	(erf) = vrcp.f32 v42  }
0x1ee: {  	v8 =	vmov s22;
	s23 =	sadd.f32 s28, s25;
	v7 =	vadd.f32 $0.0e+00, v43;
	v46 =	vpop (erf);
	(erf) = vrcp.f32 v44  }
0x1ef: {  	vm0 =	vgt.f32 v0, $1.000000000e+00;
	v47 =	vmov s21;
	v50 =	vadd.f32 $0.0e+00, v8;
	s25 =	sadd.f32 s30, s29;
	s24 =	spop (v2sf)  }
0x1f0: {  	v6 =	vmul.f32 v46, v7;
	v9 =	vpop (erf);
	v2 =	vadd.f32 $0.0e+00, v47;
	v3 =	vadd.f32 $0.0e+00, v45;
	s26 =	spop (v2sf)  }
0x1f1: {  	vm1 =	vgt.f32 v1, $1.000000000e+00;
	v52 =	vmov s23;
	v53 =	vmov s25;
	v48 =	vpop (erf);
	s28 =	spop (v2sf)  }
0x1f2: {  	v6 =	vadd.f32 $0.0e+00, v6;
	v2 =	vmul.f32 v48, v2;
	v51 =	vpop (erf);
	s5 =	sadd.f32 s26, s24;
	v49 =	vmul.f32 v9, v3;
	s29 =	spop (v2sf)  }
0x1f3: {  	v54 =	vadd.f32 $0.0e+00, v52;
	v8 =	vadd.f32 $0.0e+00, v53;
	v3 =	vmul.f32 v51, v50;
	s2 =	sadd.f32 s29, s28  }
0x1f4: {  	vm12 =	vgt.f32 v5, $1.000000000e+00;
	v2 =	vadd.f32 v2, v6;
	v55 =	vpop (erf);
	v0 =	vadd.f32 $0.0e+00, v49  }
0x1f5: {  	v59 =	vmov s5;
	v3 =	vnsel vm1, $0x0, v3;
	v56 =	vpop (erf);
	v57 =	vmov s2  }
0x1f6: {  	v0 =	vnsel vm0, $0x0, v0;
	v8 =	vmul.f32 v56, v8;
	v6 =	vadd.f32 $0.0e+00, v57;
	v58 =	vpop (erf)  }
0x1f7: {  	v1 =	vmul.f32 v55, v54;
	v60 =	vadd.f32 $0.0e+00, v59;
	v0 =	vadd.f32 v3, v0;
	v61 =	vpop (erf)  }
0x1f8: {  	vm13 =	vgt.f32 v4, $1.000000000e+00;
	v63 =	vnsel vm12, $0x0, v8;
	v62 =	vmul.f32 v61, v6  }
0x1f9: {  	v1 =	vadd.f32 v1, v2;
	v3 =	vmul.f32 v58, v60;
	v0 =	vadd.f32 v63, v0  }
0x1fa: {  	v2 =	vnsel vm13, $0x0, v62  }
0x1fb: {  	v1 =	vadd.f32 v3, v1;
	v0 =	vadd.f32 v2, v0  }
0x1fc: {  	vm14 =	vmmov $0x1;
	vm15 =	vcmask $0x308  }
0x1fd: {  	v1 =	vnsel vm14, $0x0, v1;
	v0 =	vsel vm15, $0x0, v0  }
0x1fe: {  	v0 =	vadd.f32 v0, v1;
	_ =	sdelay $0x1  }
.Ltmp4:
0x1ff: {  	s30 =	simm.s32 $0x0;
	s31 =	simm.s32 $0x2800;
	[tilespmem:$0x2800] =	vst v0;
	(pc) =	sbr.rel .LBB2_9-.Ltmp4, $4  }
0x200: {  	[hbm4b:s3+s30] =	stream.linear.scatter [tilespmem:s31], [sflag:$0x2], $0x80, $0x38;
	[tilespmem:$0x2900] =	vst v63  }
0x201: {  	_ =	swait.ge [sflag:s4], $0x80  }
0x202: {  	[sflag:s4] =	ssyncset.done $0x0  }
0x203: {  	[sflag:s4] =	ssyncadd.s32 $0xFFFFFF80  }
.LBB2_10:
0x204: {  	[bflag:$0x0] =	sbarrier.arrive $0xFFFF  }
0x205: {  	[bflag:$0x0] =	sbarrier.arrive $0xFFFF  }
.LBB2_9:
0x206: {  	_ =	sfence.sel $0x180000  }
0x207: {  	[bflag:$0x0] =	sbarrier.arrive $0xFFFF  }
0x208: {  	p0 =	sne.s32 s1, $0x0;
	_ =	strace $0x90000047  }
0x209: {  	s0 =	sadd.s32 @!p0 $0x100000, s0;
	[bflag:$0x2] =	sbarrier.arrive $0xFFFF  }
0x20a: {  	[sflag:s0] =	ssyncadd.tile.s32 @!p0 $0x1;
	_ =	shalt  }
.Lfunc_end2:
_tile_overlayer_lowered:
.L_overlay_start_2:
0x20b: {  	(tag) =	ssettag $0x2  }
0x20c: {  	s0 =	rddreg [dreg:$0x0];
	s2 =	stileid.u32  }
0x20d: {  	s1 =	rddreg [dreg:$0x1];
	p0 =	sne.s32 s2, $0x0  }
0x20e: {  	s3 =	rddreg [dreg:$0x2];
	[bflag:$0x3] =	sbarrier.arrive $0xFFFF;
	s2 =	simm.s32 @!p0 $0x1C02  }
0x20f: {  	[timem:s3], [sflag:s2] =	dma.local @!p0 [hbm:s0], s1  }
0x210: {  	s0 =	simm.s32 @!p0 $0x2  }
0x211: {  	_ =	swait.ge @!p0 [sflag:s0], s1  }
0x212: {  	s1 =	ssub.s32 @!p0 $0x0, s1;
	[sflag:s0] =	ssyncset.done @!p0 $0x0  }
0x213: {  	[sflag:s0] =	ssyncadd.s32 @!p0 s1  }
0x214: {  	[bflag:$0x3] =	sbarrier.arrive $0xFFFF  }
0x215: {  	_ =	shalt  }

</sc_bundles>
